<compile_context>
chip_gen: v7x
topology: tpu7x:2x2x1
jax: 0.10.2.dev20260603
libtpu: 0.0.44.dev20260713+nightly
codegen_flags: <defaults>
</compile_context>

<pallas_src>
import functools

import jax
import jax.numpy as jnp
from jax import lax
from jax.experimental import pallas as pl
from jax.experimental.pallas import tpu as pltpu
from jax.experimental.pallas import tpu_sc as plsc

N = 10000
E = 320000
NUM_HE = 10000
G = 16
NHID = 128
NMACRO = 512
NEG_SLOPE = 0.1

NC = 2
NS = 16
NW = NC * NS
PPW = E // NW
CHUNK = 128
RPT = (N // NS) // 8 * 8
EXTRA = N - NS * RPT

def _lrelu(v):
    return jnp.where(v > 0, v, NEG_SLOPE * v)


NCHK1 = -(-PPW // CHUNK)
PAD1 = NCHK1 * CHUNK - PPW
SENT1 = N
RPTW = 640
ACC1 = NS * RPTW


def _sc_counts_body(nd_idx, he_idx, pin4, ones_h, mc_idx, z1,
                    f0_o0, f1_o0, f2_o0, f3_o0, ct_o0,
                    f0_o1, f1_o1, f2_o1, f3_o1, ct_o1,
                    nd_o0, nd_o1, mc_o0, mc_o1,
                    ndb, heb, pfb, mb, onesb,
                    af0, af1, af2, af3, act, acc_nd, acc_mc):
    c = lax.axis_index("c")
    s = lax.axis_index("s")
    wid = s * NC + c

    pltpu.sync_copy(nd_idx.at[wid], ndb)
    pltpu.sync_copy(he_idx.at[wid], heb)
    pltpu.sync_copy(pin4.at[wid], pfb)
    pltpu.sync_copy(ones_h, onesb)
    pltpu.sync_copy(mc_idx.at[pl.ds(wid * 16, 16)], mb.at[0])

    sl = pl.ds(s * RPTW, RPTW)
    for a in (af0, af1, af2, af3, act, acc_nd, acc_mc):
        pltpu.sync_copy(z1, a.at[sl])

    plsc.subcore_barrier()

    @pl.loop(0, NCHK1)
    def _pins(i):
        pltpu.sync_copy(pfb.at[0, i], af0.at[heb.at[i]], add=True)
        pltpu.sync_copy(pfb.at[1, i], af1.at[heb.at[i]], add=True)
        pltpu.sync_copy(pfb.at[2, i], af2.at[heb.at[i]], add=True)
        pltpu.sync_copy(pfb.at[3, i], af3.at[heb.at[i]], add=True)
        pltpu.sync_copy(onesb, act.at[heb.at[i]], add=True)
        pltpu.sync_copy(onesb, acc_nd.at[ndb.at[i]], add=True)

    pltpu.sync_copy(onesb.at[pl.ds(0, 16)], acc_mc.at[mb.at[0]], add=True)

    plsc.subcore_barrier()

    @pl.when(c == 0)
    def _w0():
        for a, o in ((af0, f0_o0), (af1, f1_o0), (af2, f2_o0), (af3, f3_o0),
                     (act, ct_o0), (acc_nd, nd_o0), (acc_mc, mc_o0)):
            pltpu.sync_copy(a.at[sl], o.at[sl])

    @pl.when(c == 1)
    def _w1():
        for a, o in ((af0, f0_o1), (af1, f1_o1), (af2, f2_o1), (af3, f3_o1),
                     (act, ct_o1), (acc_nd, nd_o1), (acc_mc, mc_o1)):
            pltpu.sync_copy(a.at[sl], o.at[sl])


def _sc_spmm_body(table, gidx, sidx, zinit, out,
                  gb, sb0, sb1, rows0, rows1, acc, sem0, sem1):
    c = lax.axis_index("c")
    s = lax.axis_index("s")
    wid = s * NC + c
    pltpu.sync_copy(gidx.at[wid], gb)
    pltpu.sync_copy(zinit, acc.at[pl.ds(s * RPT, RPT)])

    @pl.when(s == 0)
    def _init_extra():
        pltpu.sync_copy(zinit.at[pl.ds(0, EXTRA)], acc.at[pl.ds(NS * RPT, EXTRA)])

    plsc.subcore_barrier()

    pltpu.async_copy(table.at[gb.at[0]], rows0, sem0)
    pltpu.sync_copy(sidx.at[wid, 0], sb0.at[0])

    @pl.loop(0, NCHK1 // 2)
    def _pairs(p):
        i0 = 2 * p
        pltpu.async_copy(table.at[gb.at[i0 + 1]], rows1, sem1)
        pltpu.sync_copy(sidx.at[wid, i0 + 1], sb1.at[0])
        pltpu.make_async_copy(table.at[gb.at[i0]], rows0, sem0).wait()
        pltpu.sync_copy(rows0, acc.at[sb0.at[0]], add=True)

        @pl.when(i0 + 2 < NCHK1)
        def _next():
            pltpu.async_copy(table.at[gb.at[i0 + 2]], rows0, sem0)
            pltpu.sync_copy(sidx.at[wid, i0 + 2], sb0.at[0])

        pltpu.make_async_copy(table.at[gb.at[i0 + 1]], rows1, sem1).wait()
        pltpu.sync_copy(rows1, acc.at[sb1.at[0]], add=True)

    pltpu.make_async_copy(table.at[gb.at[NCHK1 - 1]], rows0, sem0).wait()
    pltpu.sync_copy(rows0, acc.at[sb0.at[0]], add=True)

    plsc.subcore_barrier()
    sl = pl.ds(s * RPT, RPT)
    pltpu.sync_copy(acc.at[sl], out.at[c, sl])

    @pl.when(s == 0)
    def _out_extra():
        ex = pl.ds(NS * RPT, EXTRA)
        pltpu.sync_copy(acc.at[ex], out.at[c, ex])


@functools.cache
def _sc_kernels():
    mesh = plsc.VectorSubcoreMesh(core_axis_name="c", subcore_axis_name="s",
                                  num_cores=NC, num_subcores=NS)
    sc_counts = pl.kernel(
        _sc_counts_body,
        out_type=tuple(
            jax.ShapeDtypeStruct((ACC1,), jnp.float32) for _ in range(14)),
        mesh=mesh,
        scratch_types=[
            pltpu.VMEM((NCHK1, CHUNK), jnp.int32),
            pltpu.VMEM((NCHK1, CHUNK), jnp.int32),
            pltpu.VMEM((4, NCHK1, CHUNK), jnp.float32),
            pltpu.VMEM((1, 16), jnp.int32),
            pltpu.VMEM((CHUNK,), jnp.float32),
            pltpu.VMEM_SHARED((ACC1,), jnp.float32),
            pltpu.VMEM_SHARED((ACC1,), jnp.float32),
            pltpu.VMEM_SHARED((ACC1,), jnp.float32),
            pltpu.VMEM_SHARED((ACC1,), jnp.float32),
            pltpu.VMEM_SHARED((ACC1,), jnp.float32),
            pltpu.VMEM_SHARED((ACC1,), jnp.float32),
            pltpu.VMEM_SHARED((ACC1,), jnp.float32),
        ],
    )
    sc_spmm = pl.kernel(
        _sc_spmm_body,
        out_type=jax.ShapeDtypeStruct((NC, N, NHID), jnp.float32),
        mesh=mesh,
        scratch_types=[
            pltpu.VMEM((NCHK1, CHUNK), jnp.int32),
            pltpu.VMEM((1, CHUNK), jnp.int32),
            pltpu.VMEM((1, CHUNK), jnp.int32),
            pltpu.VMEM((CHUNK, NHID), jnp.float32),
            pltpu.VMEM((CHUNK, NHID), jnp.float32),
            pltpu.VMEM_SHARED((N + 8, NHID), jnp.float32),
            pltpu.SemaphoreType.DMA,
            pltpu.SemaphoreType.DMA,
        ],
    )
    return sc_counts, sc_spmm


BLK = 1000


def _col4(v):
    m = lax.broadcasted_iota(jnp.int32, v.shape, 1) == 4
    return jnp.sum(jnp.where(m, v, 0.0), axis=-1, keepdims=True)


def _tc_xw_body(xin_ref, w_ref, wrow_ref, mc_ref, out_ref):
    ism = jnp.minimum(mc_ref[0] + mc_ref[1], 1.0)
    out_ref[...] = (
        jnp.dot(xin_ref[...], w_ref[...], preferred_element_type=jnp.float32)
        + ism * wrow_ref[...]
    )


def _tc_me_body(ma_ref, php_ref, wp5_ref, out_ref):
    php = php_ref[0] + php_ref[1]
    cnt = jnp.maximum(_col4(php), 1.0)
    pin = jnp.dot(php, wp5_ref[...], preferred_element_type=jnp.float32)
    out_ref[...] = (ma_ref[0] + ma_ref[1] + pin) / cnt


def _tc_poolhead_body(ob_ref, ncp_ref, mcp_ref, b1_ref, batch_ref, meta_ref,
                      wm_ref, bm_ref, m1w_ref, m1b_ref, m2w_ref, m2b_ref,
                      m3w_ref, m3b_ref, out_ref,
                      asum_ref, acnt_ref, msum_ref, mcnt_ref):
    ncnt = jnp.maximum(ncp_ref[0] + ncp_ref[1], 1.0)
    h = _lrelu((ob_ref[0] + ob_ref[1]) / ncnt + b1_ref[...])
    mw = mcp_ref[0] + mcp_ref[1]
    onehot = (batch_ref[...]
              == lax.broadcasted_iota(jnp.int32, (BLK, G), 1)).astype(jnp.float32)
    woh = onehot * mw
    ones = jnp.ones_like(h)
    dn = (((0,), (0,)), ((), ()))
    c_as = lax.dot_general(onehot, h, dn, preferred_element_type=jnp.float32)
    c_ac = lax.dot_general(onehot, ones, dn, preferred_element_type=jnp.float32)
    c_ms = lax.dot_general(woh, h, dn, preferred_element_type=jnp.float32)
    c_mc = lax.dot_general(woh, ones, dn, preferred_element_type=jnp.float32)

    @pl.when(pl.program_id(0) == 0)
    def _():
        asum_ref[...] = jnp.zeros_like(asum_ref)
        acnt_ref[...] = jnp.zeros_like(acnt_ref)
        msum_ref[...] = jnp.zeros_like(msum_ref)
        mcnt_ref[...] = jnp.zeros_like(mcnt_ref)

    asum_ref[...] += c_as
    acnt_ref[...] += c_ac
    msum_ref[...] += c_ms
    mcnt_ref[...] += c_mc

    @pl.when(pl.program_id(0) == N // BLK - 1)
    def _head():
        gap_all = asum_ref[...] / jnp.maximum(acnt_ref[...], 1.0)
        gap_mac = msum_ref[...] / jnp.maximum(mcnt_ref[...], 1.0)
        meta = _lrelu(
            jnp.dot(meta_ref[...], wm_ref[...], preferred_element_type=jnp.float32)
            + bm_ref[...])
        z = jnp.concatenate([gap_mac, gap_all, meta], axis=1)
        z = _lrelu(jnp.dot(z, m1w_ref[...], preferred_element_type=jnp.float32)
                   + m1b_ref[...])
        z = _lrelu(jnp.dot(z, m2w_ref[...], preferred_element_type=jnp.float32)
                   + m2b_ref[...])
        out_ref[...] = (jnp.dot(z, m3w_ref[...],
                                preferred_element_type=jnp.float32)
                        + m3b_ref[...])


def _full(shape):
    return pl.BlockSpec(shape, lambda: tuple(0 for _ in shape))


_tc_xw = pl.pallas_call(
    _tc_xw_body,
    grid=(N // BLK,),
    in_specs=[
        pl.BlockSpec((BLK, NHID), lambda i: (i, 0)),
        pl.BlockSpec((NHID, NHID), lambda i: (0, 0)),
        pl.BlockSpec((1, NHID), lambda i: (0, 0)),
        pl.BlockSpec((NC, BLK, 1), lambda i: (0, i, 0)),
    ],
    out_specs=pl.BlockSpec((BLK, NHID), lambda i: (i, 0)),
    out_shape=jax.ShapeDtypeStruct((N, NHID), jnp.float32),
)

_tc_me = pl.pallas_call(
    _tc_me_body,
    grid=(N // BLK,),
    in_specs=[
        pl.BlockSpec((NC, BLK, NHID), lambda i: (0, i, 0)),
        pl.BlockSpec((NC, BLK, 5), lambda i: (0, i, 0)),
        pl.BlockSpec((5, NHID), lambda i: (0, 0)),
    ],
    out_specs=pl.BlockSpec((BLK, NHID), lambda i: (i, 0)),
    out_shape=jax.ShapeDtypeStruct((N, NHID), jnp.float32),
)

_tc_poolhead = pl.pallas_call(
    _tc_poolhead_body,
    grid=(N // BLK,),
    in_specs=[
        pl.BlockSpec((NC, BLK, NHID), lambda i: (0, i, 0)),
        pl.BlockSpec((NC, BLK, 1), lambda i: (0, i, 0)),
        pl.BlockSpec((NC, BLK, 1), lambda i: (0, i, 0)),
        pl.BlockSpec((1, NHID), lambda i: (0, 0)),
        pl.BlockSpec((BLK, 1), lambda i: (i, 0)),
        pl.BlockSpec((G, 13), lambda i: (0, 0)),
        pl.BlockSpec((13, NHID), lambda i: (0, 0)),
        pl.BlockSpec((1, NHID), lambda i: (0, 0)),
        pl.BlockSpec((3 * NHID, NHID), lambda i: (0, 0)),
        pl.BlockSpec((1, NHID), lambda i: (0, 0)),
        pl.BlockSpec((NHID, NHID // 2), lambda i: (0, 0)),
        pl.BlockSpec((1, NHID // 2), lambda i: (0, 0)),
        pl.BlockSpec((NHID // 2, 4), lambda i: (0, 0)),
        pl.BlockSpec((1, 4), lambda i: (0, 0)),
    ],
    out_specs=pl.BlockSpec((G, 4), lambda i: (0, 0)),
    out_shape=jax.ShapeDtypeStruct((G, 4), jnp.float32),
    scratch_shapes=[
        pltpu.VMEM((G, NHID), jnp.float32),
        pltpu.VMEM((G, NHID), jnp.float32),
        pltpu.VMEM((G, NHID), jnp.float32),
        pltpu.VMEM((G, NHID), jnp.float32),
    ],
)


def kernel(x, edge_index, pin_feature, fake_pos, batch, macro_index, meta_feature,
           W1, Wp, b1, Wm, bm, M1W, M1b, M2W, M2b, M3W, M3b):
    f32 = jnp.float32
    ei = edge_index.astype(jnp.int32)
    node = ei[0]
    he = ei[1]
    batch2 = batch.astype(jnp.int32).reshape(N, 1)
    macro32 = macro_index.astype(jnp.int32)

    i32 = jnp.int32

    def _pad_chunks(v, padval):
        return jnp.concatenate(
            [v.reshape(NW, PPW), jnp.full((NW, PAD1), padval, i32)], axis=1
        ).reshape(NW, NCHK1, CHUNK)

    node_g = _pad_chunks(node, 0)
    node_s = _pad_chunks(node, N)
    he_g = _pad_chunks(he, 0)
    he_s = _pad_chunks(he, N)

    pin4 = jnp.concatenate(
        [pin_feature.reshape(NW, PPW, 4).transpose(0, 2, 1),
         jnp.zeros((NW, 4, PAD1), f32)], axis=2).reshape(NW, 4, NCHK1, CHUNK)

    ones128 = jnp.ones((CHUNK,), f32)
    z1 = jnp.zeros((RPTW,), f32)
    z128 = jnp.zeros((RPT, NHID), f32)

    sc_counts, sc_spmm = _sc_kernels()
    (f00, f10, f20, f30, ct0, f01, f11, f21, f31, ct1,
     nd0, nd1, mc0, mc1) = sc_counts(node_s, he_s, pin4, ones128, macro32, z1)
    php = jnp.stack([
        jnp.stack([f00[:N], f10[:N], f20[:N], f30[:N], ct0[:N]], axis=-1),
        jnp.stack([f01[:N], f11[:N], f21[:N], f31[:N], ct1[:N]], axis=-1)])
    ncp = jnp.stack([nd0[:N], nd1[:N]])[:, :, None]
    mcp = jnp.stack([mc0[:N], mc1[:N]])[:, :, None]

    xin = jnp.concatenate([x, fake_pos, jnp.zeros((N, 1), f32)], axis=1)
    xw = _tc_xw(xin, W1, W1[NHID - 1:NHID, :], mcp)

    me_part = sc_spmm(xw, node_g, he_s, z128)

    wp5 = jnp.concatenate([Wp, jnp.zeros((1, NHID), f32)], axis=0)
    m_e = _tc_me(me_part, php, wp5)

    out_part = sc_spmm(m_e, he_g, node_s, z128)

    return _tc_poolhead(
        out_part, ncp, mcp, b1.reshape(1, NHID), batch2, meta_feature,
        Wm, bm.reshape(1, NHID), M1W, M1b.reshape(1, NHID),
        M2W, M2b.reshape(1, NHID // 2), M3W, M3b.reshape(1, 4))

# --- scband reference (transcript-rebuilt; emitter-appended) ---
"""Pipeline reference for scband-enet-60601988547114 (READ-ONLY COPY).

The authoritative reference and input builder live on the scoring server;
editing this copy changes nothing except your own understanding.
"""

import jax, jax.numpy as jnp
import numpy as np

N = 10000
E = 320000
NUM_HE = 10000
G = 16
NHID = 128
NMACRO = 512
NEG_SLOPE = 0.1


def _segmean(data, ids, num):
    s = jax.ops.segment_sum(data, ids, num_segments=num)
    c = jax.ops.segment_sum(jnp.ones((data.shape[0],), jnp.float32), ids, num_segments=num)
    return s / jnp.clip(c, 1.0)[:, None]


def setup_inputs(seed: int = 0) -> dict:
    key = jax.random.key(seed)
    ks = jax.random.split(key, 16)
    s = 0.05
    x = jax.random.normal(ks[0], (N, 125), dtype=jnp.float32)
    edge_index = jnp.stack([
        jax.random.randint(ks[1], (E,), 0, N),
        jax.random.randint(ks[2], (E,), 0, NUM_HE),
    ], axis=0).astype(jnp.int64)
    pin_feature = jax.random.normal(ks[3], (E, 4), dtype=jnp.float32)
    fake_pos = jax.random.uniform(ks[4], (N, 2), dtype=jnp.float32)
    batch = jnp.sort(jax.random.randint(ks[5], (N,), 0, G)).astype(jnp.int64)
    macro_index = jax.random.randint(ks[6], (NMACRO,), 0, N).astype(jnp.int64)
    meta_feature = jax.random.normal(ks[7], (G, 13), dtype=jnp.float32)
    W1 = jax.random.normal(ks[8], (128, NHID), dtype=jnp.float32) * s
    Wp = jax.random.normal(ks[9], (4, NHID), dtype=jnp.float32) * s
    b1 = jnp.zeros((NHID,), jnp.float32)
    Wm = jax.random.normal(ks[10], (13, NHID), dtype=jnp.float32) * s
    bm = jnp.zeros((NHID,), jnp.float32)
    M1W = jax.random.normal(ks[11], (NHID * 3, NHID), dtype=jnp.float32) * s
    M1b = jnp.zeros((NHID,), jnp.float32)
    M2W = jax.random.normal(ks[12], (NHID, NHID // 2), dtype=jnp.float32) * s
    M2b = jnp.zeros((NHID // 2,), jnp.float32)
    M3W = jax.random.normal(ks[13], (NHID // 2, 4), dtype=jnp.float32) * s
    M3b = jnp.zeros((4,), jnp.float32)
    return dict(x=x, edge_index=edge_index, pin_feature=pin_feature, fake_pos=fake_pos,
                batch=batch, macro_index=macro_index, meta_feature=meta_feature,
                W1=W1, Wp=Wp, b1=b1, Wm=Wm, bm=bm,
                M1W=M1W, M1b=M1b, M2W=M2W, M2b=M2b, M3W=M3W, M3b=M3b)


def reference(x, edge_index, pin_feature, fake_pos, batch, macro_index, meta_feature,
              W1, Wp, b1, Wm, bm, M1W, M1b, M2W, M2b, M3W, M3b):
    # ismacro indicator (scatter-overwrite)
    ismacro = jnp.zeros((x.shape[0], 1), jnp.float32).at[macro_index].set(1.0)
    xin = jnp.concatenate([x, fake_pos, ismacro], axis=-1)  # [N, 128]
    # conv1: AttPNAHyperConv (hypergraph conv, no attention / no pna)
    node = edge_index[0]
    he = edge_index[1]
    xW = xin @ W1  # [N, NHID]
    msg = xW[node] + pin_feature @ Wp  # per-pin message [E, NHID]
    m_e = _segmean(msg, he, NUM_HE)  # node -> hyperedge (B^-1 H^T)
    out = _segmean(m_e[he], node, x.shape[0]) + b1  # hyperedge -> node (D^-1 H)
    h = jax.nn.leaky_relu(out, NEG_SLOPE)
    # global mean pooling over macros and over all nodes
    macro_batch = batch[macro_index]
    gap_macro = _segmean(h[macro_index], macro_batch, G)
    gap_all = _segmean(h, batch, G)
    x1 = jnp.concatenate([gap_macro, gap_all], axis=1)  # [G, 2*NHID]
    meta = jax.nn.leaky_relu(meta_feature @ Wm + bm, NEG_SLOPE)  # [G, NHID]
    z = jnp.concatenate([x1, meta.reshape(-1, NHID)], axis=-1)  # [G, 3*NHID]
    z = jax.nn.leaky_relu(z @ M1W + M1b, NEG_SLOPE)
    # dropout is identity in eval mode
    z = jax.nn.leaky_relu(z @ M2W + M2b, NEG_SLOPE)
    z = z @ M3W + M3b
    return z  # [G, num_classes]

if __name__ == "__main__":
    import jax
    _d = setup_inputs()
    print(jax.jit(kernel)(*tuple(_d.values())))

</pallas_src>

<mosaic_0001>
#map = affine_map<(d0, d1) -> (0, 0)>
#map1 = affine_map<(d0, d1) -> (0, 0, 0)>
module attributes {stable_mosaic.version = 14 : i64} {
  func.func @_sc_spmm_body(%arg0: i32, %arg1: i32, %arg2: memref<10000x128xf32, #tpu.memory_space<hbm>>, %arg3: memref<32x79x128xi32, #tpu.memory_space<hbm>>, %arg4: memref<32x79x128xi32, #tpu.memory_space<hbm>>, %arg5: memref<624x128xf32, #tpu.memory_space<hbm>>, %arg6: memref<2x10000x128xf32, #tpu.memory_space<hbm>>, %arg7: memref<79x128xi32, #tpu.memory_space<vmem>>, %arg8: memref<1x128xi32, #tpu.memory_space<vmem>>, %arg9: memref<1x128xi32, #tpu.memory_space<vmem>>, %arg10: memref<128x128xf32, #tpu.memory_space<vmem>>, %arg11: memref<128x128xf32, #tpu.memory_space<vmem>>, %arg12: memref<10008x128xf32, #tpu.memory_space<vmem_shared>>, %arg13: memref<!tpu.dma_semaphore, #tpu.memory_space<semaphore_mem>>, %arg14: memref<!tpu.dma_semaphore, #tpu.memory_space<semaphore_mem>>) attributes {dimension_semantics = [#tpu.dimension_semantics<core_parallel>, #tpu.dimension_semantics<subcore_parallel>], iteration_bounds = array<i64: 2, 16>, scalar_prefetch = 0 : i64, scratch_operands = 8 : i64, tpu.core_type = #tpu.core_type<sc_vector_subcore>, window_params = [{transform_indices = #map}, {transform_indices = #map1}, {transform_indices = #map1}, {transform_indices = #map}, {transform_indices = #map1}]} {
    %mul3A = arith.constant 2 : i32
    %mul3A_0 = arith.muli %arg1, %mul3A : i32
    %add3A = arith.addi %mul3A_0, %arg0 : i32
    "tpu.region"() ({
      %run_scoped3A_31 = tpu.sem_alloc : memref<!tpu.dma_semaphore, #tpu.memory_space<semaphore_mem>>
      %dma_start3A_32 = arith.constant 0 : i32
      %dma_start3A_33 = arith.constant 0 : i32
      %dma_start3A_34 = tpu.memref_slice %arg3[%add3A, %dma_start3A_32, %dma_start3A_33] : memref<32x79x128xi32, #tpu.memory_space<hbm>> -> memref<1x79x128xi32, #tpu.memory_space<hbm>>
      %dma_start3A_35 = tpu.memref_squeeze %dma_start3A_34 : memref<1x79x128xi32, #tpu.memory_space<hbm>> -> memref<79x128xi32, #tpu.memory_space<hbm>>
      %dma_start3A_36 = arith.constant 0 : i32
      %dma_start3A_37 = arith.constant 0 : i32
      %dma_start3A_38 = tpu.memref_slice %arg3[%add3A, %dma_start3A_36, %dma_start3A_37] : memref<32x79x128xi32, #tpu.memory_space<hbm>> -> memref<1x79x128xi32, #tpu.memory_space<hbm>>
      %dma_start3A_39 = tpu.memref_squeeze %dma_start3A_38 : memref<1x79x128xi32, #tpu.memory_space<hbm>> -> memref<79x128xi32, #tpu.memory_space<hbm>>
      tpu.enqueue_dma source(%dma_start3A_39 : memref<79x128xi32, #tpu.memory_space<hbm>>) target(%arg7 : memref<79x128xi32, #tpu.memory_space<vmem>>) target_semaphore(%run_scoped3A_31 : memref<!tpu.dma_semaphore, #tpu.memory_space<semaphore_mem>>)
      %dma_wait3A_40 = arith.constant 0 : i32
      %dma_wait3A_41 = arith.constant 0 : i32
      %dma_wait3A_42 = tpu.memref_slice %arg3[%add3A, %dma_wait3A_40, %dma_wait3A_41] : memref<32x79x128xi32, #tpu.memory_space<hbm>> -> memref<1x79x128xi32, #tpu.memory_space<hbm>>
      %dma_wait3A_43 = tpu.memref_squeeze %dma_wait3A_42 : memref<1x79x128xi32, #tpu.memory_space<hbm>> -> memref<79x128xi32, #tpu.memory_space<hbm>>
      %dma_wait3A_44 = arith.constant 0 : i32
      %dma_wait3A_45 = arith.constant 0 : i32
      %dma_wait3A_46 = tpu.memref_slice %arg3[%add3A, %dma_wait3A_44, %dma_wait3A_45] : memref<32x79x128xi32, #tpu.memory_space<hbm>> -> memref<1x79x128xi32, #tpu.memory_space<hbm>>
      %dma_wait3A_47 = tpu.memref_squeeze %dma_wait3A_46 : memref<1x79x128xi32, #tpu.memory_space<hbm>> -> memref<79x128xi32, #tpu.memory_space<hbm>>
      tpu.wait_dma2 semaphore(%run_scoped3A_31 : memref<!tpu.dma_semaphore, #tpu.memory_space<semaphore_mem>>) src(%dma_wait3A_47 : memref<79x128xi32, #tpu.memory_space<hbm>>) dst(%arg7 : memref<79x128xi32, #tpu.memory_space<vmem>>)
      tpu.yield
    }) : () -> ()
    %mul3A_1 = arith.constant 624 : i32
    %mul3A_2 = arith.muli %arg1, %mul3A_1 : i32
    "tpu.region"() ({
      %run_scoped3A_31 = tpu.sem_alloc : memref<!tpu.dma_semaphore, #tpu.memory_space<semaphore_mem>>
      %dma_start3A_32 = arith.constant 0 : i32
      %dma_start3A_33 = tpu.memref_slice %arg12[%mul3A_2, %dma_start3A_32] : memref<10008x128xf32, #tpu.memory_space<vmem_shared>> -> memref<624x128xf32, #tpu.memory_space<vmem_shared>>
      tpu.enqueue_dma source(%arg5 : memref<624x128xf32, #tpu.memory_space<hbm>>) target(%dma_start3A_33 : memref<624x128xf32, #tpu.memory_space<vmem_shared>>) target_semaphore(%run_scoped3A_31 : memref<!tpu.dma_semaphore, #tpu.memory_space<semaphore_mem>>)
      %dma_wait3A_34 = arith.constant 0 : i32
      %dma_wait3A_35 = tpu.memref_slice %arg12[%mul3A_2, %dma_wait3A_34] : memref<10008x128xf32, #tpu.memory_space<vmem_shared>> -> memref<624x128xf32, #tpu.memory_space<vmem_shared>>
      tpu.wait_dma2 semaphore(%run_scoped3A_31 : memref<!tpu.dma_semaphore, #tpu.memory_space<semaphore_mem>>) src(%arg5 : memref<624x128xf32, #tpu.memory_space<hbm>>) dst(%dma_wait3A_35 : memref<624x128xf32, #tpu.memory_space<vmem_shared>>)
      tpu.yield
    }) : () -> ()
    %eq3A = arith.constant 0 : i32
    %eq3A_3 = arith.cmpi eq, %arg1, %eq3A : i32
    %convert_element_type3A = arith.extui %eq3A_3 : i1 to i32
    %cond3A = arith.constant 0 : i32
    %cond3A_4 = arith.cmpi ne, %convert_element_type3A, %cond3A : i32
    scf.if %cond3A_4 {
      "tpu.region"() ({
        %run_scoped3A_31 = tpu.sem_alloc : memref<!tpu.dma_semaphore, #tpu.memory_space<semaphore_mem>>
        %dma_start3A_32 = arith.constant 9984 : i32
        %dma_start3A_33 = arith.constant 0 : i32
        %dma_start3A_34 = tpu.memref_slice %arg12[%dma_start3A_32, %dma_start3A_33] : memref<10008x128xf32, #tpu.memory_space<vmem_shared>> -> memref<16x128xf32, #tpu.memory_space<vmem_shared>>
        %dma_start3A_35 = arith.constant 0 : i32
        %dma_start3A_36 = arith.constant 0 : i32
        %dma_start3A_37 = tpu.memref_slice %arg5[%dma_start3A_35, %dma_start3A_36] : memref<624x128xf32, #tpu.memory_space<hbm>> -> memref<16x128xf32, #tpu.memory_space<hbm>>
        tpu.enqueue_dma source(%dma_start3A_37 : memref<16x128xf32, #tpu.memory_space<hbm>>) target(%dma_start3A_34 : memref<16x128xf32, #tpu.memory_space<vmem_shared>>) target_semaphore(%run_scoped3A_31 : memref<!tpu.dma_semaphore, #tpu.memory_space<semaphore_mem>>)
        %dma_wait3A_38 = arith.constant 9984 : i32
        %dma_wait3A_39 = arith.constant 0 : i32
        %dma_wait3A_40 = tpu.memref_slice %arg12[%dma_wait3A_38, %dma_wait3A_39] : memref<10008x128xf32, #tpu.memory_space<vmem_shared>> -> memref<16x128xf32, #tpu.memory_space<vmem_shared>>
        %dma_wait3A_41 = arith.constant 0 : i32
        %dma_wait3A_42 = arith.constant 0 : i32
        %dma_wait3A_43 = tpu.memref_slice %arg5[%dma_wait3A_41, %dma_wait3A_42] : memref<624x128xf32, #tpu.memory_space<hbm>> -> memref<16x128xf32, #tpu.memory_space<hbm>>
        tpu.wait_dma2 semaphore(%run_scoped3A_31 : memref<!tpu.dma_semaphore, #tpu.memory_space<semaphore_mem>>) src(%dma_wait3A_43 : memref<16x128xf32, #tpu.memory_space<hbm>>) dst(%dma_wait3A_40 : memref<16x128xf32, #tpu.memory_space<vmem_shared>>)
        tpu.yield
      }) : () -> ()
    } else {
    }
    %barrier3A = arith.constant 0 : index
    tpu.barrier barrier_id(%barrier3A)
    %dma_start3A = arith.constant 0 : i32
    %dma_start3A_5 = arith.constant 0 : i32
    %dma_start3A_6 = tpu.memref_slice %arg7[%dma_start3A, %dma_start3A_5] : memref<79x128xi32, #tpu.memory_space<vmem>> -> memref<1x128xi32, #tpu.memory_space<vmem>>
    %dma_start3A_7 = tpu.memref_squeeze %dma_start3A_6 : memref<1x128xi32, #tpu.memory_space<vmem>> -> memref<128xi32, #tpu.memory_space<vmem>>
    %dma_start3A_8 = arith.constant 0 : i32
    %dma_start3A_9 = arith.constant 0 : i32
    %dma_start3A_10 = tpu.memref_slice %arg2[%dma_start3A_8, %dma_start3A_9] : memref<10000x128xf32, #tpu.memory_space<hbm>> -> memref<10000x128xf32, #tpu.memory_space<hbm>>
    tpu.enqueue_indirect_dma source(%dma_start3A_10 : memref<10000x128xf32, #tpu.memory_space<hbm>>) target(%arg10 : memref<128x128xf32, #tpu.memory_space<vmem>>) offsets(%dma_start3A_7 : memref<128xi32, #tpu.memory_space<vmem>>) semaphore(%arg13 : memref<!tpu.dma_semaphore, #tpu.memory_space<semaphore_mem>>)
    %run_scoped3A = arith.constant 0 : i32
    %run_scoped3A_11 = arith.constant 0 : i32
    "tpu.region"() ({
      %run_scoped3A_31 = tpu.sem_alloc : memref<!tpu.dma_semaphore, #tpu.memory_space<semaphore_mem>>
      %dma_start3A_32 = arith.constant 0 : i32
      %dma_start3A_33 = tpu.memref_slice %arg8[%run_scoped3A_11, %dma_start3A_32] : memref<1x128xi32, #tpu.memory_space<vmem>> -> memref<1x128xi32, #tpu.memory_space<vmem>>
      %dma_start3A_34 = tpu.memref_squeeze %dma_start3A_33 : memref<1x128xi32, #tpu.memory_space<vmem>> -> memref<128xi32, #tpu.memory_space<vmem>>
      %dma_start3A_35 = arith.constant 0 : i32
      %dma_start3A_36 = tpu.memref_slice %arg4[%add3A, %run_scoped3A, %dma_start3A_35] : memref<32x79x128xi32, #tpu.memory_space<hbm>> -> memref<1x1x128xi32, #tpu.memory_space<hbm>>
      %dma_start3A_37 = tpu.memref_squeeze %dma_start3A_36 : memref<1x1x128xi32, #tpu.memory_space<hbm>> -> memref<128xi32, #tpu.memory_space<hbm>>
      %dma_start3A_38 = arith.constant 0 : i32
      %dma_start3A_39 = tpu.memref_slice %arg8[%run_scoped3A_11, %dma_start3A_38] : memref<1x128xi32, #tpu.memory_space<vmem>> -> memref<1x128xi32, #tpu.memory_space<vmem>>
      %dma_start3A_40 = tpu.memref_squeeze %dma_start3A_39 : memref<1x128xi32, #tpu.memory_space<vmem>> -> memref<128xi32, #tpu.memory_space<vmem>>
      %dma_start3A_41 = arith.constant 0 : i32
      %dma_start3A_42 = tpu.memref_slice %arg4[%add3A, %run_scoped3A, %dma_start3A_41] : memref<32x79x128xi32, #tpu.memory_space<hbm>> -> memref<1x1x128xi32, #tpu.memory_space<hbm>>
      %dma_start3A_43 = tpu.memref_squeeze %dma_start3A_42 : memref<1x1x128xi32, #tpu.memory_space<hbm>> -> memref<128xi32, #tpu.memory_space<hbm>>
      tpu.enqueue_dma source(%dma_start3A_43 : memref<128xi32, #tpu.memory_space<hbm>>) target(%dma_start3A_40 : memref<128xi32, #tpu.memory_space<vmem>>) target_semaphore(%run_scoped3A_31 : memref<!tpu.dma_semaphore, #tpu.memory_space<semaphore_mem>>)
      %dma_wait3A_44 = arith.constant 0 : i32
      %dma_wait3A_45 = tpu.memref_slice %arg8[%run_scoped3A_11, %dma_wait3A_44] : memref<1x128xi32, #tpu.memory_space<vmem>> -> memref<1x128xi32, #tpu.memory_space<vmem>>
      %dma_wait3A_46 = tpu.memref_squeeze %dma_wait3A_45 : memref<1x128xi32, #tpu.memory_space<vmem>> -> memref<128xi32, #tpu.memory_space<vmem>>
      %dma_wait3A_47 = arith.constant 0 : i32
      %dma_wait3A_48 = tpu.memref_slice %arg4[%add3A, %run_scoped3A, %dma_wait3A_47] : memref<32x79x128xi32, #tpu.memory_space<hbm>> -> memref<1x1x128xi32, #tpu.memory_space<hbm>>
      %dma_wait3A_49 = tpu.memref_squeeze %dma_wait3A_48 : memref<1x1x128xi32, #tpu.memory_space<hbm>> -> memref<128xi32, #tpu.memory_space<hbm>>
      %dma_wait3A_50 = arith.constant 0 : i32
      %dma_wait3A_51 = tpu.memref_slice %arg8[%run_scoped3A_11, %dma_wait3A_50] : memref<1x128xi32, #tpu.memory_space<vmem>> -> memref<1x128xi32, #tpu.memory_space<vmem>>
      %dma_wait3A_52 = tpu.memref_squeeze %dma_wait3A_51 : memref<1x128xi32, #tpu.memory_space<vmem>> -> memref<128xi32, #tpu.memory_space<vmem>>
      %dma_wait3A_53 = arith.constant 0 : i32
      %dma_wait3A_54 = tpu.memref_slice %arg4[%add3A, %run_scoped3A, %dma_wait3A_53] : memref<32x79x128xi32, #tpu.memory_space<hbm>> -> memref<1x1x128xi32, #tpu.memory_space<hbm>>
      %dma_wait3A_55 = tpu.memref_squeeze %dma_wait3A_54 : memref<1x1x128xi32, #tpu.memory_space<hbm>> -> memref<128xi32, #tpu.memory_space<hbm>>
      tpu.wait_dma2 semaphore(%run_scoped3A_31 : memref<!tpu.dma_semaphore, #tpu.memory_space<semaphore_mem>>) src(%dma_wait3A_55 : memref<128xi32, #tpu.memory_space<hbm>>) dst(%dma_wait3A_52 : memref<128xi32, #tpu.memory_space<vmem>>)
      tpu.yield
    }) : () -> ()
    %scan3A = arith.constant 0 : i32
    %scan3A_12 = arith.constant 39 : i32
    %scan3A_13 = arith.addi %scan3A, %scan3A_12 : i32
    %scan3A_14 = arith.constant 1 : i32
    scf.for %scan3A_31 = %scan3A to %scan3A_13 step %scan3A_14  : i32 {
      %mul3A_32 = arith.constant 1 : i32
      %mul3A_33 = arith.muli %scan3A_31, %mul3A_32 : i32
      %add3A_34 = arith.constant 0 : i32
      %add3A_35 = arith.addi %add3A_34, %mul3A_33 : i32
      %mul3A_36 = arith.constant 2 : i32
      %mul3A_37 = arith.muli %mul3A_36, %add3A_35 : i32
      %add3A_38 = arith.constant 1 : i32
      %add3A_39 = arith.addi %mul3A_37, %add3A_38 : i32
      %dma_start3A_40 = arith.constant 0 : i32
      %dma_start3A_41 = tpu.memref_slice %arg7[%add3A_39, %dma_start3A_40] : memref<79x128xi32, #tpu.memory_space<vmem>> -> memref<1x128xi32, #tpu.memory_space<vmem>>
      %dma_start3A_42 = tpu.memref_squeeze %dma_start3A_41 : memref<1x128xi32, #tpu.memory_space<vmem>> -> memref<128xi32, #tpu.memory_space<vmem>>
      %dma_start3A_43 = arith.constant 0 : i32
      %dma_start3A_44 = arith.constant 0 : i32
      %dma_start3A_45 = tpu.memref_slice %arg2[%dma_start3A_43, %dma_start3A_44] : memref<10000x128xf32, #tpu.memory_space<hbm>> -> memref<10000x128xf32, #tpu.memory_space<hbm>>
      tpu.enqueue_indirect_dma source(%dma_start3A_45 : memref<10000x128xf32, #tpu.memory_space<hbm>>) target(%arg11 : memref<128x128xf32, #tpu.memory_space<vmem>>) offsets(%dma_start3A_42 : memref<128xi32, #tpu.memory_space<vmem>>) semaphore(%arg14 : memref<!tpu.dma_semaphore, #tpu.memory_space<semaphore_mem>>)
      %add3A_46 = arith.constant 1 : i32
      %add3A_47 = arith.addi %mul3A_37, %add3A_46 : i32
      %run_scoped3A_48 = arith.constant 0 : i32
      "tpu.region"() ({
        %run_scoped3A_71 = tpu.sem_alloc : memref<!tpu.dma_semaphore, #tpu.memory_space<semaphore_mem>>
        %dma_start3A_72 = arith.constant 0 : i32
        %dma_start3A_73 = tpu.memref_slice %arg9[%run_scoped3A_48, %dma_start3A_72] : memref<1x128xi32, #tpu.memory_space<vmem>> -> memref<1x128xi32, #tpu.memory_space<vmem>>
        %dma_start3A_74 = tpu.memref_squeeze %dma_start3A_73 : memref<1x128xi32, #tpu.memory_space<vmem>> -> memref<128xi32, #tpu.memory_space<vmem>>
        %dma_start3A_75 = arith.constant 0 : i32
        %dma_start3A_76 = tpu.memref_slice %arg4[%add3A, %add3A_47, %dma_start3A_75] : memref<32x79x128xi32, #tpu.memory_space<hbm>> -> memref<1x1x128xi32, #tpu.memory_space<hbm>>
        %dma_start3A_77 = tpu.memref_squeeze %dma_start3A_76 : memref<1x1x128xi32, #tpu.memory_space<hbm>> -> memref<128xi32, #tpu.memory_space<hbm>>
        %dma_start3A_78 = arith.constant 0 : i32
        %dma_start3A_79 = tpu.memref_slice %arg9[%run_scoped3A_48, %dma_start3A_78] : memref<1x128xi32, #tpu.memory_space<vmem>> -> memref<1x128xi32, #tpu.memory_space<vmem>>
        %dma_start3A_80 = tpu.memref_squeeze %dma_start3A_79 : memref<1x128xi32, #tpu.memory_space<vmem>> -> memref<128xi32, #tpu.memory_space<vmem>>
        %dma_start3A_81 = arith.constant 0 : i32
        %dma_start3A_82 = tpu.memref_slice %arg4[%add3A, %add3A_47, %dma_start3A_81] : memref<32x79x128xi32, #tpu.memory_space<hbm>> -> memref<1x1x128xi32, #tpu.memory_space<hbm>>
        %dma_start3A_83 = tpu.memref_squeeze %dma_start3A_82 : memref<1x1x128xi32, #tpu.memory_space<hbm>> -> memref<128xi32, #tpu.memory_space<hbm>>
        tpu.enqueue_dma source(%dma_start3A_83 : memref<128xi32, #tpu.memory_space<hbm>>) target(%dma_start3A_80 : memref<128xi32, #tpu.memory_space<vmem>>) target_semaphore(%run_scoped3A_71 : memref<!tpu.dma_semaphore, #tpu.memory_space<semaphore_mem>>)
        %dma_wait3A_84 = arith.constant 0 : i32
        %dma_wait3A_85 = tpu.memref_slice %arg9[%run_scoped3A_48, %dma_wait3A_84] : memref<1x128xi32, #tpu.memory_space<vmem>> -> memref<1x128xi32, #tpu.memory_space<vmem>>
        %dma_wait3A_86 = tpu.memref_squeeze %dma_wait3A_85 : memref<1x128xi32, #tpu.memory_space<vmem>> -> memref<128xi32, #tpu.memory_space<vmem>>
        %dma_wait3A_87 = arith.constant 0 : i32
        %dma_wait3A_88 = tpu.memref_slice %arg4[%add3A, %add3A_47, %dma_wait3A_87] : memref<32x79x128xi32, #tpu.memory_space<hbm>> -> memref<1x1x128xi32, #tpu.memory_space<hbm>>
        %dma_wait3A_89 = tpu.memref_squeeze %dma_wait3A_88 : memref<1x1x128xi32, #tpu.memory_space<hbm>> -> memref<128xi32, #tpu.memory_space<hbm>>
        %dma_wait3A_90 = arith.constant 0 : i32
        %dma_wait3A_91 = tpu.memref_slice %arg9[%run_scoped3A_48, %dma_wait3A_90] : memref<1x128xi32, #tpu.memory_space<vmem>> -> memref<1x128xi32, #tpu.memory_space<vmem>>
        %dma_wait3A_92 = tpu.memref_squeeze %dma_wait3A_91 : memref<1x128xi32, #tpu.memory_space<vmem>> -> memref<128xi32, #tpu.memory_space<vmem>>
        %dma_wait3A_93 = arith.constant 0 : i32
        %dma_wait3A_94 = tpu.memref_slice %arg4[%add3A, %add3A_47, %dma_wait3A_93] : memref<32x79x128xi32, #tpu.memory_space<hbm>> -> memref<1x1x128xi32, #tpu.memory_space<hbm>>
        %dma_wait3A_95 = tpu.memref_squeeze %dma_wait3A_94 : memref<1x1x128xi32, #tpu.memory_space<hbm>> -> memref<128xi32, #tpu.memory_space<hbm>>
        tpu.wait_dma2 semaphore(%run_scoped3A_71 : memref<!tpu.dma_semaphore, #tpu.memory_space<semaphore_mem>>) src(%dma_wait3A_95 : memref<128xi32, #tpu.memory_space<hbm>>) dst(%dma_wait3A_92 : memref<128xi32, #tpu.memory_space<vmem>>)
        tpu.yield
      }) : () -> ()
      %dma_wait3A_49 = arith.constant 0 : i32
      %dma_wait3A_50 = tpu.memref_slice %arg7[%mul3A_37, %dma_wait3A_49] : memref<79x128xi32, #tpu.memory_space<vmem>> -> memref<1x128xi32, #tpu.memory_space<vmem>>
      %dma_wait3A_51 = tpu.memref_squeeze %dma_wait3A_50 : memref<1x128xi32, #tpu.memory_space<vmem>> -> memref<128xi32, #tpu.memory_space<vmem>>
      %dma_wait3A_52 = arith.constant 0 : i32
      %dma_wait3A_53 = arith.constant 0 : i32
      %dma_wait3A_54 = tpu.memref_slice %arg2[%dma_wait3A_52, %dma_wait3A_53] : memref<10000x128xf32, #tpu.memory_space<hbm>> -> memref<10000x128xf32, #tpu.memory_space<hbm>>
      tpu.wait_indirect_dma semaphore(%arg13 : memref<!tpu.dma_semaphore, #tpu.memory_space<semaphore_mem>>) src(%dma_wait3A_54 : memref<10000x128xf32, #tpu.memory_space<hbm>>) dst(%arg10 : memref<128x128xf32, #tpu.memory_space<vmem>>)
      %run_scoped3A_55 = arith.constant 0 : i32
      "tpu.region"() ({
        %run_scoped3A_71 = tpu.sem_alloc : memref<!tpu.dma_semaphore, #tpu.memory_space<semaphore_mem>>
        %dma_start3A_72 = arith.constant 0 : i32
        %dma_start3A_73 = tpu.memref_slice %arg8[%run_scoped3A_55, %dma_start3A_72] : memref<1x128xi32, #tpu.memory_space<vmem>> -> memref<1x128xi32, #tpu.memory_space<vmem>>
        %dma_start3A_74 = tpu.memref_squeeze %dma_start3A_73 : memref<1x128xi32, #tpu.memory_space<vmem>> -> memref<128xi32, #tpu.memory_space<vmem>>
        %dma_start3A_75 = arith.constant 0 : i32
        %dma_start3A_76 = arith.constant 0 : i32
        %dma_start3A_77 = tpu.memref_slice %arg12[%dma_start3A_75, %dma_start3A_76] : memref<10008x128xf32, #tpu.memory_space<vmem_shared>> -> memref<10008x128xf32, #tpu.memory_space<vmem_shared>>
        tpu.enqueue_indirect_dma source(%arg10 : memref<128x128xf32, #tpu.memory_space<vmem>>) target(%dma_start3A_77 : memref<10008x128xf32, #tpu.memory_space<vmem_shared>>) offsets(%dma_start3A_74 : memref<128xi32, #tpu.memory_space<vmem>>) semaphore(%run_scoped3A_71 : memref<!tpu.dma_semaphore, #tpu.memory_space<semaphore_mem>>) {add = true}
        %dma_wait3A_78 = arith.constant 0 : i32
        %dma_wait3A_79 = tpu.memref_slice %arg8[%run_scoped3A_55, %dma_wait3A_78] : memref<1x128xi32, #tpu.memory_space<vmem>> -> memref<1x128xi32, #tpu.memory_space<vmem>>
        %dma_wait3A_80 = tpu.memref_squeeze %dma_wait3A_79 : memref<1x128xi32, #tpu.memory_space<vmem>> -> memref<128xi32, #tpu.memory_space<vmem>>
        %dma_wait3A_81 = arith.constant 0 : i32
        %dma_wait3A_82 = arith.constant 0 : i32
        %dma_wait3A_83 = tpu.memref_slice %arg12[%dma_wait3A_81, %dma_wait3A_82] : memref<10008x128xf32, #tpu.memory_space<vmem_shared>> -> memref<10008x128xf32, #tpu.memory_space<vmem_shared>>
        tpu.wait_indirect_dma semaphore(%run_scoped3A_71 : memref<!tpu.dma_semaphore, #tpu.memory_space<semaphore_mem>>) src(%arg10 : memref<128x128xf32, #tpu.memory_space<vmem>>) dst(%dma_wait3A_83 : memref<10008x128xf32, #tpu.memory_space<vmem_shared>>)
        tpu.yield
      }) : () -> ()
      %add3A_56 = arith.constant 2 : i32
      %add3A_57 = arith.addi %mul3A_37, %add3A_56 : i32
      %lt3A = arith.constant 79 : i32
      %lt3A_58 = arith.cmpi slt, %add3A_57, %lt3A : i32
      %convert_element_type3A_59 = arith.extui %lt3A_58 : i1 to i32
      %cond3A_60 = arith.constant 0 : i32
      %cond3A_61 = arith.cmpi ne, %convert_element_type3A_59, %cond3A_60 : i32
      scf.if %cond3A_61 {
        %add3A_71 = arith.constant 2 : i32
        %add3A_72 = arith.addi %mul3A_37, %add3A_71 : i32
        %dma_start3A_73 = arith.constant 0 : i32
        %dma_start3A_74 = tpu.memref_slice %arg7[%add3A_72, %dma_start3A_73] : memref<79x128xi32, #tpu.memory_space<vmem>> -> memref<1x128xi32, #tpu.memory_space<vmem>>
        %dma_start3A_75 = tpu.memref_squeeze %dma_start3A_74 : memref<1x128xi32, #tpu.memory_space<vmem>> -> memref<128xi32, #tpu.memory_space<vmem>>
        %dma_start3A_76 = arith.constant 0 : i32
        %dma_start3A_77 = arith.constant 0 : i32
        %dma_start3A_78 = tpu.memref_slice %arg2[%dma_start3A_76, %dma_start3A_77] : memref<10000x128xf32, #tpu.memory_space<hbm>> -> memref<10000x128xf32, #tpu.memory_space<hbm>>
        tpu.enqueue_indirect_dma source(%dma_start3A_78 : memref<10000x128xf32, #tpu.memory_space<hbm>>) target(%arg10 : memref<128x128xf32, #tpu.memory_space<vmem>>) offsets(%dma_start3A_75 : memref<128xi32, #tpu.memory_space<vmem>>) semaphore(%arg13 : memref<!tpu.dma_semaphore, #tpu.memory_space<semaphore_mem>>)
        %add3A_79 = arith.constant 2 : i32
        %add3A_80 = arith.addi %mul3A_37, %add3A_79 : i32
        %run_scoped3A_81 = arith.constant 0 : i32
        "tpu.region"() ({
          %run_scoped3A_82 = tpu.sem_alloc : memref<!tpu.dma_semaphore, #tpu.memory_space<semaphore_mem>>
          %dma_start3A_83 = arith.constant 0 : i32
          %dma_start3A_84 = tpu.memref_slice %arg8[%run_scoped3A_81, %dma_start3A_83] : memref<1x128xi32, #tpu.memory_space<vmem>> -> memref<1x128xi32, #tpu.memory_space<vmem>>
          %dma_start3A_85 = tpu.memref_squeeze %dma_start3A_84 : memref<1x128xi32, #tpu.memory_space<vmem>> -> memref<128xi32, #tpu.memory_space<vmem>>
          %dma_start3A_86 = arith.constant 0 : i32
          %dma_start3A_87 = tpu.memref_slice %arg4[%add3A, %add3A_80, %dma_start3A_86] : memref<32x79x128xi32, #tpu.memory_space<hbm>> -> memref<1x1x128xi32, #tpu.memory_space<hbm>>
          %dma_start3A_88 = tpu.memref_squeeze %dma_start3A_87 : memref<1x1x128xi32, #tpu.memory_space<hbm>> -> memref<128xi32, #tpu.memory_space<hbm>>
          %dma_start3A_89 = arith.constant 0 : i32
          %dma_start3A_90 = tpu.memref_slice %arg8[%run_scoped3A_81, %dma_start3A_89] : memref<1x128xi32, #tpu.memory_space<vmem>> -> memref<1x128xi32, #tpu.memory_space<vmem>>
          %dma_start3A_91 = tpu.memref_squeeze %dma_start3A_90 : memref<1x128xi32, #tpu.memory_space<vmem>> -> memref<128xi32, #tpu.memory_space<vmem>>
          %dma_start3A_92 = arith.constant 0 : i32
          %dma_start3A_93 = tpu.memref_slice %arg4[%add3A, %add3A_80, %dma_start3A_92] : memref<32x79x128xi32, #tpu.memory_space<hbm>> -> memref<1x1x128xi32, #tpu.memory_space<hbm>>
          %dma_start3A_94 = tpu.memref_squeeze %dma_start3A_93 : memref<1x1x128xi32, #tpu.memory_space<hbm>> -> memref<128xi32, #tpu.memory_space<hbm>>
          tpu.enqueue_dma source(%dma_start3A_94 : memref<128xi32, #tpu.memory_space<hbm>>) target(%dma_start3A_91 : memref<128xi32, #tpu.memory_space<vmem>>) target_semaphore(%run_scoped3A_82 : memref<!tpu.dma_semaphore, #tpu.memory_space<semaphore_mem>>)
          %dma_wait3A_95 = arith.constant 0 : i32
          %dma_wait3A_96 = tpu.memref_slice %arg8[%run_scoped3A_81, %dma_wait3A_95] : memref<1x128xi32, #tpu.memory_space<vmem>> -> memref<1x128xi32, #tpu.memory_space<vmem>>
          %dma_wait3A_97 = tpu.memref_squeeze %dma_wait3A_96 : memref<1x128xi32, #tpu.memory_space<vmem>> -> memref<128xi32, #tpu.memory_space<vmem>>
          %dma_wait3A_98 = arith.constant 0 : i32
          %dma_wait3A_99 = tpu.memref_slice %arg4[%add3A, %add3A_80, %dma_wait3A_98] : memref<32x79x128xi32, #tpu.memory_space<hbm>> -> memref<1x1x128xi32, #tpu.memory_space<hbm>>
          %dma_wait3A_100 = tpu.memref_squeeze %dma_wait3A_99 : memref<1x1x128xi32, #tpu.memory_space<hbm>> -> memref<128xi32, #tpu.memory_space<hbm>>
          %dma_wait3A_101 = arith.constant 0 : i32
          %dma_wait3A_102 = tpu.memref_slice %arg8[%run_scoped3A_81, %dma_wait3A_101] : memref<1x128xi32, #tpu.memory_space<vmem>> -> memref<1x128xi32, #tpu.memory_space<vmem>>
          %dma_wait3A_103 = tpu.memref_squeeze %dma_wait3A_102 : memref<1x128xi32, #tpu.memory_space<vmem>> -> memref<128xi32, #tpu.memory_space<vmem>>
          %dma_wait3A_104 = arith.constant 0 : i32
          %dma_wait3A_105 = tpu.memref_slice %arg4[%add3A, %add3A_80, %dma_wait3A_104] : memref<32x79x128xi32, #tpu.memory_space<hbm>> -> memref<1x1x128xi32, #tpu.memory_space<hbm>>
          %dma_wait3A_106 = tpu.memref_squeeze %dma_wait3A_105 : memref<1x1x128xi32, #tpu.memory_space<hbm>> -> memref<128xi32, #tpu.memory_space<hbm>>
          tpu.wait_dma2 semaphore(%run_scoped3A_82 : memref<!tpu.dma_semaphore, #tpu.memory_space<semaphore_mem>>) src(%dma_wait3A_106 : memref<128xi32, #tpu.memory_space<hbm>>) dst(%dma_wait3A_103 : memref<128xi32, #tpu.memory_space<vmem>>)
          tpu.yield
        }) : () -> ()
      } else {
      }
      %add3A_62 = arith.constant 1 : i32
      %add3A_63 = arith.addi %mul3A_37, %add3A_62 : i32
      %dma_wait3A_64 = arith.constant 0 : i32
      %dma_wait3A_65 = tpu.memref_slice %arg7[%add3A_63, %dma_wait3A_64] : memref<79x128xi32, #tpu.memory_space<vmem>> -> memref<1x128xi32, #tpu.memory_space<vmem>>
      %dma_wait3A_66 = tpu.memref_squeeze %dma_wait3A_65 : memref<1x128xi32, #tpu.memory_space<vmem>> -> memref<128xi32, #tpu.memory_space<vmem>>
      %dma_wait3A_67 = arith.constant 0 : i32
      %dma_wait3A_68 = arith.constant 0 : i32
      %dma_wait3A_69 = tpu.memref_slice %arg2[%dma_wait3A_67, %dma_wait3A_68] : memref<10000x128xf32, #tpu.memory_space<hbm>> -> memref<10000x128xf32, #tpu.memory_space<hbm>>
      tpu.wait_indirect_dma semaphore(%arg14 : memref<!tpu.dma_semaphore, #tpu.memory_space<semaphore_mem>>) src(%dma_wait3A_69 : memref<10000x128xf32, #tpu.memory_space<hbm>>) dst(%arg11 : memref<128x128xf32, #tpu.memory_space<vmem>>)
      %run_scoped3A_70 = arith.constant 0 : i32
      "tpu.region"() ({
        %run_scoped3A_71 = tpu.sem_alloc : memref<!tpu.dma_semaphore, #tpu.memory_space<semaphore_mem>>
        %dma_start3A_72 = arith.constant 0 : i32
        %dma_start3A_73 = tpu.memref_slice %arg9[%run_scoped3A_70, %dma_start3A_72] : memref<1x128xi32, #tpu.memory_space<vmem>> -> memref<1x128xi32, #tpu.memory_space<vmem>>
        %dma_start3A_74 = tpu.memref_squeeze %dma_start3A_73 : memref<1x128xi32, #tpu.memory_space<vmem>> -> memref<128xi32, #tpu.memory_space<vmem>>
        %dma_start3A_75 = arith.constant 0 : i32
        %dma_start3A_76 = arith.constant 0 : i32
        %dma_start3A_77 = tpu.memref_slice %arg12[%dma_start3A_75, %dma_start3A_76] : memref<10008x128xf32, #tpu.memory_space<vmem_shared>> -> memref<10008x128xf32, #tpu.memory_space<vmem_shared>>
        tpu.enqueue_indirect_dma source(%arg11 : memref<128x128xf32, #tpu.memory_space<vmem>>) target(%dma_start3A_77 : memref<10008x128xf32, #tpu.memory_space<vmem_shared>>) offsets(%dma_start3A_74 : memref<128xi32, #tpu.memory_space<vmem>>) semaphore(%run_scoped3A_71 : memref<!tpu.dma_semaphore, #tpu.memory_space<semaphore_mem>>) {add = true}
        %dma_wait3A_78 = arith.constant 0 : i32
        %dma_wait3A_79 = tpu.memref_slice %arg9[%run_scoped3A_70, %dma_wait3A_78] : memref<1x128xi32, #tpu.memory_space<vmem>> -> memref<1x128xi32, #tpu.memory_space<vmem>>
        %dma_wait3A_80 = tpu.memref_squeeze %dma_wait3A_79 : memref<1x128xi32, #tpu.memory_space<vmem>> -> memref<128xi32, #tpu.memory_space<vmem>>
        %dma_wait3A_81 = arith.constant 0 : i32
        %dma_wait3A_82 = arith.constant 0 : i32
        %dma_wait3A_83 = tpu.memref_slice %arg12[%dma_wait3A_81, %dma_wait3A_82] : memref<10008x128xf32, #tpu.memory_space<vmem_shared>> -> memref<10008x128xf32, #tpu.memory_space<vmem_shared>>
        tpu.wait_indirect_dma semaphore(%run_scoped3A_71 : memref<!tpu.dma_semaphore, #tpu.memory_space<semaphore_mem>>) src(%arg11 : memref<128x128xf32, #tpu.memory_space<vmem>>) dst(%dma_wait3A_83 : memref<10008x128xf32, #tpu.memory_space<vmem_shared>>)
        tpu.yield
      }) : () -> ()
    }
    %scan3A_15 = arith.constant 39 : i32
    %dma_wait3A = arith.constant 78 : i32
    %dma_wait3A_16 = arith.constant 0 : i32
    %dma_wait3A_17 = tpu.memref_slice %arg7[%dma_wait3A, %dma_wait3A_16] : memref<79x128xi32, #tpu.memory_space<vmem>> -> memref<1x128xi32, #tpu.memory_space<vmem>>
    %dma_wait3A_18 = tpu.memref_squeeze %dma_wait3A_17 : memref<1x128xi32, #tpu.memory_space<vmem>> -> memref<128xi32, #tpu.memory_space<vmem>>
    %dma_wait3A_19 = arith.constant 0 : i32
    %dma_wait3A_20 = arith.constant 0 : i32
    %dma_wait3A_21 = tpu.memref_slice %arg2[%dma_wait3A_19, %dma_wait3A_20] : memref<10000x128xf32, #tpu.memory_space<hbm>> -> memref<10000x128xf32, #tpu.memory_space<hbm>>
    tpu.wait_indirect_dma semaphore(%arg13 : memref<!tpu.dma_semaphore, #tpu.memory_space<semaphore_mem>>) src(%dma_wait3A_21 : memref<10000x128xf32, #tpu.memory_space<hbm>>) dst(%arg10 : memref<128x128xf32, #tpu.memory_space<vmem>>)
    %run_scoped3A_22 = arith.constant 0 : i32
    "tpu.region"() ({
      %run_scoped3A_31 = tpu.sem_alloc : memref<!tpu.dma_semaphore, #tpu.memory_space<semaphore_mem>>
      %dma_start3A_32 = arith.constant 0 : i32
      %dma_start3A_33 = tpu.memref_slice %arg8[%run_scoped3A_22, %dma_start3A_32] : memref<1x128xi32, #tpu.memory_space<vmem>> -> memref<1x128xi32, #tpu.memory_space<vmem>>
      %dma_start3A_34 = tpu.memref_squeeze %dma_start3A_33 : memref<1x128xi32, #tpu.memory_space<vmem>> -> memref<128xi32, #tpu.memory_space<vmem>>
      %dma_start3A_35 = arith.constant 0 : i32
      %dma_start3A_36 = arith.constant 0 : i32
      %dma_start3A_37 = tpu.memref_slice %arg12[%dma_start3A_35, %dma_start3A_36] : memref<10008x128xf32, #tpu.memory_space<vmem_shared>> -> memref<10008x128xf32, #tpu.memory_space<vmem_shared>>
      tpu.enqueue_indirect_dma source(%arg10 : memref<128x128xf32, #tpu.memory_space<vmem>>) target(%dma_start3A_37 : memref<10008x128xf32, #tpu.memory_space<vmem_shared>>) offsets(%dma_start3A_34 : memref<128xi32, #tpu.memory_space<vmem>>) semaphore(%run_scoped3A_31 : memref<!tpu.dma_semaphore, #tpu.memory_space<semaphore_mem>>) {add = true}
      %dma_wait3A_38 = arith.constant 0 : i32
      %dma_wait3A_39 = tpu.memref_slice %arg8[%run_scoped3A_22, %dma_wait3A_38] : memref<1x128xi32, #tpu.memory_space<vmem>> -> memref<1x128xi32, #tpu.memory_space<vmem>>
      %dma_wait3A_40 = tpu.memref_squeeze %dma_wait3A_39 : memref<1x128xi32, #tpu.memory_space<vmem>> -> memref<128xi32, #tpu.memory_space<vmem>>
      %dma_wait3A_41 = arith.constant 0 : i32
      %dma_wait3A_42 = arith.constant 0 : i32
      %dma_wait3A_43 = tpu.memref_slice %arg12[%dma_wait3A_41, %dma_wait3A_42] : memref<10008x128xf32, #tpu.memory_space<vmem_shared>> -> memref<10008x128xf32, #tpu.memory_space<vmem_shared>>
      tpu.wait_indirect_dma semaphore(%run_scoped3A_31 : memref<!tpu.dma_semaphore, #tpu.memory_space<semaphore_mem>>) src(%arg10 : memref<128x128xf32, #tpu.memory_space<vmem>>) dst(%dma_wait3A_43 : memref<10008x128xf32, #tpu.memory_space<vmem_shared>>)
      tpu.yield
    }) : () -> ()
    %barrier3A_23 = arith.constant 0 : index
    tpu.barrier barrier_id(%barrier3A_23)
    %mul3A_24 = arith.constant 624 : i32
    %mul3A_25 = arith.muli %arg1, %mul3A_24 : i32
    "tpu.region"() ({
      %run_scoped3A_31 = tpu.sem_alloc : memref<!tpu.dma_semaphore, #tpu.memory_space<semaphore_mem>>
      %dma_start3A_32 = arith.constant 0 : i32
      %dma_start3A_33 = tpu.memref_slice %arg6[%arg0, %mul3A_25, %dma_start3A_32] : memref<2x10000x128xf32, #tpu.memory_space<hbm>> -> memref<1x624x128xf32, #tpu.memory_space<hbm>>
      %dma_start3A_34 = tpu.memref_squeeze %dma_start3A_33 : memref<1x624x128xf32, #tpu.memory_space<hbm>> -> memref<624x128xf32, #tpu.memory_space<hbm>>
      %dma_start3A_35 = arith.constant 0 : i32
      %dma_start3A_36 = tpu.memref_slice %arg12[%mul3A_25, %dma_start3A_35] : memref<10008x128xf32, #tpu.memory_space<vmem_shared>> -> memref<624x128xf32, #tpu.memory_space<vmem_shared>>
      tpu.enqueue_dma source(%dma_start3A_36 : memref<624x128xf32, #tpu.memory_space<vmem_shared>>) target(%dma_start3A_34 : memref<624x128xf32, #tpu.memory_space<hbm>>) target_semaphore(%run_scoped3A_31 : memref<!tpu.dma_semaphore, #tpu.memory_space<semaphore_mem>>)
      %dma_wait3A_37 = arith.constant 0 : i32
      %dma_wait3A_38 = tpu.memref_slice %arg6[%arg0, %mul3A_25, %dma_wait3A_37] : memref<2x10000x128xf32, #tpu.memory_space<hbm>> -> memref<1x624x128xf32, #tpu.memory_space<hbm>>
      %dma_wait3A_39 = tpu.memref_squeeze %dma_wait3A_38 : memref<1x624x128xf32, #tpu.memory_space<hbm>> -> memref<624x128xf32, #tpu.memory_space<hbm>>
      %dma_wait3A_40 = arith.constant 0 : i32
      %dma_wait3A_41 = tpu.memref_slice %arg12[%mul3A_25, %dma_wait3A_40] : memref<10008x128xf32, #tpu.memory_space<vmem_shared>> -> memref<624x128xf32, #tpu.memory_space<vmem_shared>>
      tpu.wait_dma2 semaphore(%run_scoped3A_31 : memref<!tpu.dma_semaphore, #tpu.memory_space<semaphore_mem>>) src(%dma_wait3A_41 : memref<624x128xf32, #tpu.memory_space<vmem_shared>>) dst(%dma_wait3A_39 : memref<624x128xf32, #tpu.memory_space<hbm>>)
      tpu.yield
    }) : () -> ()
    %eq3A_26 = arith.constant 0 : i32
    %eq3A_27 = arith.cmpi eq, %arg1, %eq3A_26 : i32
    %convert_element_type3A_28 = arith.extui %eq3A_27 : i1 to i32
    %cond3A_29 = arith.constant 0 : i32
    %cond3A_30 = arith.cmpi ne, %convert_element_type3A_28, %cond3A_29 : i32
    scf.if %cond3A_30 {
      "tpu.region"() ({
        %run_scoped3A_31 = tpu.sem_alloc : memref<!tpu.dma_semaphore, #tpu.memory_space<semaphore_mem>>
        %dma_start3A_32 = arith.constant 9984 : i32
        %dma_start3A_33 = arith.constant 0 : i32
        %dma_start3A_34 = tpu.memref_slice %arg6[%arg0, %dma_start3A_32, %dma_start3A_33] : memref<2x10000x128xf32, #tpu.memory_space<hbm>> -> memref<1x16x128xf32, #tpu.memory_space<hbm>>
        %dma_start3A_35 = tpu.memref_squeeze %dma_start3A_34 : memref<1x16x128xf32, #tpu.memory_space<hbm>> -> memref<16x128xf32, #tpu.memory_space<hbm>>
        %dma_start3A_36 = arith.constant 9984 : i32
        %dma_start3A_37 = arith.constant 0 : i32
        %dma_start3A_38 = tpu.memref_slice %arg12[%dma_start3A_36, %dma_start3A_37] : memref<10008x128xf32, #tpu.memory_space<vmem_shared>> -> memref<16x128xf32, #tpu.memory_space<vmem_shared>>
        tpu.enqueue_dma source(%dma_start3A_38 : memref<16x128xf32, #tpu.memory_space<vmem_shared>>) target(%dma_start3A_35 : memref<16x128xf32, #tpu.memory_space<hbm>>) target_semaphore(%run_scoped3A_31 : memref<!tpu.dma_semaphore, #tpu.memory_space<semaphore_mem>>)
        %dma_wait3A_39 = arith.constant 9984 : i32
        %dma_wait3A_40 = arith.constant 0 : i32
        %dma_wait3A_41 = tpu.memref_slice %arg6[%arg0, %dma_wait3A_39, %dma_wait3A_40] : memref<2x10000x128xf32, #tpu.memory_space<hbm>> -> memref<1x16x128xf32, #tpu.memory_space<hbm>>
        %dma_wait3A_42 = tpu.memref_squeeze %dma_wait3A_41 : memref<1x16x128xf32, #tpu.memory_space<hbm>> -> memref<16x128xf32, #tpu.memory_space<hbm>>
        %dma_wait3A_43 = arith.constant 9984 : i32
        %dma_wait3A_44 = arith.constant 0 : i32
        %dma_wait3A_45 = tpu.memref_slice %arg12[%dma_wait3A_43, %dma_wait3A_44] : memref<10008x128xf32, #tpu.memory_space<vmem_shared>> -> memref<16x128xf32, #tpu.memory_space<vmem_shared>>
        tpu.wait_dma2 semaphore(%run_scoped3A_31 : memref<!tpu.dma_semaphore, #tpu.memory_space<semaphore_mem>>) src(%dma_wait3A_45 : memref<16x128xf32, #tpu.memory_space<vmem_shared>>) dst(%dma_wait3A_42 : memref<16x128xf32, #tpu.memory_space<hbm>>)
        tpu.yield
      }) : () -> ()
    } else {
    }
    return
  }
}

#map = affine_map<(d0, d1) -> (0, 0)>
#map1 = affine_map<(d0, d1) -> (0, 0, 0)>
module attributes {stable_mosaic.version = 14 : i64} {
  func.func @_sc_spmm_body(%arg0: i32, %arg1: i32, %arg2: memref<10000x128xf32, #tpu.memory_space<hbm>>, %arg3: memref<32x79x128xi32, #tpu.memory_space<hbm>>, %arg4: memref<32x79x128xi32, #tpu.memory_space<hbm>>, %arg5: memref<624x128xf32, #tpu.memory_space<hbm>>, %arg6: memref<2x10000x128xf32, #tpu.memory_space<hbm>>, %arg7: memref<79x128xi32, #tpu.memory_space<vmem>>, %arg8: memref<1x128xi32, #tpu.memory_space<vmem>>, %arg9: memref<1x128xi32, #tpu.memory_space<vmem>>, %arg10: memref<128x128xf32, #tpu.memory_space<vmem>>, %arg11: memref<128x128xf32, #tpu.memory_space<vmem>>, %arg12: memref<10008x128xf32, #tpu.memory_space<vmem_shared>>, %arg13: memref<!tpu.dma_semaphore, #tpu.memory_space<semaphore_mem>>, %arg14: memref<!tpu.dma_semaphore, #tpu.memory_space<semaphore_mem>>) attributes {dimension_semantics = [#tpu.dimension_semantics<core_parallel>, #tpu.dimension_semantics<subcore_parallel>], iteration_bounds = array<i64: 2, 16>, scalar_prefetch = 0 : i64, scratch_operands = 8 : i64, tpu.core_type = #tpu.core_type<sc_vector_subcore>, window_params = [{transform_indices = #map}, {transform_indices = #map1}, {transform_indices = #map1}, {transform_indices = #map}, {transform_indices = #map1}]} {
    %mul3A = arith.constant 2 : i32
    %mul3A_0 = arith.muli %arg1, %mul3A : i32
    %add3A = arith.addi %mul3A_0, %arg0 : i32
    "tpu.region"() ({
      %run_scoped3A_31 = tpu.sem_alloc : memref<!tpu.dma_semaphore, #tpu.memory_space<semaphore_mem>>
      %dma_start3A_32 = arith.constant 0 : i32
      %dma_start3A_33 = arith.constant 0 : i32
      %dma_start3A_34 = tpu.memref_slice %arg3[%add3A, %dma_start3A_32, %dma_start3A_33] : memref<32x79x128xi32, #tpu.memory_space<hbm>> -> memref<1x79x128xi32, #tpu.memory_space<hbm>>
      %dma_start3A_35 = tpu.memref_squeeze %dma_start3A_34 : memref<1x79x128xi32, #tpu.memory_space<hbm>> -> memref<79x128xi32, #tpu.memory_space<hbm>>
      %dma_start3A_36 = arith.constant 0 : i32
      %dma_start3A_37 = arith.constant 0 : i32
      %dma_start3A_38 = tpu.memref_slice %arg3[%add3A, %dma_start3A_36, %dma_start3A_37] : memref<32x79x128xi32, #tpu.memory_space<hbm>> -> memref<1x79x128xi32, #tpu.memory_space<hbm>>
      %dma_start3A_39 = tpu.memref_squeeze %dma_start3A_38 : memref<1x79x128xi32, #tpu.memory_space<hbm>> -> memref<79x128xi32, #tpu.memory_space<hbm>>
      tpu.enqueue_dma source(%dma_start3A_39 : memref<79x128xi32, #tpu.memory_space<hbm>>) target(%arg7 : memref<79x128xi32, #tpu.memory_space<vmem>>) target_semaphore(%run_scoped3A_31 : memref<!tpu.dma_semaphore, #tpu.memory_space<semaphore_mem>>)
      %dma_wait3A_40 = arith.constant 0 : i32
      %dma_wait3A_41 = arith.constant 0 : i32
      %dma_wait3A_42 = tpu.memref_slice %arg3[%add3A, %dma_wait3A_40, %dma_wait3A_41] : memref<32x79x128xi32, #tpu.memory_space<hbm>> -> memref<1x79x128xi32, #tpu.memory_space<hbm>>
      %dma_wait3A_43 = tpu.memref_squeeze %dma_wait3A_42 : memref<1x79x128xi32, #tpu.memory_space<hbm>> -> memref<79x128xi32, #tpu.memory_space<hbm>>
      %dma_wait3A_44 = arith.constant 0 : i32
      %dma_wait3A_45 = arith.constant 0 : i32
      %dma_wait3A_46 = tpu.memref_slice %arg3[%add3A, %dma_wait3A_44, %dma_wait3A_45] : memref<32x79x128xi32, #tpu.memory_space<hbm>> -> memref<1x79x128xi32, #tpu.memory_space<hbm>>
      %dma_wait3A_47 = tpu.memref_squeeze %dma_wait3A_46 : memref<1x79x128xi32, #tpu.memory_space<hbm>> -> memref<79x128xi32, #tpu.memory_space<hbm>>
      tpu.wait_dma2 semaphore(%run_scoped3A_31 : memref<!tpu.dma_semaphore, #tpu.memory_space<semaphore_mem>>) src(%dma_wait3A_47 : memref<79x128xi32, #tpu.memory_space<hbm>>) dst(%arg7 : memref<79x128xi32, #tpu.memory_space<vmem>>)
      tpu.yield
    }) : () -> ()
    %mul3A_1 = arith.constant 624 : i32
    %mul3A_2 = arith.muli %arg1, %mul3A_1 : i32
    "tpu.region"() ({
      %run_scoped3A_31 = tpu.sem_alloc : memref<!tpu.dma_semaphore, #tpu.memory_space<semaphore_mem>>
      %dma_start3A_32 = arith.constant 0 : i32
      %dma_start3A_33 = tpu.memref_slice %arg12[%mul3A_2, %dma_start3A_32] : memref<10008x128xf32, #tpu.memory_space<vmem_shared>> -> memref<624x128xf32, #tpu.memory_space<vmem_shared>>
      tpu.enqueue_dma source(%arg5 : memref<624x128xf32, #tpu.memory_space<hbm>>) target(%dma_start3A_33 : memref<624x128xf32, #tpu.memory_space<vmem_shared>>) target_semaphore(%run_scoped3A_31 : memref<!tpu.dma_semaphore, #tpu.memory_space<semaphore_mem>>)
      %dma_wait3A_34 = arith.constant 0 : i32
      %dma_wait3A_35 = tpu.memref_slice %arg12[%mul3A_2, %dma_wait3A_34] : memref<10008x128xf32, #tpu.memory_space<vmem_shared>> -> memref<624x128xf32, #tpu.memory_space<vmem_shared>>
      tpu.wait_dma2 semaphore(%run_scoped3A_31 : memref<!tpu.dma_semaphore, #tpu.memory_space<semaphore_mem>>) src(%arg5 : memref<624x128xf32, #tpu.memory_space<hbm>>) dst(%dma_wait3A_35 : memref<624x128xf32, #tpu.memory_space<vmem_shared>>)
      tpu.yield
    }) : () -> ()
    %eq3A = arith.constant 0 : i32
    %eq3A_3 = arith.cmpi eq, %arg1, %eq3A : i32
    %convert_element_type3A = arith.extui %eq3A_3 : i1 to i32
    %cond3A = arith.constant 0 : i32
    %cond3A_4 = arith.cmpi ne, %convert_element_type3A, %cond3A : i32
    scf.if %cond3A_4 {
      "tpu.region"() ({
        %run_scoped3A_31 = tpu.sem_alloc : memref<!tpu.dma_semaphore, #tpu.memory_space<semaphore_mem>>
        %dma_start3A_32 = arith.constant 9984 : i32
        %dma_start3A_33 = arith.constant 0 : i32
        %dma_start3A_34 = tpu.memref_slice %arg12[%dma_start3A_32, %dma_start3A_33] : memref<10008x128xf32, #tpu.memory_space<vmem_shared>> -> memref<16x128xf32, #tpu.memory_space<vmem_shared>>
        %dma_start3A_35 = arith.constant 0 : i32
        %dma_start3A_36 = arith.constant 0 : i32
        %dma_start3A_37 = tpu.memref_slice %arg5[%dma_start3A_35, %dma_start3A_36] : memref<624x128xf32, #tpu.memory_space<hbm>> -> memref<16x128xf32, #tpu.memory_space<hbm>>
        tpu.enqueue_dma source(%dma_start3A_37 : memref<16x128xf32, #tpu.memory_space<hbm>>) target(%dma_start3A_34 : memref<16x128xf32, #tpu.memory_space<vmem_shared>>) target_semaphore(%run_scoped3A_31 : memref<!tpu.dma_semaphore, #tpu.memory_space<semaphore_mem>>)
        %dma_wait3A_38 = arith.constant 9984 : i32
        %dma_wait3A_39 = arith.constant 0 : i32
        %dma_wait3A_40 = tpu.memref_slice %arg12[%dma_wait3A_38, %dma_wait3A_39] : memref<10008x128xf32, #tpu.memory_space<vmem_shared>> -> memref<16x128xf32, #tpu.memory_space<vmem_shared>>
        %dma_wait3A_41 = arith.constant 0 : i32
        %dma_wait3A_42 = arith.constant 0 : i32
        %dma_wait3A_43 = tpu.memref_slice %arg5[%dma_wait3A_41, %dma_wait3A_42] : memref<624x128xf32, #tpu.memory_space<hbm>> -> memref<16x128xf32, #tpu.memory_space<hbm>>
        tpu.wait_dma2 semaphore(%run_scoped3A_31 : memref<!tpu.dma_semaphore, #tpu.memory_space<semaphore_mem>>) src(%dma_wait3A_43 : memref<16x128xf32, #tpu.memory_space<hbm>>) dst(%dma_wait3A_40 : memref<16x128xf32, #tpu.memory_space<vmem_shared>>)
        tpu.yield
      }) : () -> ()
    } else {
    }
    %barrier3A = arith.constant 0 : index
    tpu.barrier barrier_id(%barrier3A)
    %dma_start3A = arith.constant 0 : i32
    %dma_start3A_5 = arith.constant 0 : i32
    %dma_start3A_6 = tpu.memref_slice %arg7[%dma_start3A, %dma_start3A_5] : memref<79x128xi32, #tpu.memory_space<vmem>> -> memref<1x128xi32, #tpu.memory_space<vmem>>
    %dma_start3A_7 = tpu.memref_squeeze %dma_start3A_6 : memref<1x128xi32, #tpu.memory_space<vmem>> -> memref<128xi32, #tpu.memory_space<vmem>>
    %dma_start3A_8 = arith.constant 0 : i32
    %dma_start3A_9 = arith.constant 0 : i32
    %dma_start3A_10 = tpu.memref_slice %arg2[%dma_start3A_8, %dma_start3A_9] : memref<10000x128xf32, #tpu.memory_space<hbm>> -> memref<10000x128xf32, #tpu.memory_space<hbm>>
    tpu.enqueue_indirect_dma source(%dma_start3A_10 : memref<10000x128xf32, #tpu.memory_space<hbm>>) target(%arg10 : memref<128x128xf32, #tpu.memory_space<vmem>>) offsets(%dma_start3A_7 : memref<128xi32, #tpu.memory_space<vmem>>) semaphore(%arg13 : memref<!tpu.dma_semaphore, #tpu.memory_space<semaphore_mem>>)
    %run_scoped3A = arith.constant 0 : i32
    %run_scoped3A_11 = arith.constant 0 : i32
    "tpu.region"() ({
      %run_scoped3A_31 = tpu.sem_alloc : memref<!tpu.dma_semaphore, #tpu.memory_space<semaphore_mem>>
      %dma_start3A_32 = arith.constant 0 : i32
      %dma_start3A_33 = tpu.memref_slice %arg8[%run_scoped3A_11, %dma_start3A_32] : memref<1x128xi32, #tpu.memory_space<vmem>> -> memref<1x128xi32, #tpu.memory_space<vmem>>
      %dma_start3A_34 = tpu.memref_squeeze %dma_start3A_33 : memref<1x128xi32, #tpu.memory_space<vmem>> -> memref<128xi32, #tpu.memory_space<vmem>>
      %dma_start3A_35 = arith.constant 0 : i32
      %dma_start3A_36 = tpu.memref_slice %arg4[%add3A, %run_scoped3A, %dma_start3A_35] : memref<32x79x128xi32, #tpu.memory_space<hbm>> -> memref<1x1x128xi32, #tpu.memory_space<hbm>>
      %dma_start3A_37 = tpu.memref_squeeze %dma_start3A_36 : memref<1x1x128xi32, #tpu.memory_space<hbm>> -> memref<128xi32, #tpu.memory_space<hbm>>
      %dma_start3A_38 = arith.constant 0 : i32
      %dma_start3A_39 = tpu.memref_slice %arg8[%run_scoped3A_11, %dma_start3A_38] : memref<1x128xi32, #tpu.memory_space<vmem>> -> memref<1x128xi32, #tpu.memory_space<vmem>>
      %dma_start3A_40 = tpu.memref_squeeze %dma_start3A_39 : memref<1x128xi32, #tpu.memory_space<vmem>> -> memref<128xi32, #tpu.memory_space<vmem>>
      %dma_start3A_41 = arith.constant 0 : i32
      %dma_start3A_42 = tpu.memref_slice %arg4[%add3A, %run_scoped3A, %dma_start3A_41] : memref<32x79x128xi32, #tpu.memory_space<hbm>> -> memref<1x1x128xi32, #tpu.memory_space<hbm>>
      %dma_start3A_43 = tpu.memref_squeeze %dma_start3A_42 : memref<1x1x128xi32, #tpu.memory_space<hbm>> -> memref<128xi32, #tpu.memory_space<hbm>>
      tpu.enqueue_dma source(%dma_start3A_43 : memref<128xi32, #tpu.memory_space<hbm>>) target(%dma_start3A_40 : memref<128xi32, #tpu.memory_space<vmem>>) target_semaphore(%run_scoped3A_31 : memref<!tpu.dma_semaphore, #tpu.memory_space<semaphore_mem>>)
      %dma_wait3A_44 = arith.constant 0 : i32
      %dma_wait3A_45 = tpu.memref_slice %arg8[%run_scoped3A_11, %dma_wait3A_44] : memref<1x128xi32, #tpu.memory_space<vmem>> -> memref<1x128xi32, #tpu.memory_space<vmem>>
      %dma_wait3A_46 = tpu.memref_squeeze %dma_wait3A_45 : memref<1x128xi32, #tpu.memory_space<vmem>> -> memref<128xi32, #tpu.memory_space<vmem>>
      %dma_wait3A_47 = arith.constant 0 : i32
      %dma_wait3A_48 = tpu.memref_slice %arg4[%add3A, %run_scoped3A, %dma_wait3A_47] : memref<32x79x128xi32, #tpu.memory_space<hbm>> -> memref<1x1x128xi32, #tpu.memory_space<hbm>>
      %dma_wait3A_49 = tpu.memref_squeeze %dma_wait3A_48 : memref<1x1x128xi32, #tpu.memory_space<hbm>> -> memref<128xi32, #tpu.memory_space<hbm>>
      %dma_wait3A_50 = arith.constant 0 : i32
      %dma_wait3A_51 = tpu.memref_slice %arg8[%run_scoped3A_11, %dma_wait3A_50] : memref<1x128xi32, #tpu.memory_space<vmem>> -> memref<1x128xi32, #tpu.memory_space<vmem>>
      %dma_wait3A_52 = tpu.memref_squeeze %dma_wait3A_51 : memref<1x128xi32, #tpu.memory_space<vmem>> -> memref<128xi32, #tpu.memory_space<vmem>>
      %dma_wait3A_53 = arith.constant 0 : i32
      %dma_wait3A_54 = tpu.memref_slice %arg4[%add3A, %run_scoped3A, %dma_wait3A_53] : memref<32x79x128xi32, #tpu.memory_space<hbm>> -> memref<1x1x128xi32, #tpu.memory_space<hbm>>
      %dma_wait3A_55 = tpu.memref_squeeze %dma_wait3A_54 : memref<1x1x128xi32, #tpu.memory_space<hbm>> -> memref<128xi32, #tpu.memory_space<hbm>>
      tpu.wait_dma2 semaphore(%run_scoped3A_31 : memref<!tpu.dma_semaphore, #tpu.memory_space<semaphore_mem>>) src(%dma_wait3A_55 : memref<128xi32, #tpu.memory_space<hbm>>) dst(%dma_wait3A_52 : memref<128xi32, #tpu.memory_space<vmem>>)
      tpu.yield
    }) : () -> ()
    %scan3A = arith.constant 0 : i32
    %scan3A_12 = arith.constant 39 : i32
    %scan3A_13 = arith.addi %scan3A, %scan3A_12 : i32
    %scan3A_14 = arith.constant 1 : i32
    scf.for %scan3A_31 = %scan3A to %scan3A_13 step %scan3A_14  : i32 {
      %mul3A_32 = arith.constant 1 : i32
      %mul3A_33 = arith.muli %scan3A_31, %mul3A_32 : i32
      %add3A_34 = arith.constant 0 : i32
      %add3A_35 = arith.addi %add3A_34, %mul3A_33 : i32
      %mul3A_36 = arith.constant 2 : i32
      %mul3A_37 = arith.muli %mul3A_36, %add3A_35 : i32
      %add3A_38 = arith.constant 1 : i32
      %add3A_39 = arith.addi %mul3A_37, %add3A_38 : i32
      %dma_start3A_40 = arith.constant 0 : i32
      %dma_start3A_41 = tpu.memref_slice %arg7[%add3A_39, %dma_start3A_40] : memref<79x128xi32, #tpu.memory_space<vmem>> -> memref<1x128xi32, #tpu.memory_space<vmem>>
      %dma_start3A_42 = tpu.memref_squeeze %dma_start3A_41 : memref<1x128xi32, #tpu.memory_space<vmem>> -> memref<128xi32, #tpu.memory_space<vmem>>
      %dma_start3A_43 = arith.constant 0 : i32
      %dma_start3A_44 = arith.constant 0 : i32
      %dma_start3A_45 = tpu.memref_slice %arg2[%dma_start3A_43, %dma_start3A_44] : memref<10000x128xf32, #tpu.memory_space<hbm>> -> memref<10000x128xf32, #tpu.memory_space<hbm>>
      tpu.enqueue_indirect_dma source(%dma_start3A_45 : memref<10000x128xf32, #tpu.memory_space<hbm>>) target(%arg11 : memref<128x128xf32, #tpu.memory_space<vmem>>) offsets(%dma_start3A_42 : memref<128xi32, #tpu.memory_space<vmem>>) semaphore(%arg14 : memref<!tpu.dma_semaphore, #tpu.memory_space<semaphore_mem>>)
      %add3A_46 = arith.constant 1 : i32
      %add3A_47 = arith.addi %mul3A_37, %add3A_46 : i32
      %run_scoped3A_48 = arith.constant 0 : i32
      "tpu.region"() ({
        %run_scoped3A_71 = tpu.sem_alloc : memref<!tpu.dma_semaphore, #tpu.memory_space<semaphore_mem>>
        %dma_start3A_72 = arith.constant 0 : i32
        %dma_start3A_73 = tpu.memref_slice %arg9[%run_scoped3A_48, %dma_start3A_72] : memref<1x128xi32, #tpu.memory_space<vmem>> -> memref<1x128xi32, #tpu.memory_space<vmem>>
        %dma_start3A_74 = tpu.memref_squeeze %dma_start3A_73 : memref<1x128xi32, #tpu.memory_space<vmem>> -> memref<128xi32, #tpu.memory_space<vmem>>
        %dma_start3A_75 = arith.constant 0 : i32
        %dma_start3A_76 = tpu.memref_slice %arg4[%add3A, %add3A_47, %dma_start3A_75] : memref<32x79x128xi32, #tpu.memory_space<hbm>> -> memref<1x1x128xi32, #tpu.memory_space<hbm>>
        %dma_start3A_77 = tpu.memref_squeeze %dma_start3A_76 : memref<1x1x128xi32, #tpu.memory_space<hbm>> -> memref<128xi32, #tpu.memory_space<hbm>>
        %dma_start3A_78 = arith.constant 0 : i32
        %dma_start3A_79 = tpu.memref_slice %arg9[%run_scoped3A_48, %dma_start3A_78] : memref<1x128xi32, #tpu.memory_space<vmem>> -> memref<1x128xi32, #tpu.memory_space<vmem>>
        %dma_start3A_80 = tpu.memref_squeeze %dma_start3A_79 : memref<1x128xi32, #tpu.memory_space<vmem>> -> memref<128xi32, #tpu.memory_space<vmem>>
        %dma_start3A_81 = arith.constant 0 : i32
        %dma_start3A_82 = tpu.memref_slice %arg4[%add3A, %add3A_47, %dma_start3A_81] : memref<32x79x128xi32, #tpu.memory_space<hbm>> -> memref<1x1x128xi32, #tpu.memory_space<hbm>>
        %dma_start3A_83 = tpu.memref_squeeze %dma_start3A_82 : memref<1x1x128xi32, #tpu.memory_space<hbm>> -> memref<128xi32, #tpu.memory_space<hbm>>
        tpu.enqueue_dma source(%dma_start3A_83 : memref<128xi32, #tpu.memory_space<hbm>>) target(%dma_start3A_80 : memref<128xi32, #tpu.memory_space<vmem>>) target_semaphore(%run_scoped3A_71 : memref<!tpu.dma_semaphore, #tpu.memory_space<semaphore_mem>>)
        %dma_wait3A_84 = arith.constant 0 : i32
        %dma_wait3A_85 = tpu.memref_slice %arg9[%run_scoped3A_48, %dma_wait3A_84] : memref<1x128xi32, #tpu.memory_space<vmem>> -> memref<1x128xi32, #tpu.memory_space<vmem>>
        %dma_wait3A_86 = tpu.memref_squeeze %dma_wait3A_85 : memref<1x128xi32, #tpu.memory_space<vmem>> -> memref<128xi32, #tpu.memory_space<vmem>>
        %dma_wait3A_87 = arith.constant 0 : i32
        %dma_wait3A_88 = tpu.memref_slice %arg4[%add3A, %add3A_47, %dma_wait3A_87] : memref<32x79x128xi32, #tpu.memory_space<hbm>> -> memref<1x1x128xi32, #tpu.memory_space<hbm>>
        %dma_wait3A_89 = tpu.memref_squeeze %dma_wait3A_88 : memref<1x1x128xi32, #tpu.memory_space<hbm>> -> memref<128xi32, #tpu.memory_space<hbm>>
        %dma_wait3A_90 = arith.constant 0 : i32
        %dma_wait3A_91 = tpu.memref_slice %arg9[%run_scoped3A_48, %dma_wait3A_90] : memref<1x128xi32, #tpu.memory_space<vmem>> -> memref<1x128xi32, #tpu.memory_space<vmem>>
        %dma_wait3A_92 = tpu.memref_squeeze %dma_wait3A_91 : memref<1x128xi32, #tpu.memory_space<vmem>> -> memref<128xi32, #tpu.memory_space<vmem>>
        %dma_wait3A_93 = arith.constant 0 : i32
        %dma_wait3A_94 = tpu.memref_slice %arg4[%add3A, %add3A_47, %dma_wait3A_93] : memref<32x79x128xi32, #tpu.memory_space<hbm>> -> memref<1x1x128xi32, #tpu.memory_space<hbm>>
        %dma_wait3A_95 = tpu.memref_squeeze %dma_wait3A_94 : memref<1x1x128xi32, #tpu.memory_space<hbm>> -> memref<128xi32, #tpu.memory_space<hbm>>
        tpu.wait_dma2 semaphore(%run_scoped3A_71 : memref<!tpu.dma_semaphore, #tpu.memory_space<semaphore_mem>>) src(%dma_wait3A_95 : memref<128xi32, #tpu.memory_space<hbm>>) dst(%dma_wait3A_92 : memref<128xi32, #tpu.memory_space<vmem>>)
        tpu.yield
      }) : () -> ()
      %dma_wait3A_49 = arith.constant 0 : i32
      %dma_wait3A_50 = tpu.memref_slice %arg7[%mul3A_37, %dma_wait3A_49] : memref<79x128xi32, #tpu.memory_space<vmem>> -> memref<1x128xi32, #tpu.memory_space<vmem>>
      %dma_wait3A_51 = tpu.memref_squeeze %dma_wait3A_50 : memref<1x128xi32, #tpu.memory_space<vmem>> -> memref<128xi32, #tpu.memory_space<vmem>>
      %dma_wait3A_52 = arith.constant 0 : i32
      %dma_wait3A_53 = arith.constant 0 : i32
      %dma_wait3A_54 = tpu.memref_slice %arg2[%dma_wait3A_52, %dma_wait3A_53] : memref<10000x128xf32, #tpu.memory_space<hbm>> -> memref<10000x128xf32, #tpu.memory_space<hbm>>
      tpu.wait_indirect_dma semaphore(%arg13 : memref<!tpu.dma_semaphore, #tpu.memory_space<semaphore_mem>>) src(%dma_wait3A_54 : memref<10000x128xf32, #tpu.memory_space<hbm>>) dst(%arg10 : memref<128x128xf32, #tpu.memory_space<vmem>>)
      %run_scoped3A_55 = arith.constant 0 : i32
      "tpu.region"() ({
        %run_scoped3A_71 = tpu.sem_alloc : memref<!tpu.dma_semaphore, #tpu.memory_space<semaphore_mem>>
        %dma_start3A_72 = arith.constant 0 : i32
        %dma_start3A_73 = tpu.memref_slice %arg8[%run_scoped3A_55, %dma_start3A_72] : memref<1x128xi32, #tpu.memory_space<vmem>> -> memref<1x128xi32, #tpu.memory_space<vmem>>
        %dma_start3A_74 = tpu.memref_squeeze %dma_start3A_73 : memref<1x128xi32, #tpu.memory_space<vmem>> -> memref<128xi32, #tpu.memory_space<vmem>>
        %dma_start3A_75 = arith.constant 0 : i32
        %dma_start3A_76 = arith.constant 0 : i32
        %dma_start3A_77 = tpu.memref_slice %arg12[%dma_start3A_75, %dma_start3A_76] : memref<10008x128xf32, #tpu.memory_space<vmem_shared>> -> memref<10008x128xf32, #tpu.memory_space<vmem_shared>>
        tpu.enqueue_indirect_dma source(%arg10 : memref<128x128xf32, #tpu.memory_space<vmem>>) target(%dma_start3A_77 : memref<10008x128xf32, #tpu.memory_space<vmem_shared>>) offsets(%dma_start3A_74 : memref<128xi32, #tpu.memory_space<vmem>>) semaphore(%run_scoped3A_71 : memref<!tpu.dma_semaphore, #tpu.memory_space<semaphore_mem>>) {add = true}
        %dma_wait3A_78 = arith.constant 0 : i32
        %dma_wait3A_79 = tpu.memref_slice %arg8[%run_scoped3A_55, %dma_wait3A_78] : memref<1x128xi32, #tpu.memory_space<vmem>> -> memref<1x128xi32, #tpu.memory_space<vmem>>
        %dma_wait3A_80 = tpu.memref_squeeze %dma_wait3A_79 : memref<1x128xi32, #tpu.memory_space<vmem>> -> memref<128xi32, #tpu.memory_space<vmem>>
        %dma_wait3A_81 = arith.constant 0 : i32
        %dma_wait3A_82 = arith.constant 0 : i32
        %dma_wait3A_83 = tpu.memref_slice %arg12[%dma_wait3A_81, %dma_wait3A_82] : memref<10008x128xf32, #tpu.memory_space<vmem_shared>> -> memref<10008x128xf32, #tpu.memory_space<vmem_shared>>
        tpu.wait_indirect_dma semaphore(%run_scoped3A_71 : memref<!tpu.dma_semaphore, #tpu.memory_space<semaphore_mem>>) src(%arg10 : memref<128x128xf32, #tpu.memory_space<vmem>>) dst(%dma_wait3A_83 : memref<10008x128xf32, #tpu.memory_space<vmem_shared>>)
        tpu.yield
      }) : () -> ()
      %add3A_56 = arith.constant 2 : i32
      %add3A_57 = arith.addi %mul3A_37, %add3A_56 : i32
      %lt3A = arith.constant 79 : i32
      %lt3A_58 = arith.cmpi slt, %add3A_57, %lt3A : i32
      %convert_element_type3A_59 = arith.extui %lt3A_58 : i1 to i32
      %cond3A_60 = arith.constant 0 : i32
      %cond3A_61 = arith.cmpi ne, %convert_element_type3A_59, %cond3A_60 : i32
      scf.if %cond3A_61 {
        %add3A_71 = arith.constant 2 : i32
        %add3A_72 = arith.addi %mul3A_37, %add3A_71 : i32
        %dma_start3A_73 = arith.constant 0 : i32
        %dma_start3A_74 = tpu.memref_slice %arg7[%add3A_72, %dma_start3A_73] : memref<79x128xi32, #tpu.memory_space<vmem>> -> memref<1x128xi32, #tpu.memory_space<vmem>>
        %dma_start3A_75 = tpu.memref_squeeze %dma_start3A_74 : memref<1x128xi32, #tpu.memory_space<vmem>> -> memref<128xi32, #tpu.memory_space<vmem>>
        %dma_start3A_76 = arith.constant 0 : i32
        %dma_start3A_77 = arith.constant 0 : i32
        %dma_start3A_78 = tpu.memref_slice %arg2[%dma_start3A_76, %dma_start3A_77] : memref<10000x128xf32, #tpu.memory_space<hbm>> -> memref<10000x128xf32, #tpu.memory_space<hbm>>
        tpu.enqueue_indirect_dma source(%dma_start3A_78 : memref<10000x128xf32, #tpu.memory_space<hbm>>) target(%arg10 : memref<128x128xf32, #tpu.memory_space<vmem>>) offsets(%dma_start3A_75 : memref<128xi32, #tpu.memory_space<vmem>>) semaphore(%arg13 : memref<!tpu.dma_semaphore, #tpu.memory_space<semaphore_mem>>)
        %add3A_79 = arith.constant 2 : i32
        %add3A_80 = arith.addi %mul3A_37, %add3A_79 : i32
        %run_scoped3A_81 = arith.constant 0 : i32
        "tpu.region"() ({
          %run_scoped3A_82 = tpu.sem_alloc : memref<!tpu.dma_semaphore, #tpu.memory_space<semaphore_mem>>
          %dma_start3A_83 = arith.constant 0 : i32
          %dma_start3A_84 = tpu.memref_slice %arg8[%run_scoped3A_81, %dma_start3A_83] : memref<1x128xi32, #tpu.memory_space<vmem>> -> memref<1x128xi32, #tpu.memory_space<vmem>>
          %dma_start3A_85 = tpu.memref_squeeze %dma_start3A_84 : memref<1x128xi32, #tpu.memory_space<vmem>> -> memref<128xi32, #tpu.memory_space<vmem>>
          %dma_start3A_86 = arith.constant 0 : i32
          %dma_start3A_87 = tpu.memref_slice %arg4[%add3A, %add3A_80, %dma_start3A_86] : memref<32x79x128xi32, #tpu.memory_space<hbm>> -> memref<1x1x128xi32, #tpu.memory_space<hbm>>
          %dma_start3A_88 = tpu.memref_squeeze %dma_start3A_87 : memref<1x1x128xi32, #tpu.memory_space<hbm>> -> memref<128xi32, #tpu.memory_space<hbm>>
          %dma_start3A_89 = arith.constant 0 : i32
          %dma_start3A_90 = tpu.memref_slice %arg8[%run_scoped3A_81, %dma_start3A_89] : memref<1x128xi32, #tpu.memory_space<vmem>> -> memref<1x128xi32, #tpu.memory_space<vmem>>
          %dma_start3A_91 = tpu.memref_squeeze %dma_start3A_90 : memref<1x128xi32, #tpu.memory_space<vmem>> -> memref<128xi32, #tpu.memory_space<vmem>>
          %dma_start3A_92 = arith.constant 0 : i32
          %dma_start3A_93 = tpu.memref_slice %arg4[%add3A, %add3A_80, %dma_start3A_92] : memref<32x79x128xi32, #tpu.memory_space<hbm>> -> memref<1x1x128xi32, #tpu.memory_space<hbm>>
          %dma_start3A_94 = tpu.memref_squeeze %dma_start3A_93 : memref<1x1x128xi32, #tpu.memory_space<hbm>> -> memref<128xi32, #tpu.memory_space<hbm>>
          tpu.enqueue_dma source(%dma_start3A_94 : memref<128xi32, #tpu.memory_space<hbm>>) target(%dma_start3A_91 : memref<128xi32, #tpu.memory_space<vmem>>) target_semaphore(%run_scoped3A_82 : memref<!tpu.dma_semaphore, #tpu.memory_space<semaphore_mem>>)
          %dma_wait3A_95 = arith.constant 0 : i32
          %dma_wait3A_96 = tpu.memref_slice %arg8[%run_scoped3A_81, %dma_wait3A_95] : memref<1x128xi32, #tpu.memory_space<vmem>> -> memref<1x128xi32, #tpu.memory_space<vmem>>
          %dma_wait3A_97 = tpu.memref_squeeze %dma_wait3A_96 : memref<1x128xi32, #tpu.memory_space<vmem>> -> memref<128xi32, #tpu.memory_space<vmem>>
          %dma_wait3A_98 = arith.constant 0 : i32
          %dma_wait3A_99 = tpu.memref_slice %arg4[%add3A, %add3A_80, %dma_wait3A_98] : memref<32x79x128xi32, #tpu.memory_space<hbm>> -> memref<1x1x128xi32, #tpu.memory_space<hbm>>
          %dma_wait3A_100 = tpu.memref_squeeze %dma_wait3A_99 : memref<1x1x128xi32, #tpu.memory_space<hbm>> -> memref<128xi32, #tpu.memory_space<hbm>>
          %dma_wait3A_101 = arith.constant 0 : i32
          %dma_wait3A_102 = tpu.memref_slice %arg8[%run_scoped3A_81, %dma_wait3A_101] : memref<1x128xi32, #tpu.memory_space<vmem>> -> memref<1x128xi32, #tpu.memory_space<vmem>>
          %dma_wait3A_103 = tpu.memref_squeeze %dma_wait3A_102 : memref<1x128xi32, #tpu.memory_space<vmem>> -> memref<128xi32, #tpu.memory_space<vmem>>
          %dma_wait3A_104 = arith.constant 0 : i32
          %dma_wait3A_105 = tpu.memref_slice %arg4[%add3A, %add3A_80, %dma_wait3A_104] : memref<32x79x128xi32, #tpu.memory_space<hbm>> -> memref<1x1x128xi32, #tpu.memory_space<hbm>>
          %dma_wait3A_106 = tpu.memref_squeeze %dma_wait3A_105 : memref<1x1x128xi32, #tpu.memory_space<hbm>> -> memref<128xi32, #tpu.memory_space<hbm>>
          tpu.wait_dma2 semaphore(%run_scoped3A_82 : memref<!tpu.dma_semaphore, #tpu.memory_space<semaphore_mem>>) src(%dma_wait3A_106 : memref<128xi32, #tpu.memory_space<hbm>>) dst(%dma_wait3A_103 : memref<128xi32, #tpu.memory_space<vmem>>)
          tpu.yield
        }) : () -> ()
      } else {
      }
      %add3A_62 = arith.constant 1 : i32
      %add3A_63 = arith.addi %mul3A_37, %add3A_62 : i32
      %dma_wait3A_64 = arith.constant 0 : i32
      %dma_wait3A_65 = tpu.memref_slice %arg7[%add3A_63, %dma_wait3A_64] : memref<79x128xi32, #tpu.memory_space<vmem>> -> memref<1x128xi32, #tpu.memory_space<vmem>>
      %dma_wait3A_66 = tpu.memref_squeeze %dma_wait3A_65 : memref<1x128xi32, #tpu.memory_space<vmem>> -> memref<128xi32, #tpu.memory_space<vmem>>
      %dma_wait3A_67 = arith.constant 0 : i32
      %dma_wait3A_68 = arith.constant 0 : i32
      %dma_wait3A_69 = tpu.memref_slice %arg2[%dma_wait3A_67, %dma_wait3A_68] : memref<10000x128xf32, #tpu.memory_space<hbm>> -> memref<10000x128xf32, #tpu.memory_space<hbm>>
      tpu.wait_indirect_dma semaphore(%arg14 : memref<!tpu.dma_semaphore, #tpu.memory_space<semaphore_mem>>) src(%dma_wait3A_69 : memref<10000x128xf32, #tpu.memory_space<hbm>>) dst(%arg11 : memref<128x128xf32, #tpu.memory_space<vmem>>)
      %run_scoped3A_70 = arith.constant 0 : i32
      "tpu.region"() ({
        %run_scoped3A_71 = tpu.sem_alloc : memref<!tpu.dma_semaphore, #tpu.memory_space<semaphore_mem>>
        %dma_start3A_72 = arith.constant 0 : i32
        %dma_start3A_73 = tpu.memref_slice %arg9[%run_scoped3A_70, %dma_start3A_72] : memref<1x128xi32, #tpu.memory_space<vmem>> -> memref<1x128xi32, #tpu.memory_space<vmem>>
        %dma_start3A_74 = tpu.memref_squeeze %dma_start3A_73 : memref<1x128xi32, #tpu.memory_space<vmem>> -> memref<128xi32, #tpu.memory_space<vmem>>
        %dma_start3A_75 = arith.constant 0 : i32
        %dma_start3A_76 = arith.constant 0 : i32
        %dma_start3A_77 = tpu.memref_slice %arg12[%dma_start3A_75, %dma_start3A_76] : memref<10008x128xf32, #tpu.memory_space<vmem_shared>> -> memref<10008x128xf32, #tpu.memory_space<vmem_shared>>
        tpu.enqueue_indirect_dma source(%arg11 : memref<128x128xf32, #tpu.memory_space<vmem>>) target(%dma_start3A_77 : memref<10008x128xf32, #tpu.memory_space<vmem_shared>>) offsets(%dma_start3A_74 : memref<128xi32, #tpu.memory_space<vmem>>) semaphore(%run_scoped3A_71 : memref<!tpu.dma_semaphore, #tpu.memory_space<semaphore_mem>>) {add = true}
        %dma_wait3A_78 = arith.constant 0 : i32
        %dma_wait3A_79 = tpu.memref_slice %arg9[%run_scoped3A_70, %dma_wait3A_78] : memref<1x128xi32, #tpu.memory_space<vmem>> -> memref<1x128xi32, #tpu.memory_space<vmem>>
        %dma_wait3A_80 = tpu.memref_squeeze %dma_wait3A_79 : memref<1x128xi32, #tpu.memory_space<vmem>> -> memref<128xi32, #tpu.memory_space<vmem>>
        %dma_wait3A_81 = arith.constant 0 : i32
        %dma_wait3A_82 = arith.constant 0 : i32
        %dma_wait3A_83 = tpu.memref_slice %arg12[%dma_wait3A_81, %dma_wait3A_82] : memref<10008x128xf32, #tpu.memory_space<vmem_shared>> -> memref<10008x128xf32, #tpu.memory_space<vmem_shared>>
        tpu.wait_indirect_dma semaphore(%run_scoped3A_71 : memref<!tpu.dma_semaphore, #tpu.memory_space<semaphore_mem>>) src(%arg11 : memref<128x128xf32, #tpu.memory_space<vmem>>) dst(%dma_wait3A_83 : memref<10008x128xf32, #tpu.memory_space<vmem_shared>>)
        tpu.yield
      }) : () -> ()
    }
    %scan3A_15 = arith.constant 39 : i32
    %dma_wait3A = arith.constant 78 : i32
    %dma_wait3A_16 = arith.constant 0 : i32
    %dma_wait3A_17 = tpu.memref_slice %arg7[%dma_wait3A, %dma_wait3A_16] : memref<79x128xi32, #tpu.memory_space<vmem>> -> memref<1x128xi32, #tpu.memory_space<vmem>>
    %dma_wait3A_18 = tpu.memref_squeeze %dma_wait3A_17 : memref<1x128xi32, #tpu.memory_space<vmem>> -> memref<128xi32, #tpu.memory_space<vmem>>
    %dma_wait3A_19 = arith.constant 0 : i32
    %dma_wait3A_20 = arith.constant 0 : i32
    %dma_wait3A_21 = tpu.memref_slice %arg2[%dma_wait3A_19, %dma_wait3A_20] : memref<10000x128xf32, #tpu.memory_space<hbm>> -> memref<10000x128xf32, #tpu.memory_space<hbm>>
    tpu.wait_indirect_dma semaphore(%arg13 : memref<!tpu.dma_semaphore, #tpu.memory_space<semaphore_mem>>) src(%dma_wait3A_21 : memref<10000x128xf32, #tpu.memory_space<hbm>>) dst(%arg10 : memref<128x128xf32, #tpu.memory_space<vmem>>)
    %run_scoped3A_22 = arith.constant 0 : i32
    "tpu.region"() ({
      %run_scoped3A_31 = tpu.sem_alloc : memref<!tpu.dma_semaphore, #tpu.memory_space<semaphore_mem>>
      %dma_start3A_32 = arith.constant 0 : i32
      %dma_start3A_33 = tpu.memref_slice %arg8[%run_scoped3A_22, %dma_start3A_32] : memref<1x128xi32, #tpu.memory_space<vmem>> -> memref<1x128xi32, #tpu.memory_space<vmem>>
      %dma_start3A_34 = tpu.memref_squeeze %dma_start3A_33 : memref<1x128xi32, #tpu.memory_space<vmem>> -> memref<128xi32, #tpu.memory_space<vmem>>
      %dma_start3A_35 = arith.constant 0 : i32
      %dma_start3A_36 = arith.constant 0 : i32
      %dma_start3A_37 = tpu.memref_slice %arg12[%dma_start3A_35, %dma_start3A_36] : memref<10008x128xf32, #tpu.memory_space<vmem_shared>> -> memref<10008x128xf32, #tpu.memory_space<vmem_shared>>
      tpu.enqueue_indirect_dma source(%arg10 : memref<128x128xf32, #tpu.memory_space<vmem>>) target(%dma_start3A_37 : memref<10008x128xf32, #tpu.memory_space<vmem_shared>>) offsets(%dma_start3A_34 : memref<128xi32, #tpu.memory_space<vmem>>) semaphore(%run_scoped3A_31 : memref<!tpu.dma_semaphore, #tpu.memory_space<semaphore_mem>>) {add = true}
      %dma_wait3A_38 = arith.constant 0 : i32
      %dma_wait3A_39 = tpu.memref_slice %arg8[%run_scoped3A_22, %dma_wait3A_38] : memref<1x128xi32, #tpu.memory_space<vmem>> -> memref<1x128xi32, #tpu.memory_space<vmem>>
      %dma_wait3A_40 = tpu.memref_squeeze %dma_wait3A_39 : memref<1x128xi32, #tpu.memory_space<vmem>> -> memref<128xi32, #tpu.memory_space<vmem>>
      %dma_wait3A_41 = arith.constant 0 : i32
      %dma_wait3A_42 = arith.constant 0 : i32
      %dma_wait3A_43 = tpu.memref_slice %arg12[%dma_wait3A_41, %dma_wait3A_42] : memref<10008x128xf32, #tpu.memory_space<vmem_shared>> -> memref<10008x128xf32, #tpu.memory_space<vmem_shared>>
      tpu.wait_indirect_dma semaphore(%run_scoped3A_31 : memref<!tpu.dma_semaphore, #tpu.memory_space<semaphore_mem>>) src(%arg10 : memref<128x128xf32, #tpu.memory_space<vmem>>) dst(%dma_wait3A_43 : memref<10008x128xf32, #tpu.memory_space<vmem_shared>>)
      tpu.yield
    }) : () -> ()
    %barrier3A_23 = arith.constant 0 : index
    tpu.barrier barrier_id(%barrier3A_23)
    %mul3A_24 = arith.constant 624 : i32
    %mul3A_25 = arith.muli %arg1, %mul3A_24 : i32
    "tpu.region"() ({
      %run_scoped3A_31 = tpu.sem_alloc : memref<!tpu.dma_semaphore, #tpu.memory_space<semaphore_mem>>
      %dma_start3A_32 = arith.constant 0 : i32
      %dma_start3A_33 = tpu.memref_slice %arg6[%arg0, %mul3A_25, %dma_start3A_32] : memref<2x10000x128xf32, #tpu.memory_space<hbm>> -> memref<1x624x128xf32, #tpu.memory_space<hbm>>
      %dma_start3A_34 = tpu.memref_squeeze %dma_start3A_33 : memref<1x624x128xf32, #tpu.memory_space<hbm>> -> memref<624x128xf32, #tpu.memory_space<hbm>>
      %dma_start3A_35 = arith.constant 0 : i32
      %dma_start3A_36 = tpu.memref_slice %arg12[%mul3A_25, %dma_start3A_35] : memref<10008x128xf32, #tpu.memory_space<vmem_shared>> -> memref<624x128xf32, #tpu.memory_space<vmem_shared>>
      tpu.enqueue_dma source(%dma_start3A_36 : memref<624x128xf32, #tpu.memory_space<vmem_shared>>) target(%dma_start3A_34 : memref<624x128xf32, #tpu.memory_space<hbm>>) target_semaphore(%run_scoped3A_31 : memref<!tpu.dma_semaphore, #tpu.memory_space<semaphore_mem>>)
      %dma_wait3A_37 = arith.constant 0 : i32
      %dma_wait3A_38 = tpu.memref_slice %arg6[%arg0, %mul3A_25, %dma_wait3A_37] : memref<2x10000x128xf32, #tpu.memory_space<hbm>> -> memref<1x624x128xf32, #tpu.memory_space<hbm>>
      %dma_wait3A_39 = tpu.memref_squeeze %dma_wait3A_38 : memref<1x624x128xf32, #tpu.memory_space<hbm>> -> memref<624x128xf32, #tpu.memory_space<hbm>>
      %dma_wait3A_40 = arith.constant 0 : i32
      %dma_wait3A_41 = tpu.memref_slice %arg12[%mul3A_25, %dma_wait3A_40] : memref<10008x128xf32, #tpu.memory_space<vmem_shared>> -> memref<624x128xf32, #tpu.memory_space<vmem_shared>>
      tpu.wait_dma2 semaphore(%run_scoped3A_31 : memref<!tpu.dma_semaphore, #tpu.memory_space<semaphore_mem>>) src(%dma_wait3A_41 : memref<624x128xf32, #tpu.memory_space<vmem_shared>>) dst(%dma_wait3A_39 : memref<624x128xf32, #tpu.memory_space<hbm>>)
      tpu.yield
    }) : () -> ()
    %eq3A_26 = arith.constant 0 : i32
    %eq3A_27 = arith.cmpi eq, %arg1, %eq3A_26 : i32
    %convert_element_type3A_28 = arith.extui %eq3A_27 : i1 to i32
    %cond3A_29 = arith.constant 0 : i32
    %cond3A_30 = arith.cmpi ne, %convert_element_type3A_28, %cond3A_29 : i32
    scf.if %cond3A_30 {
      "tpu.region"() ({
        %run_scoped3A_31 = tpu.sem_alloc : memref<!tpu.dma_semaphore, #tpu.memory_space<semaphore_mem>>
        %dma_start3A_32 = arith.constant 9984 : i32
        %dma_start3A_33 = arith.constant 0 : i32
        %dma_start3A_34 = tpu.memref_slice %arg6[%arg0, %dma_start3A_32, %dma_start3A_33] : memref<2x10000x128xf32, #tpu.memory_space<hbm>> -> memref<1x16x128xf32, #tpu.memory_space<hbm>>
        %dma_start3A_35 = tpu.memref_squeeze %dma_start3A_34 : memref<1x16x128xf32, #tpu.memory_space<hbm>> -> memref<16x128xf32, #tpu.memory_space<hbm>>
        %dma_start3A_36 = arith.constant 9984 : i32
        %dma_start3A_37 = arith.constant 0 : i32
        %dma_start3A_38 = tpu.memref_slice %arg12[%dma_start3A_36, %dma_start3A_37] : memref<10008x128xf32, #tpu.memory_space<vmem_shared>> -> memref<16x128xf32, #tpu.memory_space<vmem_shared>>
        tpu.enqueue_dma source(%dma_start3A_38 : memref<16x128xf32, #tpu.memory_space<vmem_shared>>) target(%dma_start3A_35 : memref<16x128xf32, #tpu.memory_space<hbm>>) target_semaphore(%run_scoped3A_31 : memref<!tpu.dma_semaphore, #tpu.memory_space<semaphore_mem>>)
        %dma_wait3A_39 = arith.constant 9984 : i32
        %dma_wait3A_40 = arith.constant 0 : i32
        %dma_wait3A_41 = tpu.memref_slice %arg6[%arg0, %dma_wait3A_39, %dma_wait3A_40] : memref<2x10000x128xf32, #tpu.memory_space<hbm>> -> memref<1x16x128xf32, #tpu.memory_space<hbm>>
        %dma_wait3A_42 = tpu.memref_squeeze %dma_wait3A_41 : memref<1x16x128xf32, #tpu.memory_space<hbm>> -> memref<16x128xf32, #tpu.memory_space<hbm>>
        %dma_wait3A_43 = arith.constant 9984 : i32
        %dma_wait3A_44 = arith.constant 0 : i32
        %dma_wait3A_45 = tpu.memref_slice %arg12[%dma_wait3A_43, %dma_wait3A_44] : memref<10008x128xf32, #tpu.memory_space<vmem_shared>> -> memref<16x128xf32, #tpu.memory_space<vmem_shared>>
        tpu.wait_dma2 semaphore(%run_scoped3A_31 : memref<!tpu.dma_semaphore, #tpu.memory_space<semaphore_mem>>) src(%dma_wait3A_45 : memref<16x128xf32, #tpu.memory_space<vmem_shared>>) dst(%dma_wait3A_42 : memref<16x128xf32, #tpu.memory_space<hbm>>)
        tpu.yield
      }) : () -> ()
    } else {
    }
    return
  }
}

#map = affine_map<(d0, d1) -> (0, 0, 0)>
#map1 = affine_map<(d0, d1) -> (0, 0, 0, 0)>
#map2 = affine_map<(d0, d1) -> (0)>
module attributes {stable_mosaic.version = 14 : i64} {
  func.func @_sc_counts_body(%arg0: i32, %arg1: i32, %arg2: memref<32x79x128xi32, #tpu.memory_space<hbm>>, %arg3: memref<32x79x128xi32, #tpu.memory_space<hbm>>, %arg4: memref<32x4x79x128xf32, #tpu.memory_space<hbm>>, %arg5: memref<128xf32, #tpu.memory_space<hbm>>, %arg6: memref<512xi32, #tpu.memory_space<hbm>>, %arg7: memref<640xf32, #tpu.memory_space<hbm>>, %arg8: memref<10240xf32, #tpu.memory_space<hbm>>, %arg9: memref<10240xf32, #tpu.memory_space<hbm>>, %arg10: memref<10240xf32, #tpu.memory_space<hbm>>, %arg11: memref<10240xf32, #tpu.memory_space<hbm>>, %arg12: memref<10240xf32, #tpu.memory_space<hbm>>, %arg13: memref<10240xf32, #tpu.memory_space<hbm>>, %arg14: memref<10240xf32, #tpu.memory_space<hbm>>, %arg15: memref<10240xf32, #tpu.memory_space<hbm>>, %arg16: memref<10240xf32, #tpu.memory_space<hbm>>, %arg17: memref<10240xf32, #tpu.memory_space<hbm>>, %arg18: memref<10240xf32, #tpu.memory_space<hbm>>, %arg19: memref<10240xf32, #tpu.memory_space<hbm>>, %arg20: memref<10240xf32, #tpu.memory_space<hbm>>, %arg21: memref<10240xf32, #tpu.memory_space<hbm>>, %arg22: memref<79x128xi32, #tpu.memory_space<vmem>>, %arg23: memref<79x128xi32, #tpu.memory_space<vmem>>, %arg24: memref<4x79x128xf32, #tpu.memory_space<vmem>>, %arg25: memref<1x16xi32, #tpu.memory_space<vmem>>, %arg26: memref<128xf32, #tpu.memory_space<vmem>>, %arg27: memref<10240xf32, #tpu.memory_space<vmem_shared>>, %arg28: memref<10240xf32, #tpu.memory_space<vmem_shared>>, %arg29: memref<10240xf32, #tpu.memory_space<vmem_shared>>, %arg30: memref<10240xf32, #tpu.memory_space<vmem_shared>>, %arg31: memref<10240xf32, #tpu.memory_space<vmem_shared>>, %arg32: memref<10240xf32, #tpu.memory_space<vmem_shared>>, %arg33: memref<10240xf32, #tpu.memory_space<vmem_shared>>) attributes {dimension_semantics = [#tpu.dimension_semantics<core_parallel>, #tpu.dimension_semantics<subcore_parallel>], iteration_bounds = array<i64: 2, 16>, scalar_prefetch = 0 : i64, scratch_operands = 12 : i64, tpu.core_type = #tpu.core_type<sc_vector_subcore>, window_params = [{transform_indices = #map}, {transform_indices = #map}, {transform_indices = #map1}, {transform_indices = #map2}, {transform_indices = #map2}, {transform_indices = #map2}, {transform_indices = #map2}, {transform_indices = #map2}, {transform_indices = #map2}, {transform_indices = #map2}, {transform_indices = #map2}, {transform_indices = #map2}, {transform_indices = #map2}, {transform_indices = #map2}, {transform_indices = #map2}, {transform_indices = #map2}, {transform_indices = #map2}, {transform_indices = #map2}, {transform_indices = #map2}, {transform_indices = #map2}]} {
    %mul3A = arith.constant 2 : i32
    %mul3A_0 = arith.muli %arg1, %mul3A : i32
    %add3A = arith.addi %mul3A_0, %arg0 : i32
    "tpu.region"() ({
      %run_scoped3A_18 = tpu.sem_alloc : memref<!tpu.dma_semaphore, #tpu.memory_space<semaphore_mem>>
      %dma_start3A = arith.constant 0 : i32
      %dma_start3A_19 = arith.constant 0 : i32
      %dma_start3A_20 = tpu.memref_slice %arg2[%add3A, %dma_start3A, %dma_start3A_19] : memref<32x79x128xi32, #tpu.memory_space<hbm>> -> memref<1x79x128xi32, #tpu.memory_space<hbm>>
      %dma_start3A_21 = tpu.memref_squeeze %dma_start3A_20 : memref<1x79x128xi32, #tpu.memory_space<hbm>> -> memref<79x128xi32, #tpu.memory_space<hbm>>
      %dma_start3A_22 = arith.constant 0 : i32
      %dma_start3A_23 = arith.constant 0 : i32
      %dma_start3A_24 = tpu.memref_slice %arg2[%add3A, %dma_start3A_22, %dma_start3A_23] : memref<32x79x128xi32, #tpu.memory_space<hbm>> -> memref<1x79x128xi32, #tpu.memory_space<hbm>>
      %dma_start3A_25 = tpu.memref_squeeze %dma_start3A_24 : memref<1x79x128xi32, #tpu.memory_space<hbm>> -> memref<79x128xi32, #tpu.memory_space<hbm>>
      tpu.enqueue_dma source(%dma_start3A_25 : memref<79x128xi32, #tpu.memory_space<hbm>>) target(%arg22 : memref<79x128xi32, #tpu.memory_space<vmem>>) target_semaphore(%run_scoped3A_18 : memref<!tpu.dma_semaphore, #tpu.memory_space<semaphore_mem>>)
      %dma_wait3A = arith.constant 0 : i32
      %dma_wait3A_26 = arith.constant 0 : i32
      %dma_wait3A_27 = tpu.memref_slice %arg2[%add3A, %dma_wait3A, %dma_wait3A_26] : memref<32x79x128xi32, #tpu.memory_space<hbm>> -> memref<1x79x128xi32, #tpu.memory_space<hbm>>
      %dma_wait3A_28 = tpu.memref_squeeze %dma_wait3A_27 : memref<1x79x128xi32, #tpu.memory_space<hbm>> -> memref<79x128xi32, #tpu.memory_space<hbm>>
      %dma_wait3A_29 = arith.constant 0 : i32
      %dma_wait3A_30 = arith.constant 0 : i32
      %dma_wait3A_31 = tpu.memref_slice %arg2[%add3A, %dma_wait3A_29, %dma_wait3A_30] : memref<32x79x128xi32, #tpu.memory_space<hbm>> -> memref<1x79x128xi32, #tpu.memory_space<hbm>>
      %dma_wait3A_32 = tpu.memref_squeeze %dma_wait3A_31 : memref<1x79x128xi32, #tpu.memory_space<hbm>> -> memref<79x128xi32, #tpu.memory_space<hbm>>
      tpu.wait_dma2 semaphore(%run_scoped3A_18 : memref<!tpu.dma_semaphore, #tpu.memory_space<semaphore_mem>>) src(%dma_wait3A_32 : memref<79x128xi32, #tpu.memory_space<hbm>>) dst(%arg22 : memref<79x128xi32, #tpu.memory_space<vmem>>)
      tpu.yield
    }) : () -> ()
    "tpu.region"() ({
      %run_scoped3A_18 = tpu.sem_alloc : memref<!tpu.dma_semaphore, #tpu.memory_space<semaphore_mem>>
      %dma_start3A = arith.constant 0 : i32
      %dma_start3A_19 = arith.constant 0 : i32
      %dma_start3A_20 = tpu.memref_slice %arg3[%add3A, %dma_start3A, %dma_start3A_19] : memref<32x79x128xi32, #tpu.memory_space<hbm>> -> memref<1x79x128xi32, #tpu.memory_space<hbm>>
      %dma_start3A_21 = tpu.memref_squeeze %dma_start3A_20 : memref<1x79x128xi32, #tpu.memory_space<hbm>> -> memref<79x128xi32, #tpu.memory_space<hbm>>
      %dma_start3A_22 = arith.constant 0 : i32
      %dma_start3A_23 = arith.constant 0 : i32
      %dma_start3A_24 = tpu.memref_slice %arg3[%add3A, %dma_start3A_22, %dma_start3A_23] : memref<32x79x128xi32, #tpu.memory_space<hbm>> -> memref<1x79x128xi32, #tpu.memory_space<hbm>>
      %dma_start3A_25 = tpu.memref_squeeze %dma_start3A_24 : memref<1x79x128xi32, #tpu.memory_space<hbm>> -> memref<79x128xi32, #tpu.memory_space<hbm>>
      tpu.enqueue_dma source(%dma_start3A_25 : memref<79x128xi32, #tpu.memory_space<hbm>>) target(%arg23 : memref<79x128xi32, #tpu.memory_space<vmem>>) target_semaphore(%run_scoped3A_18 : memref<!tpu.dma_semaphore, #tpu.memory_space<semaphore_mem>>)
      %dma_wait3A = arith.constant 0 : i32
      %dma_wait3A_26 = arith.constant 0 : i32
      %dma_wait3A_27 = tpu.memref_slice %arg3[%add3A, %dma_wait3A, %dma_wait3A_26] : memref<32x79x128xi32, #tpu.memory_space<hbm>> -> memref<1x79x128xi32, #tpu.memory_space<hbm>>
      %dma_wait3A_28 = tpu.memref_squeeze %dma_wait3A_27 : memref<1x79x128xi32, #tpu.memory_space<hbm>> -> memref<79x128xi32, #tpu.memory_space<hbm>>
      %dma_wait3A_29 = arith.constant 0 : i32
      %dma_wait3A_30 = arith.constant 0 : i32
      %dma_wait3A_31 = tpu.memref_slice %arg3[%add3A, %dma_wait3A_29, %dma_wait3A_30] : memref<32x79x128xi32, #tpu.memory_space<hbm>> -> memref<1x79x128xi32, #tpu.memory_space<hbm>>
      %dma_wait3A_32 = tpu.memref_squeeze %dma_wait3A_31 : memref<1x79x128xi32, #tpu.memory_space<hbm>> -> memref<79x128xi32, #tpu.memory_space<hbm>>
      tpu.wait_dma2 semaphore(%run_scoped3A_18 : memref<!tpu.dma_semaphore, #tpu.memory_space<semaphore_mem>>) src(%dma_wait3A_32 : memref<79x128xi32, #tpu.memory_space<hbm>>) dst(%arg23 : memref<79x128xi32, #tpu.memory_space<vmem>>)
      tpu.yield
    }) : () -> ()
    "tpu.region"() ({
      %run_scoped3A_18 = tpu.sem_alloc : memref<!tpu.dma_semaphore, #tpu.memory_space<semaphore_mem>>
      %dma_start3A = arith.constant 0 : i32
      %dma_start3A_19 = arith.constant 0 : i32
      %dma_start3A_20 = arith.constant 0 : i32
      %dma_start3A_21 = tpu.memref_slice %arg4[%add3A, %dma_start3A, %dma_start3A_19, %dma_start3A_20] : memref<32x4x79x128xf32, #tpu.memory_space<hbm>> -> memref<1x4x79x128xf32, #tpu.memory_space<hbm>>
      %dma_start3A_22 = tpu.memref_squeeze %dma_start3A_21 : memref<1x4x79x128xf32, #tpu.memory_space<hbm>> -> memref<4x79x128xf32, #tpu.memory_space<hbm>>
      %dma_start3A_23 = arith.constant 0 : i32
      %dma_start3A_24 = arith.constant 0 : i32
      %dma_start3A_25 = arith.constant 0 : i32
      %dma_start3A_26 = tpu.memref_slice %arg4[%add3A, %dma_start3A_23, %dma_start3A_24, %dma_start3A_25] : memref<32x4x79x128xf32, #tpu.memory_space<hbm>> -> memref<1x4x79x128xf32, #tpu.memory_space<hbm>>
      %dma_start3A_27 = tpu.memref_squeeze %dma_start3A_26 : memref<1x4x79x128xf32, #tpu.memory_space<hbm>> -> memref<4x79x128xf32, #tpu.memory_space<hbm>>
      tpu.enqueue_dma source(%dma_start3A_27 : memref<4x79x128xf32, #tpu.memory_space<hbm>>) target(%arg24 : memref<4x79x128xf32, #tpu.memory_space<vmem>>) target_semaphore(%run_scoped3A_18 : memref<!tpu.dma_semaphore, #tpu.memory_space<semaphore_mem>>)
      %dma_wait3A = arith.constant 0 : i32
      %dma_wait3A_28 = arith.constant 0 : i32
      %dma_wait3A_29 = arith.constant 0 : i32
      %dma_wait3A_30 = tpu.memref_slice %arg4[%add3A, %dma_wait3A, %dma_wait3A_28, %dma_wait3A_29] : memref<32x4x79x128xf32, #tpu.memory_space<hbm>> -> memref<1x4x79x128xf32, #tpu.memory_space<hbm>>
      %dma_wait3A_31 = tpu.memref_squeeze %dma_wait3A_30 : memref<1x4x79x128xf32, #tpu.memory_space<hbm>> -> memref<4x79x128xf32, #tpu.memory_space<hbm>>
      %dma_wait3A_32 = arith.constant 0 : i32
      %dma_wait3A_33 = arith.constant 0 : i32
      %dma_wait3A_34 = arith.constant 0 : i32
      %dma_wait3A_35 = tpu.memref_slice %arg4[%add3A, %dma_wait3A_32, %dma_wait3A_33, %dma_wait3A_34] : memref<32x4x79x128xf32, #tpu.memory_space<hbm>> -> memref<1x4x79x128xf32, #tpu.memory_space<hbm>>
      %dma_wait3A_36 = tpu.memref_squeeze %dma_wait3A_35 : memref<1x4x79x128xf32, #tpu.memory_space<hbm>> -> memref<4x79x128xf32, #tpu.memory_space<hbm>>
      tpu.wait_dma2 semaphore(%run_scoped3A_18 : memref<!tpu.dma_semaphore, #tpu.memory_space<semaphore_mem>>) src(%dma_wait3A_36 : memref<4x79x128xf32, #tpu.memory_space<hbm>>) dst(%arg24 : memref<4x79x128xf32, #tpu.memory_space<vmem>>)
      tpu.yield
    }) : () -> ()
    "tpu.region"() ({
      %run_scoped3A_18 = tpu.sem_alloc : memref<!tpu.dma_semaphore, #tpu.memory_space<semaphore_mem>>
      tpu.enqueue_dma source(%arg5 : memref<128xf32, #tpu.memory_space<hbm>>) target(%arg26 : memref<128xf32, #tpu.memory_space<vmem>>) target_semaphore(%run_scoped3A_18 : memref<!tpu.dma_semaphore, #tpu.memory_space<semaphore_mem>>)
      tpu.wait_dma2 semaphore(%run_scoped3A_18 : memref<!tpu.dma_semaphore, #tpu.memory_space<semaphore_mem>>) src(%arg5 : memref<128xf32, #tpu.memory_space<hbm>>) dst(%arg26 : memref<128xf32, #tpu.memory_space<vmem>>)
      tpu.yield
    }) : () -> ()
    %mul3A_1 = arith.constant 16 : i32
    %mul3A_2 = arith.muli %add3A, %mul3A_1 : i32
    %run_scoped3A = arith.constant 0 : i32
    "tpu.region"() ({
      %run_scoped3A_18 = tpu.sem_alloc : memref<!tpu.dma_semaphore, #tpu.memory_space<semaphore_mem>>
      %dma_start3A = arith.constant 0 : i32
      %dma_start3A_19 = tpu.memref_slice %arg25[%run_scoped3A, %dma_start3A] : memref<1x16xi32, #tpu.memory_space<vmem>> -> memref<1x16xi32, #tpu.memory_space<vmem>>
      %dma_start3A_20 = tpu.memref_squeeze %dma_start3A_19 : memref<1x16xi32, #tpu.memory_space<vmem>> -> memref<16xi32, #tpu.memory_space<vmem>>
      %dma_start3A_21 = tpu.memref_slice %arg6[%mul3A_2] : memref<512xi32, #tpu.memory_space<hbm>> -> memref<16xi32, #tpu.memory_space<hbm>>
      %dma_start3A_22 = arith.constant 0 : i32
      %dma_start3A_23 = tpu.memref_slice %arg25[%run_scoped3A, %dma_start3A_22] : memref<1x16xi32, #tpu.memory_space<vmem>> -> memref<1x16xi32, #tpu.memory_space<vmem>>
      %dma_start3A_24 = tpu.memref_squeeze %dma_start3A_23 : memref<1x16xi32, #tpu.memory_space<vmem>> -> memref<16xi32, #tpu.memory_space<vmem>>
      %dma_start3A_25 = tpu.memref_slice %arg6[%mul3A_2] : memref<512xi32, #tpu.memory_space<hbm>> -> memref<16xi32, #tpu.memory_space<hbm>>
      tpu.enqueue_dma source(%dma_start3A_25 : memref<16xi32, #tpu.memory_space<hbm>>) target(%dma_start3A_24 : memref<16xi32, #tpu.memory_space<vmem>>) target_semaphore(%run_scoped3A_18 : memref<!tpu.dma_semaphore, #tpu.memory_space<semaphore_mem>>)
      %dma_wait3A = arith.constant 0 : i32
      %dma_wait3A_26 = tpu.memref_slice %arg25[%run_scoped3A, %dma_wait3A] : memref<1x16xi32, #tpu.memory_space<vmem>> -> memref<1x16xi32, #tpu.memory_space<vmem>>
      %dma_wait3A_27 = tpu.memref_squeeze %dma_wait3A_26 : memref<1x16xi32, #tpu.memory_space<vmem>> -> memref<16xi32, #tpu.memory_space<vmem>>
      %dma_wait3A_28 = tpu.memref_slice %arg6[%mul3A_2] : memref<512xi32, #tpu.memory_space<hbm>> -> memref<16xi32, #tpu.memory_space<hbm>>
      %dma_wait3A_29 = arith.constant 0 : i32
      %dma_wait3A_30 = tpu.memref_slice %arg25[%run_scoped3A, %dma_wait3A_29] : memref<1x16xi32, #tpu.memory_space<vmem>> -> memref<1x16xi32, #tpu.memory_space<vmem>>
      %dma_wait3A_31 = tpu.memref_squeeze %dma_wait3A_30 : memref<1x16xi32, #tpu.memory_space<vmem>> -> memref<16xi32, #tpu.memory_space<vmem>>
      %dma_wait3A_32 = tpu.memref_slice %arg6[%mul3A_2] : memref<512xi32, #tpu.memory_space<hbm>> -> memref<16xi32, #tpu.memory_space<hbm>>
      tpu.wait_dma2 semaphore(%run_scoped3A_18 : memref<!tpu.dma_semaphore, #tpu.memory_space<semaphore_mem>>) src(%dma_wait3A_32 : memref<16xi32, #tpu.memory_space<hbm>>) dst(%dma_wait3A_31 : memref<16xi32, #tpu.memory_space<vmem>>)
      tpu.yield
    }) : () -> ()
    %mul3A_3 = arith.constant 640 : i32
    %mul3A_4 = arith.muli %arg1, %mul3A_3 : i32
    "tpu.region"() ({
      %run_scoped3A_18 = tpu.sem_alloc : memref<!tpu.dma_semaphore, #tpu.memory_space<semaphore_mem>>
      %dma_start3A = tpu.memref_slice %arg27[%mul3A_4] : memref<10240xf32, #tpu.memory_space<vmem_shared>> -> memref<640xf32, #tpu.memory_space<vmem_shared>>
      tpu.enqueue_dma source(%arg7 : memref<640xf32, #tpu.memory_space<hbm>>) target(%dma_start3A : memref<640xf32, #tpu.memory_space<vmem_shared>>) target_semaphore(%run_scoped3A_18 : memref<!tpu.dma_semaphore, #tpu.memory_space<semaphore_mem>>)
      %dma_wait3A = tpu.memref_slice %arg27[%mul3A_4] : memref<10240xf32, #tpu.memory_space<vmem_shared>> -> memref<640xf32, #tpu.memory_space<vmem_shared>>
      tpu.wait_dma2 semaphore(%run_scoped3A_18 : memref<!tpu.dma_semaphore, #tpu.memory_space<semaphore_mem>>) src(%arg7 : memref<640xf32, #tpu.memory_space<hbm>>) dst(%dma_wait3A : memref<640xf32, #tpu.memory_space<vmem_shared>>)
      tpu.yield
    }) : () -> ()
    "tpu.region"() ({
      %run_scoped3A_18 = tpu.sem_alloc : memref<!tpu.dma_semaphore, #tpu.memory_space<semaphore_mem>>
      %dma_start3A = tpu.memref_slice %arg28[%mul3A_4] : memref<10240xf32, #tpu.memory_space<vmem_shared>> -> memref<640xf32, #tpu.memory_space<vmem_shared>>
      tpu.enqueue_dma source(%arg7 : memref<640xf32, #tpu.memory_space<hbm>>) target(%dma_start3A : memref<640xf32, #tpu.memory_space<vmem_shared>>) target_semaphore(%run_scoped3A_18 : memref<!tpu.dma_semaphore, #tpu.memory_space<semaphore_mem>>)
      %dma_wait3A = tpu.memref_slice %arg28[%mul3A_4] : memref<10240xf32, #tpu.memory_space<vmem_shared>> -> memref<640xf32, #tpu.memory_space<vmem_shared>>
      tpu.wait_dma2 semaphore(%run_scoped3A_18 : memref<!tpu.dma_semaphore, #tpu.memory_space<semaphore_mem>>) src(%arg7 : memref<640xf32, #tpu.memory_space<hbm>>) dst(%dma_wait3A : memref<640xf32, #tpu.memory_space<vmem_shared>>)
      tpu.yield
    }) : () -> ()
    "tpu.region"() ({
      %run_scoped3A_18 = tpu.sem_alloc : memref<!tpu.dma_semaphore, #tpu.memory_space<semaphore_mem>>
      %dma_start3A = tpu.memref_slice %arg29[%mul3A_4] : memref<10240xf32, #tpu.memory_space<vmem_shared>> -> memref<640xf32, #tpu.memory_space<vmem_shared>>
      tpu.enqueue_dma source(%arg7 : memref<640xf32, #tpu.memory_space<hbm>>) target(%dma_start3A : memref<640xf32, #tpu.memory_space<vmem_shared>>) target_semaphore(%run_scoped3A_18 : memref<!tpu.dma_semaphore, #tpu.memory_space<semaphore_mem>>)
      %dma_wait3A = tpu.memref_slice %arg29[%mul3A_4] : memref<10240xf32, #tpu.memory_space<vmem_shared>> -> memref<640xf32, #tpu.memory_space<vmem_shared>>
      tpu.wait_dma2 semaphore(%run_scoped3A_18 : memref<!tpu.dma_semaphore, #tpu.memory_space<semaphore_mem>>) src(%arg7 : memref<640xf32, #tpu.memory_space<hbm>>) dst(%dma_wait3A : memref<640xf32, #tpu.memory_space<vmem_shared>>)
      tpu.yield
    }) : () -> ()
    "tpu.region"() ({
      %run_scoped3A_18 = tpu.sem_alloc : memref<!tpu.dma_semaphore, #tpu.memory_space<semaphore_mem>>
      %dma_start3A = tpu.memref_slice %arg30[%mul3A_4] : memref<10240xf32, #tpu.memory_space<vmem_shared>> -> memref<640xf32, #tpu.memory_space<vmem_shared>>
      tpu.enqueue_dma source(%arg7 : memref<640xf32, #tpu.memory_space<hbm>>) target(%dma_start3A : memref<640xf32, #tpu.memory_space<vmem_shared>>) target_semaphore(%run_scoped3A_18 : memref<!tpu.dma_semaphore, #tpu.memory_space<semaphore_mem>>)
      %dma_wait3A = tpu.memref_slice %arg30[%mul3A_4] : memref<10240xf32, #tpu.memory_space<vmem_shared>> -> memref<640xf32, #tpu.memory_space<vmem_shared>>
      tpu.wait_dma2 semaphore(%run_scoped3A_18 : memref<!tpu.dma_semaphore, #tpu.memory_space<semaphore_mem>>) src(%arg7 : memref<640xf32, #tpu.memory_space<hbm>>) dst(%dma_wait3A : memref<640xf32, #tpu.memory_space<vmem_shared>>)
      tpu.yield
    }) : () -> ()
    "tpu.region"() ({
      %run_scoped3A_18 = tpu.sem_alloc : memref<!tpu.dma_semaphore, #tpu.memory_space<semaphore_mem>>
      %dma_start3A = tpu.memref_slice %arg31[%mul3A_4] : memref<10240xf32, #tpu.memory_space<vmem_shared>> -> memref<640xf32, #tpu.memory_space<vmem_shared>>
      tpu.enqueue_dma source(%arg7 : memref<640xf32, #tpu.memory_space<hbm>>) target(%dma_start3A : memref<640xf32, #tpu.memory_space<vmem_shared>>) target_semaphore(%run_scoped3A_18 : memref<!tpu.dma_semaphore, #tpu.memory_space<semaphore_mem>>)
      %dma_wait3A = tpu.memref_slice %arg31[%mul3A_4] : memref<10240xf32, #tpu.memory_space<vmem_shared>> -> memref<640xf32, #tpu.memory_space<vmem_shared>>
      tpu.wait_dma2 semaphore(%run_scoped3A_18 : memref<!tpu.dma_semaphore, #tpu.memory_space<semaphore_mem>>) src(%arg7 : memref<640xf32, #tpu.memory_space<hbm>>) dst(%dma_wait3A : memref<640xf32, #tpu.memory_space<vmem_shared>>)
      tpu.yield
    }) : () -> ()
    "tpu.region"() ({
      %run_scoped3A_18 = tpu.sem_alloc : memref<!tpu.dma_semaphore, #tpu.memory_space<semaphore_mem>>
      %dma_start3A = tpu.memref_slice %arg32[%mul3A_4] : memref<10240xf32, #tpu.memory_space<vmem_shared>> -> memref<640xf32, #tpu.memory_space<vmem_shared>>
      tpu.enqueue_dma source(%arg7 : memref<640xf32, #tpu.memory_space<hbm>>) target(%dma_start3A : memref<640xf32, #tpu.memory_space<vmem_shared>>) target_semaphore(%run_scoped3A_18 : memref<!tpu.dma_semaphore, #tpu.memory_space<semaphore_mem>>)
      %dma_wait3A = tpu.memref_slice %arg32[%mul3A_4] : memref<10240xf32, #tpu.memory_space<vmem_shared>> -> memref<640xf32, #tpu.memory_space<vmem_shared>>
      tpu.wait_dma2 semaphore(%run_scoped3A_18 : memref<!tpu.dma_semaphore, #tpu.memory_space<semaphore_mem>>) src(%arg7 : memref<640xf32, #tpu.memory_space<hbm>>) dst(%dma_wait3A : memref<640xf32, #tpu.memory_space<vmem_shared>>)
      tpu.yield
    }) : () -> ()
    "tpu.region"() ({
      %run_scoped3A_18 = tpu.sem_alloc : memref<!tpu.dma_semaphore, #tpu.memory_space<semaphore_mem>>
      %dma_start3A = tpu.memref_slice %arg33[%mul3A_4] : memref<10240xf32, #tpu.memory_space<vmem_shared>> -> memref<640xf32, #tpu.memory_space<vmem_shared>>
      tpu.enqueue_dma source(%arg7 : memref<640xf32, #tpu.memory_space<hbm>>) target(%dma_start3A : memref<640xf32, #tpu.memory_space<vmem_shared>>) target_semaphore(%run_scoped3A_18 : memref<!tpu.dma_semaphore, #tpu.memory_space<semaphore_mem>>)
      %dma_wait3A = tpu.memref_slice %arg33[%mul3A_4] : memref<10240xf32, #tpu.memory_space<vmem_shared>> -> memref<640xf32, #tpu.memory_space<vmem_shared>>
      tpu.wait_dma2 semaphore(%run_scoped3A_18 : memref<!tpu.dma_semaphore, #tpu.memory_space<semaphore_mem>>) src(%arg7 : memref<640xf32, #tpu.memory_space<hbm>>) dst(%dma_wait3A : memref<640xf32, #tpu.memory_space<vmem_shared>>)
      tpu.yield
    }) : () -> ()
    %barrier3A = arith.constant 0 : index
    tpu.barrier barrier_id(%barrier3A)
    %scan3A = arith.constant 0 : i32
    %scan3A_5 = arith.constant 79 : i32
    %scan3A_6 = arith.addi %scan3A, %scan3A_5 : i32
    %scan3A_7 = arith.constant 1 : i32
    scf.for %scan3A_18 = %scan3A to %scan3A_6 step %scan3A_7  : i32 {
      %mul3A_19 = arith.constant 1 : i32
      %mul3A_20 = arith.muli %scan3A_18, %mul3A_19 : i32
      %add3A_21 = arith.constant 0 : i32
      %add3A_22 = arith.addi %add3A_21, %mul3A_20 : i32
      %run_scoped3A_23 = arith.constant 0 : i32
      "tpu.region"() ({
        %run_scoped3A_27 = tpu.sem_alloc : memref<!tpu.dma_semaphore, #tpu.memory_space<semaphore_mem>>
        %dma_start3A = arith.constant 0 : i32
        %dma_start3A_28 = tpu.memref_slice %arg24[%run_scoped3A_23, %add3A_22, %dma_start3A] : memref<4x79x128xf32, #tpu.memory_space<vmem>> -> memref<1x1x128xf32, #tpu.memory_space<vmem>>
        %dma_start3A_29 = tpu.memref_squeeze %dma_start3A_28 : memref<1x1x128xf32, #tpu.memory_space<vmem>> -> memref<128xf32, #tpu.memory_space<vmem>>
        %dma_start3A_30 = arith.constant 0 : i32
        %dma_start3A_31 = tpu.memref_slice %arg23[%add3A_22, %dma_start3A_30] : memref<79x128xi32, #tpu.memory_space<vmem>> -> memref<1x128xi32, #tpu.memory_space<vmem>>
        %dma_start3A_32 = tpu.memref_squeeze %dma_start3A_31 : memref<1x128xi32, #tpu.memory_space<vmem>> -> memref<128xi32, #tpu.memory_space<vmem>>
        %dma_start3A_33 = arith.constant 0 : i32
        %dma_start3A_34 = tpu.memref_slice %arg27[%dma_start3A_33] : memref<10240xf32, #tpu.memory_space<vmem_shared>> -> memref<10240xf32, #tpu.memory_space<vmem_shared>>
        tpu.enqueue_indirect_dma source(%dma_start3A_29 : memref<128xf32, #tpu.memory_space<vmem>>) target(%dma_start3A_34 : memref<10240xf32, #tpu.memory_space<vmem_shared>>) offsets(%dma_start3A_32 : memref<128xi32, #tpu.memory_space<vmem>>) semaphore(%run_scoped3A_27 : memref<!tpu.dma_semaphore, #tpu.memory_space<semaphore_mem>>) {add = true}
        %dma_wait3A = arith.constant 0 : i32
        %dma_wait3A_35 = tpu.memref_slice %arg24[%run_scoped3A_23, %add3A_22, %dma_wait3A] : memref<4x79x128xf32, #tpu.memory_space<vmem>> -> memref<1x1x128xf32, #tpu.memory_space<vmem>>
        %dma_wait3A_36 = tpu.memref_squeeze %dma_wait3A_35 : memref<1x1x128xf32, #tpu.memory_space<vmem>> -> memref<128xf32, #tpu.memory_space<vmem>>
        %dma_wait3A_37 = arith.constant 0 : i32
        %dma_wait3A_38 = tpu.memref_slice %arg23[%add3A_22, %dma_wait3A_37] : memref<79x128xi32, #tpu.memory_space<vmem>> -> memref<1x128xi32, #tpu.memory_space<vmem>>
        %dma_wait3A_39 = tpu.memref_squeeze %dma_wait3A_38 : memref<1x128xi32, #tpu.memory_space<vmem>> -> memref<128xi32, #tpu.memory_space<vmem>>
        %dma_wait3A_40 = arith.constant 0 : i32
        %dma_wait3A_41 = tpu.memref_slice %arg27[%dma_wait3A_40] : memref<10240xf32, #tpu.memory_space<vmem_shared>> -> memref<10240xf32, #tpu.memory_space<vmem_shared>>
        tpu.wait_indirect_dma semaphore(%run_scoped3A_27 : memref<!tpu.dma_semaphore, #tpu.memory_space<semaphore_mem>>) src(%dma_wait3A_36 : memref<128xf32, #tpu.memory_space<vmem>>) dst(%dma_wait3A_41 : memref<10240xf32, #tpu.memory_space<vmem_shared>>)
        tpu.yield
      }) : () -> ()
      %run_scoped3A_24 = arith.constant 1 : i32
      "tpu.region"() ({
        %run_scoped3A_27 = tpu.sem_alloc : memref<!tpu.dma_semaphore, #tpu.memory_space<semaphore_mem>>
        %dma_start3A = arith.constant 0 : i32
        %dma_start3A_28 = tpu.memref_slice %arg24[%run_scoped3A_24, %add3A_22, %dma_start3A] : memref<4x79x128xf32, #tpu.memory_space<vmem>> -> memref<1x1x128xf32, #tpu.memory_space<vmem>>
        %dma_start3A_29 = tpu.memref_squeeze %dma_start3A_28 : memref<1x1x128xf32, #tpu.memory_space<vmem>> -> memref<128xf32, #tpu.memory_space<vmem>>
        %dma_start3A_30 = arith.constant 0 : i32
        %dma_start3A_31 = tpu.memref_slice %arg23[%add3A_22, %dma_start3A_30] : memref<79x128xi32, #tpu.memory_space<vmem>> -> memref<1x128xi32, #tpu.memory_space<vmem>>
        %dma_start3A_32 = tpu.memref_squeeze %dma_start3A_31 : memref<1x128xi32, #tpu.memory_space<vmem>> -> memref<128xi32, #tpu.memory_space<vmem>>
        %dma_start3A_33 = arith.constant 0 : i32
        %dma_start3A_34 = tpu.memref_slice %arg28[%dma_start3A_33] : memref<10240xf32, #tpu.memory_space<vmem_shared>> -> memref<10240xf32, #tpu.memory_space<vmem_shared>>
        tpu.enqueue_indirect_dma source(%dma_start3A_29 : memref<128xf32, #tpu.memory_space<vmem>>) target(%dma_start3A_34 : memref<10240xf32, #tpu.memory_space<vmem_shared>>) offsets(%dma_start3A_32 : memref<128xi32, #tpu.memory_space<vmem>>) semaphore(%run_scoped3A_27 : memref<!tpu.dma_semaphore, #tpu.memory_space<semaphore_mem>>) {add = true}
        %dma_wait3A = arith.constant 0 : i32
        %dma_wait3A_35 = tpu.memref_slice %arg24[%run_scoped3A_24, %add3A_22, %dma_wait3A] : memref<4x79x128xf32, #tpu.memory_space<vmem>> -> memref<1x1x128xf32, #tpu.memory_space<vmem>>
        %dma_wait3A_36 = tpu.memref_squeeze %dma_wait3A_35 : memref<1x1x128xf32, #tpu.memory_space<vmem>> -> memref<128xf32, #tpu.memory_space<vmem>>
        %dma_wait3A_37 = arith.constant 0 : i32
        %dma_wait3A_38 = tpu.memref_slice %arg23[%add3A_22, %dma_wait3A_37] : memref<79x128xi32, #tpu.memory_space<vmem>> -> memref<1x128xi32, #tpu.memory_space<vmem>>
        %dma_wait3A_39 = tpu.memref_squeeze %dma_wait3A_38 : memref<1x128xi32, #tpu.memory_space<vmem>> -> memref<128xi32, #tpu.memory_space<vmem>>
        %dma_wait3A_40 = arith.constant 0 : i32
        %dma_wait3A_41 = tpu.memref_slice %arg28[%dma_wait3A_40] : memref<10240xf32, #tpu.memory_space<vmem_shared>> -> memref<10240xf32, #tpu.memory_space<vmem_shared>>
        tpu.wait_indirect_dma semaphore(%run_scoped3A_27 : memref<!tpu.dma_semaphore, #tpu.memory_space<semaphore_mem>>) src(%dma_wait3A_36 : memref<128xf32, #tpu.memory_space<vmem>>) dst(%dma_wait3A_41 : memref<10240xf32, #tpu.memory_space<vmem_shared>>)
        tpu.yield
      }) : () -> ()
      %run_scoped3A_25 = arith.constant 2 : i32
      "tpu.region"() ({
        %run_scoped3A_27 = tpu.sem_alloc : memref<!tpu.dma_semaphore, #tpu.memory_space<semaphore_mem>>
        %dma_start3A = arith.constant 0 : i32
        %dma_start3A_28 = tpu.memref_slice %arg24[%run_scoped3A_25, %add3A_22, %dma_start3A] : memref<4x79x128xf32, #tpu.memory_space<vmem>> -> memref<1x1x128xf32, #tpu.memory_space<vmem>>
        %dma_start3A_29 = tpu.memref_squeeze %dma_start3A_28 : memref<1x1x128xf32, #tpu.memory_space<vmem>> -> memref<128xf32, #tpu.memory_space<vmem>>
        %dma_start3A_30 = arith.constant 0 : i32
        %dma_start3A_31 = tpu.memref_slice %arg23[%add3A_22, %dma_start3A_30] : memref<79x128xi32, #tpu.memory_space<vmem>> -> memref<1x128xi32, #tpu.memory_space<vmem>>
        %dma_start3A_32 = tpu.memref_squeeze %dma_start3A_31 : memref<1x128xi32, #tpu.memory_space<vmem>> -> memref<128xi32, #tpu.memory_space<vmem>>
        %dma_start3A_33 = arith.constant 0 : i32
        %dma_start3A_34 = tpu.memref_slice %arg29[%dma_start3A_33] : memref<10240xf32, #tpu.memory_space<vmem_shared>> -> memref<10240xf32, #tpu.memory_space<vmem_shared>>
        tpu.enqueue_indirect_dma source(%dma_start3A_29 : memref<128xf32, #tpu.memory_space<vmem>>) target(%dma_start3A_34 : memref<10240xf32, #tpu.memory_space<vmem_shared>>) offsets(%dma_start3A_32 : memref<128xi32, #tpu.memory_space<vmem>>) semaphore(%run_scoped3A_27 : memref<!tpu.dma_semaphore, #tpu.memory_space<semaphore_mem>>) {add = true}
        %dma_wait3A = arith.constant 0 : i32
        %dma_wait3A_35 = tpu.memref_slice %arg24[%run_scoped3A_25, %add3A_22, %dma_wait3A] : memref<4x79x128xf32, #tpu.memory_space<vmem>> -> memref<1x1x128xf32, #tpu.memory_space<vmem>>
        %dma_wait3A_36 = tpu.memref_squeeze %dma_wait3A_35 : memref<1x1x128xf32, #tpu.memory_space<vmem>> -> memref<128xf32, #tpu.memory_space<vmem>>
        %dma_wait3A_37 = arith.constant 0 : i32
        %dma_wait3A_38 = tpu.memref_slice %arg23[%add3A_22, %dma_wait3A_37] : memref<79x128xi32, #tpu.memory_space<vmem>> -> memref<1x128xi32, #tpu.memory_space<vmem>>
        %dma_wait3A_39 = tpu.memref_squeeze %dma_wait3A_38 : memref<1x128xi32, #tpu.memory_space<vmem>> -> memref<128xi32, #tpu.memory_space<vmem>>
        %dma_wait3A_40 = arith.constant 0 : i32
        %dma_wait3A_41 = tpu.memref_slice %arg29[%dma_wait3A_40] : memref<10240xf32, #tpu.memory_space<vmem_shared>> -> memref<10240xf32, #tpu.memory_space<vmem_shared>>
        tpu.wait_indirect_dma semaphore(%run_scoped3A_27 : memref<!tpu.dma_semaphore, #tpu.memory_space<semaphore_mem>>) src(%dma_wait3A_36 : memref<128xf32, #tpu.memory_space<vmem>>) dst(%dma_wait3A_41 : memref<10240xf32, #tpu.memory_space<vmem_shared>>)
        tpu.yield
      }) : () -> ()
      %run_scoped3A_26 = arith.constant 3 : i32
      "tpu.region"() ({
        %run_scoped3A_27 = tpu.sem_alloc : memref<!tpu.dma_semaphore, #tpu.memory_space<semaphore_mem>>
        %dma_start3A = arith.constant 0 : i32
        %dma_start3A_28 = tpu.memref_slice %arg24[%run_scoped3A_26, %add3A_22, %dma_start3A] : memref<4x79x128xf32, #tpu.memory_space<vmem>> -> memref<1x1x128xf32, #tpu.memory_space<vmem>>
        %dma_start3A_29 = tpu.memref_squeeze %dma_start3A_28 : memref<1x1x128xf32, #tpu.memory_space<vmem>> -> memref<128xf32, #tpu.memory_space<vmem>>
        %dma_start3A_30 = arith.constant 0 : i32
        %dma_start3A_31 = tpu.memref_slice %arg23[%add3A_22, %dma_start3A_30] : memref<79x128xi32, #tpu.memory_space<vmem>> -> memref<1x128xi32, #tpu.memory_space<vmem>>
        %dma_start3A_32 = tpu.memref_squeeze %dma_start3A_31 : memref<1x128xi32, #tpu.memory_space<vmem>> -> memref<128xi32, #tpu.memory_space<vmem>>
        %dma_start3A_33 = arith.constant 0 : i32
        %dma_start3A_34 = tpu.memref_slice %arg30[%dma_start3A_33] : memref<10240xf32, #tpu.memory_space<vmem_shared>> -> memref<10240xf32, #tpu.memory_space<vmem_shared>>
        tpu.enqueue_indirect_dma source(%dma_start3A_29 : memref<128xf32, #tpu.memory_space<vmem>>) target(%dma_start3A_34 : memref<10240xf32, #tpu.memory_space<vmem_shared>>) offsets(%dma_start3A_32 : memref<128xi32, #tpu.memory_space<vmem>>) semaphore(%run_scoped3A_27 : memref<!tpu.dma_semaphore, #tpu.memory_space<semaphore_mem>>) {add = true}
        %dma_wait3A = arith.constant 0 : i32
        %dma_wait3A_35 = tpu.memref_slice %arg24[%run_scoped3A_26, %add3A_22, %dma_wait3A] : memref<4x79x128xf32, #tpu.memory_space<vmem>> -> memref<1x1x128xf32, #tpu.memory_space<vmem>>
        %dma_wait3A_36 = tpu.memref_squeeze %dma_wait3A_35 : memref<1x1x128xf32, #tpu.memory_space<vmem>> -> memref<128xf32, #tpu.memory_space<vmem>>
        %dma_wait3A_37 = arith.constant 0 : i32
        %dma_wait3A_38 = tpu.memref_slice %arg23[%add3A_22, %dma_wait3A_37] : memref<79x128xi32, #tpu.memory_space<vmem>> -> memref<1x128xi32, #tpu.memory_space<vmem>>
        %dma_wait3A_39 = tpu.memref_squeeze %dma_wait3A_38 : memref<1x128xi32, #tpu.memory_space<vmem>> -> memref<128xi32, #tpu.memory_space<vmem>>
        %dma_wait3A_40 = arith.constant 0 : i32
        %dma_wait3A_41 = tpu.memref_slice %arg30[%dma_wait3A_40] : memref<10240xf32, #tpu.memory_space<vmem_shared>> -> memref<10240xf32, #tpu.memory_space<vmem_shared>>
        tpu.wait_indirect_dma semaphore(%run_scoped3A_27 : memref<!tpu.dma_semaphore, #tpu.memory_space<semaphore_mem>>) src(%dma_wait3A_36 : memref<128xf32, #tpu.memory_space<vmem>>) dst(%dma_wait3A_41 : memref<10240xf32, #tpu.memory_space<vmem_shared>>)
        tpu.yield
      }) : () -> ()
      "tpu.region"() ({
        %run_scoped3A_27 = tpu.sem_alloc : memref<!tpu.dma_semaphore, #tpu.memory_space<semaphore_mem>>
        %dma_start3A = arith.constant 0 : i32
        %dma_start3A_28 = tpu.memref_slice %arg23[%add3A_22, %dma_start3A] : memref<79x128xi32, #tpu.memory_space<vmem>> -> memref<1x128xi32, #tpu.memory_space<vmem>>
        %dma_start3A_29 = tpu.memref_squeeze %dma_start3A_28 : memref<1x128xi32, #tpu.memory_space<vmem>> -> memref<128xi32, #tpu.memory_space<vmem>>
        %dma_start3A_30 = arith.constant 0 : i32
        %dma_start3A_31 = tpu.memref_slice %arg31[%dma_start3A_30] : memref<10240xf32, #tpu.memory_space<vmem_shared>> -> memref<10240xf32, #tpu.memory_space<vmem_shared>>
        tpu.enqueue_indirect_dma source(%arg26 : memref<128xf32, #tpu.memory_space<vmem>>) target(%dma_start3A_31 : memref<10240xf32, #tpu.memory_space<vmem_shared>>) offsets(%dma_start3A_29 : memref<128xi32, #tpu.memory_space<vmem>>) semaphore(%run_scoped3A_27 : memref<!tpu.dma_semaphore, #tpu.memory_space<semaphore_mem>>) {add = true}
        %dma_wait3A = arith.constant 0 : i32
        %dma_wait3A_32 = tpu.memref_slice %arg23[%add3A_22, %dma_wait3A] : memref<79x128xi32, #tpu.memory_space<vmem>> -> memref<1x128xi32, #tpu.memory_space<vmem>>
        %dma_wait3A_33 = tpu.memref_squeeze %dma_wait3A_32 : memref<1x128xi32, #tpu.memory_space<vmem>> -> memref<128xi32, #tpu.memory_space<vmem>>
        %dma_wait3A_34 = arith.constant 0 : i32
        %dma_wait3A_35 = tpu.memref_slice %arg31[%dma_wait3A_34] : memref<10240xf32, #tpu.memory_space<vmem_shared>> -> memref<10240xf32, #tpu.memory_space<vmem_shared>>
        tpu.wait_indirect_dma semaphore(%run_scoped3A_27 : memref<!tpu.dma_semaphore, #tpu.memory_space<semaphore_mem>>) src(%arg26 : memref<128xf32, #tpu.memory_space<vmem>>) dst(%dma_wait3A_35 : memref<10240xf32, #tpu.memory_space<vmem_shared>>)
        tpu.yield
      }) : () -> ()
      "tpu.region"() ({
        %run_scoped3A_27 = tpu.sem_alloc : memref<!tpu.dma_semaphore, #tpu.memory_space<semaphore_mem>>
        %dma_start3A = arith.constant 0 : i32
        %dma_start3A_28 = tpu.memref_slice %arg22[%add3A_22, %dma_start3A] : memref<79x128xi32, #tpu.memory_space<vmem>> -> memref<1x128xi32, #tpu.memory_space<vmem>>
        %dma_start3A_29 = tpu.memref_squeeze %dma_start3A_28 : memref<1x128xi32, #tpu.memory_space<vmem>> -> memref<128xi32, #tpu.memory_space<vmem>>
        %dma_start3A_30 = arith.constant 0 : i32
        %dma_start3A_31 = tpu.memref_slice %arg32[%dma_start3A_30] : memref<10240xf32, #tpu.memory_space<vmem_shared>> -> memref<10240xf32, #tpu.memory_space<vmem_shared>>
        tpu.enqueue_indirect_dma source(%arg26 : memref<128xf32, #tpu.memory_space<vmem>>) target(%dma_start3A_31 : memref<10240xf32, #tpu.memory_space<vmem_shared>>) offsets(%dma_start3A_29 : memref<128xi32, #tpu.memory_space<vmem>>) semaphore(%run_scoped3A_27 : memref<!tpu.dma_semaphore, #tpu.memory_space<semaphore_mem>>) {add = true}
        %dma_wait3A = arith.constant 0 : i32
        %dma_wait3A_32 = tpu.memref_slice %arg22[%add3A_22, %dma_wait3A] : memref<79x128xi32, #tpu.memory_space<vmem>> -> memref<1x128xi32, #tpu.memory_space<vmem>>
        %dma_wait3A_33 = tpu.memref_squeeze %dma_wait3A_32 : memref<1x128xi32, #tpu.memory_space<vmem>> -> memref<128xi32, #tpu.memory_space<vmem>>
        %dma_wait3A_34 = arith.constant 0 : i32
        %dma_wait3A_35 = tpu.memref_slice %arg32[%dma_wait3A_34] : memref<10240xf32, #tpu.memory_space<vmem_shared>> -> memref<10240xf32, #tpu.memory_space<vmem_shared>>
        tpu.wait_indirect_dma semaphore(%run_scoped3A_27 : memref<!tpu.dma_semaphore, #tpu.memory_space<semaphore_mem>>) src(%arg26 : memref<128xf32, #tpu.memory_space<vmem>>) dst(%dma_wait3A_35 : memref<10240xf32, #tpu.memory_space<vmem_shared>>)
        tpu.yield
      }) : () -> ()
    }
    %scan3A_8 = arith.constant 79 : i32
    %run_scoped3A_9 = arith.constant 0 : i32
    "tpu.region"() ({
      %run_scoped3A_18 = tpu.sem_alloc : memref<!tpu.dma_semaphore, #tpu.memory_space<semaphore_mem>>
      %dma_start3A = arith.constant 0 : i32
      %dma_start3A_19 = tpu.memref_slice %arg26[%dma_start3A] : memref<128xf32, #tpu.memory_space<vmem>> -> memref<16xf32, #tpu.memory_space<vmem>>
      %dma_start3A_20 = arith.constant 0 : i32
      %dma_start3A_21 = tpu.memref_slice %arg25[%run_scoped3A_9, %dma_start3A_20] : memref<1x16xi32, #tpu.memory_space<vmem>> -> memref<1x16xi32, #tpu.memory_space<vmem>>
      %dma_start3A_22 = tpu.memref_squeeze %dma_start3A_21 : memref<1x16xi32, #tpu.memory_space<vmem>> -> memref<16xi32, #tpu.memory_space<vmem>>
      %dma_start3A_23 = arith.constant 0 : i32
      %dma_start3A_24 = tpu.memref_slice %arg33[%dma_start3A_23] : memref<10240xf32, #tpu.memory_space<vmem_shared>> -> memref<10240xf32, #tpu.memory_space<vmem_shared>>
      tpu.enqueue_indirect_dma source(%dma_start3A_19 : memref<16xf32, #tpu.memory_space<vmem>>) target(%dma_start3A_24 : memref<10240xf32, #tpu.memory_space<vmem_shared>>) offsets(%dma_start3A_22 : memref<16xi32, #tpu.memory_space<vmem>>) semaphore(%run_scoped3A_18 : memref<!tpu.dma_semaphore, #tpu.memory_space<semaphore_mem>>) {add = true}
      %dma_wait3A = arith.constant 0 : i32
      %dma_wait3A_25 = tpu.memref_slice %arg26[%dma_wait3A] : memref<128xf32, #tpu.memory_space<vmem>> -> memref<16xf32, #tpu.memory_space<vmem>>
      %dma_wait3A_26 = arith.constant 0 : i32
      %dma_wait3A_27 = tpu.memref_slice %arg25[%run_scoped3A_9, %dma_wait3A_26] : memref<1x16xi32, #tpu.memory_space<vmem>> -> memref<1x16xi32, #tpu.memory_space<vmem>>
      %dma_wait3A_28 = tpu.memref_squeeze %dma_wait3A_27 : memref<1x16xi32, #tpu.memory_space<vmem>> -> memref<16xi32, #tpu.memory_space<vmem>>
      %dma_wait3A_29 = arith.constant 0 : i32
      %dma_wait3A_30 = tpu.memref_slice %arg33[%dma_wait3A_29] : memref<10240xf32, #tpu.memory_space<vmem_shared>> -> memref<10240xf32, #tpu.memory_space<vmem_shared>>
      tpu.wait_indirect_dma semaphore(%run_scoped3A_18 : memref<!tpu.dma_semaphore, #tpu.memory_space<semaphore_mem>>) src(%dma_wait3A_25 : memref<16xf32, #tpu.memory_space<vmem>>) dst(%dma_wait3A_30 : memref<10240xf32, #tpu.memory_space<vmem_shared>>)
      tpu.yield
    }) : () -> ()
    %barrier3A_10 = arith.constant 0 : index
    tpu.barrier barrier_id(%barrier3A_10)
    %eq3A = arith.constant 0 : i32
    %eq3A_11 = arith.cmpi eq, %arg0, %eq3A : i32
    %convert_element_type3A = arith.extui %eq3A_11 : i1 to i32
    %cond3A = arith.constant 0 : i32
    %cond3A_12 = arith.cmpi ne, %convert_element_type3A, %cond3A : i32
    scf.if %cond3A_12 {
      "tpu.region"() ({
        %run_scoped3A_18 = tpu.sem_alloc : memref<!tpu.dma_semaphore, #tpu.memory_space<semaphore_mem>>
        %dma_start3A = tpu.memref_slice %arg8[%mul3A_4] : memref<10240xf32, #tpu.memory_space<hbm>> -> memref<640xf32, #tpu.memory_space<hbm>>
        %dma_start3A_19 = tpu.memref_slice %arg27[%mul3A_4] : memref<10240xf32, #tpu.memory_space<vmem_shared>> -> memref<640xf32, #tpu.memory_space<vmem_shared>>
        tpu.enqueue_dma source(%dma_start3A_19 : memref<640xf32, #tpu.memory_space<vmem_shared>>) target(%dma_start3A : memref<640xf32, #tpu.memory_space<hbm>>) target_semaphore(%run_scoped3A_18 : memref<!tpu.dma_semaphore, #tpu.memory_space<semaphore_mem>>)
        %dma_wait3A = tpu.memref_slice %arg8[%mul3A_4] : memref<10240xf32, #tpu.memory_space<hbm>> -> memref<640xf32, #tpu.memory_space<hbm>>
        %dma_wait3A_20 = tpu.memref_slice %arg27[%mul3A_4] : memref<10240xf32, #tpu.memory_space<vmem_shared>> -> memref<640xf32, #tpu.memory_space<vmem_shared>>
        tpu.wait_dma2 semaphore(%run_scoped3A_18 : memref<!tpu.dma_semaphore, #tpu.memory_space<semaphore_mem>>) src(%dma_wait3A_20 : memref<640xf32, #tpu.memory_space<vmem_shared>>) dst(%dma_wait3A : memref<640xf32, #tpu.memory_space<hbm>>)
        tpu.yield
      }) : () -> ()
      "tpu.region"() ({
        %run_scoped3A_18 = tpu.sem_alloc : memref<!tpu.dma_semaphore, #tpu.memory_space<semaphore_mem>>
        %dma_start3A = tpu.memref_slice %arg9[%mul3A_4] : memref<10240xf32, #tpu.memory_space<hbm>> -> memref<640xf32, #tpu.memory_space<hbm>>
        %dma_start3A_19 = tpu.memref_slice %arg28[%mul3A_4] : memref<10240xf32, #tpu.memory_space<vmem_shared>> -> memref<640xf32, #tpu.memory_space<vmem_shared>>
        tpu.enqueue_dma source(%dma_start3A_19 : memref<640xf32, #tpu.memory_space<vmem_shared>>) target(%dma_start3A : memref<640xf32, #tpu.memory_space<hbm>>) target_semaphore(%run_scoped3A_18 : memref<!tpu.dma_semaphore, #tpu.memory_space<semaphore_mem>>)
        %dma_wait3A = tpu.memref_slice %arg9[%mul3A_4] : memref<10240xf32, #tpu.memory_space<hbm>> -> memref<640xf32, #tpu.memory_space<hbm>>
        %dma_wait3A_20 = tpu.memref_slice %arg28[%mul3A_4] : memref<10240xf32, #tpu.memory_space<vmem_shared>> -> memref<640xf32, #tpu.memory_space<vmem_shared>>
        tpu.wait_dma2 semaphore(%run_scoped3A_18 : memref<!tpu.dma_semaphore, #tpu.memory_space<semaphore_mem>>) src(%dma_wait3A_20 : memref<640xf32, #tpu.memory_space<vmem_shared>>) dst(%dma_wait3A : memref<640xf32, #tpu.memory_space<hbm>>)
        tpu.yield
      }) : () -> ()
      "tpu.region"() ({
        %run_scoped3A_18 = tpu.sem_alloc : memref<!tpu.dma_semaphore, #tpu.memory_space<semaphore_mem>>
        %dma_start3A = tpu.memref_slice %arg10[%mul3A_4] : memref<10240xf32, #tpu.memory_space<hbm>> -> memref<640xf32, #tpu.memory_space<hbm>>
        %dma_start3A_19 = tpu.memref_slice %arg29[%mul3A_4] : memref<10240xf32, #tpu.memory_space<vmem_shared>> -> memref<640xf32, #tpu.memory_space<vmem_shared>>
        tpu.enqueue_dma source(%dma_start3A_19 : memref<640xf32, #tpu.memory_space<vmem_shared>>) target(%dma_start3A : memref<640xf32, #tpu.memory_space<hbm>>) target_semaphore(%run_scoped3A_18 : memref<!tpu.dma_semaphore, #tpu.memory_space<semaphore_mem>>)
        %dma_wait3A = tpu.memref_slice %arg10[%mul3A_4] : memref<10240xf32, #tpu.memory_space<hbm>> -> memref<640xf32, #tpu.memory_space<hbm>>
        %dma_wait3A_20 = tpu.memref_slice %arg29[%mul3A_4] : memref<10240xf32, #tpu.memory_space<vmem_shared>> -> memref<640xf32, #tpu.memory_space<vmem_shared>>
        tpu.wait_dma2 semaphore(%run_scoped3A_18 : memref<!tpu.dma_semaphore, #tpu.memory_space<semaphore_mem>>) src(%dma_wait3A_20 : memref<640xf32, #tpu.memory_space<vmem_shared>>) dst(%dma_wait3A : memref<640xf32, #tpu.memory_space<hbm>>)
        tpu.yield
      }) : () -> ()
      "tpu.region"() ({
        %run_scoped3A_18 = tpu.sem_alloc : memref<!tpu.dma_semaphore, #tpu.memory_space<semaphore_mem>>
        %dma_start3A = tpu.memref_slice %arg11[%mul3A_4] : memref<10240xf32, #tpu.memory_space<hbm>> -> memref<640xf32, #tpu.memory_space<hbm>>
        %dma_start3A_19 = tpu.memref_slice %arg30[%mul3A_4] : memref<10240xf32, #tpu.memory_space<vmem_shared>> -> memref<640xf32, #tpu.memory_space<vmem_shared>>
        tpu.enqueue_dma source(%dma_start3A_19 : memref<640xf32, #tpu.memory_space<vmem_shared>>) target(%dma_start3A : memref<640xf32, #tpu.memory_space<hbm>>) target_semaphore(%run_scoped3A_18 : memref<!tpu.dma_semaphore, #tpu.memory_space<semaphore_mem>>)
        %dma_wait3A = tpu.memref_slice %arg11[%mul3A_4] : memref<10240xf32, #tpu.memory_space<hbm>> -> memref<640xf32, #tpu.memory_space<hbm>>
        %dma_wait3A_20 = tpu.memref_slice %arg30[%mul3A_4] : memref<10240xf32, #tpu.memory_space<vmem_shared>> -> memref<640xf32, #tpu.memory_space<vmem_shared>>
        tpu.wait_dma2 semaphore(%run_scoped3A_18 : memref<!tpu.dma_semaphore, #tpu.memory_space<semaphore_mem>>) src(%dma_wait3A_20 : memref<640xf32, #tpu.memory_space<vmem_shared>>) dst(%dma_wait3A : memref<640xf32, #tpu.memory_space<hbm>>)
        tpu.yield
      }) : () -> ()
      "tpu.region"() ({
        %run_scoped3A_18 = tpu.sem_alloc : memref<!tpu.dma_semaphore, #tpu.memory_space<semaphore_mem>>
        %dma_start3A = tpu.memref_slice %arg12[%mul3A_4] : memref<10240xf32, #tpu.memory_space<hbm>> -> memref<640xf32, #tpu.memory_space<hbm>>
        %dma_start3A_19 = tpu.memref_slice %arg31[%mul3A_4] : memref<10240xf32, #tpu.memory_space<vmem_shared>> -> memref<640xf32, #tpu.memory_space<vmem_shared>>
        tpu.enqueue_dma source(%dma_start3A_19 : memref<640xf32, #tpu.memory_space<vmem_shared>>) target(%dma_start3A : memref<640xf32, #tpu.memory_space<hbm>>) target_semaphore(%run_scoped3A_18 : memref<!tpu.dma_semaphore, #tpu.memory_space<semaphore_mem>>)
        %dma_wait3A = tpu.memref_slice %arg12[%mul3A_4] : memref<10240xf32, #tpu.memory_space<hbm>> -> memref<640xf32, #tpu.memory_space<hbm>>
        %dma_wait3A_20 = tpu.memref_slice %arg31[%mul3A_4] : memref<10240xf32, #tpu.memory_space<vmem_shared>> -> memref<640xf32, #tpu.memory_space<vmem_shared>>
        tpu.wait_dma2 semaphore(%run_scoped3A_18 : memref<!tpu.dma_semaphore, #tpu.memory_space<semaphore_mem>>) src(%dma_wait3A_20 : memref<640xf32, #tpu.memory_space<vmem_shared>>) dst(%dma_wait3A : memref<640xf32, #tpu.memory_space<hbm>>)
        tpu.yield
      }) : () -> ()
      "tpu.region"() ({
        %run_scoped3A_18 = tpu.sem_alloc : memref<!tpu.dma_semaphore, #tpu.memory_space<semaphore_mem>>
        %dma_start3A = tpu.memref_slice %arg18[%mul3A_4] : memref<10240xf32, #tpu.memory_space<hbm>> -> memref<640xf32, #tpu.memory_space<hbm>>
        %dma_start3A_19 = tpu.memref_slice %arg32[%mul3A_4] : memref<10240xf32, #tpu.memory_space<vmem_shared>> -> memref<640xf32, #tpu.memory_space<vmem_shared>>
        tpu.enqueue_dma source(%dma_start3A_19 : memref<640xf32, #tpu.memory_space<vmem_shared>>) target(%dma_start3A : memref<640xf32, #tpu.memory_space<hbm>>) target_semaphore(%run_scoped3A_18 : memref<!tpu.dma_semaphore, #tpu.memory_space<semaphore_mem>>)
        %dma_wait3A = tpu.memref_slice %arg18[%mul3A_4] : memref<10240xf32, #tpu.memory_space<hbm>> -> memref<640xf32, #tpu.memory_space<hbm>>
        %dma_wait3A_20 = tpu.memref_slice %arg32[%mul3A_4] : memref<10240xf32, #tpu.memory_space<vmem_shared>> -> memref<640xf32, #tpu.memory_space<vmem_shared>>
        tpu.wait_dma2 semaphore(%run_scoped3A_18 : memref<!tpu.dma_semaphore, #tpu.memory_space<semaphore_mem>>) src(%dma_wait3A_20 : memref<640xf32, #tpu.memory_space<vmem_shared>>) dst(%dma_wait3A : memref<640xf32, #tpu.memory_space<hbm>>)
        tpu.yield
      }) : () -> ()
      "tpu.region"() ({
        %run_scoped3A_18 = tpu.sem_alloc : memref<!tpu.dma_semaphore, #tpu.memory_space<semaphore_mem>>
        %dma_start3A = tpu.memref_slice %arg20[%mul3A_4] : memref<10240xf32, #tpu.memory_space<hbm>> -> memref<640xf32, #tpu.memory_space<hbm>>
        %dma_start3A_19 = tpu.memref_slice %arg33[%mul3A_4] : memref<10240xf32, #tpu.memory_space<vmem_shared>> -> memref<640xf32, #tpu.memory_space<vmem_shared>>
        tpu.enqueue_dma source(%dma_start3A_19 : memref<640xf32, #tpu.memory_space<vmem_shared>>) target(%dma_start3A : memref<640xf32, #tpu.memory_space<hbm>>) target_semaphore(%run_scoped3A_18 : memref<!tpu.dma_semaphore, #tpu.memory_space<semaphore_mem>>)
        %dma_wait3A = tpu.memref_slice %arg20[%mul3A_4] : memref<10240xf32, #tpu.memory_space<hbm>> -> memref<640xf32, #tpu.memory_space<hbm>>
        %dma_wait3A_20 = tpu.memref_slice %arg33[%mul3A_4] : memref<10240xf32, #tpu.memory_space<vmem_shared>> -> memref<640xf32, #tpu.memory_space<vmem_shared>>
        tpu.wait_dma2 semaphore(%run_scoped3A_18 : memref<!tpu.dma_semaphore, #tpu.memory_space<semaphore_mem>>) src(%dma_wait3A_20 : memref<640xf32, #tpu.memory_space<vmem_shared>>) dst(%dma_wait3A : memref<640xf32, #tpu.memory_space<hbm>>)
        tpu.yield
      }) : () -> ()
    } else {
    }
    %eq3A_13 = arith.constant 1 : i32
    %eq3A_14 = arith.cmpi eq, %arg0, %eq3A_13 : i32
    %convert_element_type3A_15 = arith.extui %eq3A_14 : i1 to i32
    %cond3A_16 = arith.constant 0 : i32
    %cond3A_17 = arith.cmpi ne, %convert_element_type3A_15, %cond3A_16 : i32
    scf.if %cond3A_17 {
      "tpu.region"() ({
        %run_scoped3A_18 = tpu.sem_alloc : memref<!tpu.dma_semaphore, #tpu.memory_space<semaphore_mem>>
        %dma_start3A = tpu.memref_slice %arg13[%mul3A_4] : memref<10240xf32, #tpu.memory_space<hbm>> -> memref<640xf32, #tpu.memory_space<hbm>>
        %dma_start3A_19 = tpu.memref_slice %arg27[%mul3A_4] : memref<10240xf32, #tpu.memory_space<vmem_shared>> -> memref<640xf32, #tpu.memory_space<vmem_shared>>
        tpu.enqueue_dma source(%dma_start3A_19 : memref<640xf32, #tpu.memory_space<vmem_shared>>) target(%dma_start3A : memref<640xf32, #tpu.memory_space<hbm>>) target_semaphore(%run_scoped3A_18 : memref<!tpu.dma_semaphore, #tpu.memory_space<semaphore_mem>>)
        %dma_wait3A = tpu.memref_slice %arg13[%mul3A_4] : memref<10240xf32, #tpu.memory_space<hbm>> -> memref<640xf32, #tpu.memory_space<hbm>>
        %dma_wait3A_20 = tpu.memref_slice %arg27[%mul3A_4] : memref<10240xf32, #tpu.memory_space<vmem_shared>> -> memref<640xf32, #tpu.memory_space<vmem_shared>>
        tpu.wait_dma2 semaphore(%run_scoped3A_18 : memref<!tpu.dma_semaphore, #tpu.memory_space<semaphore_mem>>) src(%dma_wait3A_20 : memref<640xf32, #tpu.memory_space<vmem_shared>>) dst(%dma_wait3A : memref<640xf32, #tpu.memory_space<hbm>>)
        tpu.yield
      }) : () -> ()
      "tpu.region"() ({
        %run_scoped3A_18 = tpu.sem_alloc : memref<!tpu.dma_semaphore, #tpu.memory_space<semaphore_mem>>
        %dma_start3A = tpu.memref_slice %arg14[%mul3A_4] : memref<10240xf32, #tpu.memory_space<hbm>> -> memref<640xf32, #tpu.memory_space<hbm>>
        %dma_start3A_19 = tpu.memref_slice %arg28[%mul3A_4] : memref<10240xf32, #tpu.memory_space<vmem_shared>> -> memref<640xf32, #tpu.memory_space<vmem_shared>>
        tpu.enqueue_dma source(%dma_start3A_19 : memref<640xf32, #tpu.memory_space<vmem_shared>>) target(%dma_start3A : memref<640xf32, #tpu.memory_space<hbm>>) target_semaphore(%run_scoped3A_18 : memref<!tpu.dma_semaphore, #tpu.memory_space<semaphore_mem>>)
        %dma_wait3A = tpu.memref_slice %arg14[%mul3A_4] : memref<10240xf32, #tpu.memory_space<hbm>> -> memref<640xf32, #tpu.memory_space<hbm>>
        %dma_wait3A_20 = tpu.memref_slice %arg28[%mul3A_4] : memref<10240xf32, #tpu.memory_space<vmem_shared>> -> memref<640xf32, #tpu.memory_space<vmem_shared>>
        tpu.wait_dma2 semaphore(%run_scoped3A_18 : memref<!tpu.dma_semaphore, #tpu.memory_space<semaphore_mem>>) src(%dma_wait3A_20 : memref<640xf32, #tpu.memory_space<vmem_shared>>) dst(%dma_wait3A : memref<640xf32, #tpu.memory_space<hbm>>)
        tpu.yield
      }) : () -> ()
      "tpu.region"() ({
        %run_scoped3A_18 = tpu.sem_alloc : memref<!tpu.dma_semaphore, #tpu.memory_space<semaphore_mem>>
        %dma_start3A = tpu.memref_slice %arg15[%mul3A_4] : memref<10240xf32, #tpu.memory_space<hbm>> -> memref<640xf32, #tpu.memory_space<hbm>>
        %dma_start3A_19 = tpu.memref_slice %arg29[%mul3A_4] : memref<10240xf32, #tpu.memory_space<vmem_shared>> -> memref<640xf32, #tpu.memory_space<vmem_shared>>
        tpu.enqueue_dma source(%dma_start3A_19 : memref<640xf32, #tpu.memory_space<vmem_shared>>) target(%dma_start3A : memref<640xf32, #tpu.memory_space<hbm>>) target_semaphore(%run_scoped3A_18 : memref<!tpu.dma_semaphore, #tpu.memory_space<semaphore_mem>>)
        %dma_wait3A = tpu.memref_slice %arg15[%mul3A_4] : memref<10240xf32, #tpu.memory_space<hbm>> -> memref<640xf32, #tpu.memory_space<hbm>>
        %dma_wait3A_20 = tpu.memref_slice %arg29[%mul3A_4] : memref<10240xf32, #tpu.memory_space<vmem_shared>> -> memref<640xf32, #tpu.memory_space<vmem_shared>>
        tpu.wait_dma2 semaphore(%run_scoped3A_18 : memref<!tpu.dma_semaphore, #tpu.memory_space<semaphore_mem>>) src(%dma_wait3A_20 : memref<640xf32, #tpu.memory_space<vmem_shared>>) dst(%dma_wait3A : memref<640xf32, #tpu.memory_space<hbm>>)
        tpu.yield
      }) : () -> ()
      "tpu.region"() ({
        %run_scoped3A_18 = tpu.sem_alloc : memref<!tpu.dma_semaphore, #tpu.memory_space<semaphore_mem>>
        %dma_start3A = tpu.memref_slice %arg16[%mul3A_4] : memref<10240xf32, #tpu.memory_space<hbm>> -> memref<640xf32, #tpu.memory_space<hbm>>
        %dma_start3A_19 = tpu.memref_slice %arg30[%mul3A_4] : memref<10240xf32, #tpu.memory_space<vmem_shared>> -> memref<640xf32, #tpu.memory_space<vmem_shared>>
        tpu.enqueue_dma source(%dma_start3A_19 : memref<640xf32, #tpu.memory_space<vmem_shared>>) target(%dma_start3A : memref<640xf32, #tpu.memory_space<hbm>>) target_semaphore(%run_scoped3A_18 : memref<!tpu.dma_semaphore, #tpu.memory_space<semaphore_mem>>)
        %dma_wait3A = tpu.memref_slice %arg16[%mul3A_4] : memref<10240xf32, #tpu.memory_space<hbm>> -> memref<640xf32, #tpu.memory_space<hbm>>
        %dma_wait3A_20 = tpu.memref_slice %arg30[%mul3A_4] : memref<10240xf32, #tpu.memory_space<vmem_shared>> -> memref<640xf32, #tpu.memory_space<vmem_shared>>
        tpu.wait_dma2 semaphore(%run_scoped3A_18 : memref<!tpu.dma_semaphore, #tpu.memory_space<semaphore_mem>>) src(%dma_wait3A_20 : memref<640xf32, #tpu.memory_space<vmem_shared>>) dst(%dma_wait3A : memref<640xf32, #tpu.memory_space<hbm>>)
        tpu.yield
      }) : () -> ()
      "tpu.region"() ({
        %run_scoped3A_18 = tpu.sem_alloc : memref<!tpu.dma_semaphore, #tpu.memory_space<semaphore_mem>>
        %dma_start3A = tpu.memref_slice %arg17[%mul3A_4] : memref<10240xf32, #tpu.memory_space<hbm>> -> memref<640xf32, #tpu.memory_space<hbm>>
        %dma_start3A_19 = tpu.memref_slice %arg31[%mul3A_4] : memref<10240xf32, #tpu.memory_space<vmem_shared>> -> memref<640xf32, #tpu.memory_space<vmem_shared>>
        tpu.enqueue_dma source(%dma_start3A_19 : memref<640xf32, #tpu.memory_space<vmem_shared>>) target(%dma_start3A : memref<640xf32, #tpu.memory_space<hbm>>) target_semaphore(%run_scoped3A_18 : memref<!tpu.dma_semaphore, #tpu.memory_space<semaphore_mem>>)
        %dma_wait3A = tpu.memref_slice %arg17[%mul3A_4] : memref<10240xf32, #tpu.memory_space<hbm>> -> memref<640xf32, #tpu.memory_space<hbm>>
        %dma_wait3A_20 = tpu.memref_slice %arg31[%mul3A_4] : memref<10240xf32, #tpu.memory_space<vmem_shared>> -> memref<640xf32, #tpu.memory_space<vmem_shared>>
        tpu.wait_dma2 semaphore(%run_scoped3A_18 : memref<!tpu.dma_semaphore, #tpu.memory_space<semaphore_mem>>) src(%dma_wait3A_20 : memref<640xf32, #tpu.memory_space<vmem_shared>>) dst(%dma_wait3A : memref<640xf32, #tpu.memory_space<hbm>>)
        tpu.yield
      }) : () -> ()
      "tpu.region"() ({
        %run_scoped3A_18 = tpu.sem_alloc : memref<!tpu.dma_semaphore, #tpu.memory_space<semaphore_mem>>
        %dma_start3A = tpu.memref_slice %arg19[%mul3A_4] : memref<10240xf32, #tpu.memory_space<hbm>> -> memref<640xf32, #tpu.memory_space<hbm>>
        %dma_start3A_19 = tpu.memref_slice %arg32[%mul3A_4] : memref<10240xf32, #tpu.memory_space<vmem_shared>> -> memref<640xf32, #tpu.memory_space<vmem_shared>>
        tpu.enqueue_dma source(%dma_start3A_19 : memref<640xf32, #tpu.memory_space<vmem_shared>>) target(%dma_start3A : memref<640xf32, #tpu.memory_space<hbm>>) target_semaphore(%run_scoped3A_18 : memref<!tpu.dma_semaphore, #tpu.memory_space<semaphore_mem>>)
        %dma_wait3A = tpu.memref_slice %arg19[%mul3A_4] : memref<10240xf32, #tpu.memory_space<hbm>> -> memref<640xf32, #tpu.memory_space<hbm>>
        %dma_wait3A_20 = tpu.memref_slice %arg32[%mul3A_4] : memref<10240xf32, #tpu.memory_space<vmem_shared>> -> memref<640xf32, #tpu.memory_space<vmem_shared>>
        tpu.wait_dma2 semaphore(%run_scoped3A_18 : memref<!tpu.dma_semaphore, #tpu.memory_space<semaphore_mem>>) src(%dma_wait3A_20 : memref<640xf32, #tpu.memory_space<vmem_shared>>) dst(%dma_wait3A : memref<640xf32, #tpu.memory_space<hbm>>)
        tpu.yield
      }) : () -> ()
      "tpu.region"() ({
        %run_scoped3A_18 = tpu.sem_alloc : memref<!tpu.dma_semaphore, #tpu.memory_space<semaphore_mem>>
        %dma_start3A = tpu.memref_slice %arg21[%mul3A_4] : memref<10240xf32, #tpu.memory_space<hbm>> -> memref<640xf32, #tpu.memory_space<hbm>>
        %dma_start3A_19 = tpu.memref_slice %arg33[%mul3A_4] : memref<10240xf32, #tpu.memory_space<vmem_shared>> -> memref<640xf32, #tpu.memory_space<vmem_shared>>
        tpu.enqueue_dma source(%dma_start3A_19 : memref<640xf32, #tpu.memory_space<vmem_shared>>) target(%dma_start3A : memref<640xf32, #tpu.memory_space<hbm>>) target_semaphore(%run_scoped3A_18 : memref<!tpu.dma_semaphore, #tpu.memory_space<semaphore_mem>>)
        %dma_wait3A = tpu.memref_slice %arg21[%mul3A_4] : memref<10240xf32, #tpu.memory_space<hbm>> -> memref<640xf32, #tpu.memory_space<hbm>>
        %dma_wait3A_20 = tpu.memref_slice %arg33[%mul3A_4] : memref<10240xf32, #tpu.memory_space<vmem_shared>> -> memref<640xf32, #tpu.memory_space<vmem_shared>>
        tpu.wait_dma2 semaphore(%run_scoped3A_18 : memref<!tpu.dma_semaphore, #tpu.memory_space<semaphore_mem>>) src(%dma_wait3A_20 : memref<640xf32, #tpu.memory_space<vmem_shared>>) dst(%dma_wait3A : memref<640xf32, #tpu.memory_space<hbm>>)
        tpu.yield
      }) : () -> ()
    } else {
    }
    return
  }
}

module attributes {stable_mosaic.version = 14 : i64} {
  func.func @_tc_xw_body(%arg0: i32, %arg1: memref<1000x128xf32, #tpu.memory_space<vmem>>, %arg2: memref<128x128xf32, #tpu.memory_space<vmem>>, %arg3: memref<1x128xf32, #tpu.memory_space<vmem>>, %arg4: memref<2x1000x1xf32, #tpu.memory_space<vmem>>, %arg5: memref<1000x128xf32, #tpu.memory_space<vmem>>) attributes {dimension_semantics = [#tpu.dimension_semantics<arbitrary>], iteration_bounds = array<i64: 10>, scalar_prefetch = 0 : i64, scratch_operands = 0 : i64, tpu.core_type = #tpu.core_type<tc>, window_params = [{transform_indices = @transform_0, window_bounds = array<i64: 1000, 128>}, {pipeline_mode = #tpu.pipeline_mode<synchronous>, transform_indices = @transform_1, window_bounds = array<i64: 128, 128>}, {pipeline_mode = #tpu.pipeline_mode<synchronous>, transform_indices = @transform_2, window_bounds = array<i64: 1, 128>}, {transform_indices = @transform_3, window_bounds = array<i64: 2, 1000, 1>}, {transform_indices = @transform_4, window_bounds = array<i64: 1000, 128>}]} {
    %get3A = arith.constant 0 : index
    %get3A_0 = arith.constant 0 : index
    %get3A_1 = arith.constant 0 : index
    %get3A_2 = vector.load %arg4[%get3A, %get3A_0, %get3A_1] : memref<2x1000x1xf32, #tpu.memory_space<vmem>>, vector<1x1000x1xf32>
    %get3A_3 = vector.shape_cast %get3A_2 : vector<1x1000x1xf32> to vector<1000x1xf32>
    %get3A_4 = arith.constant 1 : index
    %get3A_5 = arith.constant 0 : index
    %get3A_6 = arith.constant 0 : index
    %get3A_7 = vector.load %arg4[%get3A_4, %get3A_5, %get3A_6] : memref<2x1000x1xf32, #tpu.memory_space<vmem>>, vector<1x1000x1xf32>
    %get3A_8 = vector.shape_cast %get3A_7 : vector<1x1000x1xf32> to vector<1000x1xf32>
    %add3A = arith.addf %get3A_3, %get3A_8 : vector<1000x1xf32>
    %min3A = arith.constant 1.000000e+00 : f32
    %min3A_9 = vector.broadcast %min3A : f32 to vector<1000x1xf32>
    %min3A_10 = arith.minimumf %add3A, %min3A_9 : vector<1000x1xf32>
    %get3A_11 = arith.constant 0 : index
    %get3A_12 = arith.constant 0 : index
    %get3A_13 = vector.load %arg1[%get3A_11, %get3A_12] : memref<1000x128xf32, #tpu.memory_space<vmem>>, vector<1000x128xf32>
    %get3A_14 = arith.constant 0 : index
    %get3A_15 = arith.constant 0 : index
    %get3A_16 = vector.load %arg2[%get3A_14, %get3A_15] : memref<128x128xf32, #tpu.memory_space<vmem>>, vector<128x128xf32>
    %dot_general3A = arith.constant dense<0.000000e+00> : vector<1000x128xf32>
    %dot_general3A_17 = tpu.matmul %get3A_13, %get3A_16, %dot_general3A {dimension_numbers = #tpu.dot_dimension_numbers<[1], [0], [0], [1], [0, 0, 1, 1], [], []>, transpose_lhs_hint = false} : vector<1000x128xf32>, vector<128x128xf32>, vector<1000x128xf32> -> vector<1000x128xf32>
    %get3A_18 = arith.constant 0 : index
    %get3A_19 = arith.constant 0 : index
    %get3A_20 = vector.load %arg3[%get3A_18, %get3A_19] : memref<1x128xf32, #tpu.memory_space<vmem>>, vector<1x128xf32>
    %mul3A = vector.broadcast %min3A_10 : vector<1000x1xf32> to vector<1000x128xf32>
    %mul3A_21 = vector.broadcast %get3A_20 : vector<1x128xf32> to vector<1000x128xf32>
    %mul3A_22 = arith.mulf %mul3A, %mul3A_21 : vector<1000x128xf32>
    %add3A_23 = arith.addf %dot_general3A_17, %mul3A_22 : vector<1000x128xf32>
    %swap3A = arith.constant 0 : index
    %swap3A_24 = arith.constant 0 : index
    %swap3A_25 = vector.load %arg5[%swap3A, %swap3A_24] : memref<1000x128xf32, #tpu.memory_space<vmem>>, vector<1000x128xf32>
    tpu.vector_store %arg5[%swap3A, %swap3A_24], %add3A_23 {strides = array<i32>} : memref<1000x128xf32, #tpu.memory_space<vmem>>, vector<1000x128xf32>,
    return
  }
  func.func @transform_0(%arg0: i32) -> (i32, i32) {
    %c0_i32 = arith.constant 0 : i32
    %c0_i32_0 = arith.constant 0 : i32
    return %arg0, %c0_i32 : i32, i32
  }
  func.func @transform_1(%arg0: i32) -> (i32, i32) {
    %c0_i32 = arith.constant 0 : i32
    %c0_i32_0 = arith.constant 0 : i32
    %c0_i32_1 = arith.constant 0 : i32
    return %c0_i32, %c0_i32_0 : i32, i32
  }
  func.func @transform_2(%arg0: i32) -> (i32, i32) {
    %c0_i32 = arith.constant 0 : i32
    %c0_i32_0 = arith.constant 0 : i32
    %c0_i32_1 = arith.constant 0 : i32
    return %c0_i32, %c0_i32_0 : i32, i32
  }
  func.func @transform_3(%arg0: i32) -> (i32, i32, i32) {
    %c0_i32 = arith.constant 0 : i32
    %c0_i32_0 = arith.constant 0 : i32
    %c0_i32_1 = arith.constant 0 : i32
    return %c0_i32, %arg0, %c0_i32_0 : i32, i32, i32
  }
  func.func @transform_4(%arg0: i32) -> (i32, i32) {
    %c0_i32 = arith.constant 0 : i32
    %c0_i32_0 = arith.constant 0 : i32
    return %arg0, %c0_i32 : i32, i32
  }
}

module attributes {stable_mosaic.version = 14 : i64} {
  func.func @_tc_me_body(%arg0: i32, %arg1: memref<2x1000x128xf32, #tpu.memory_space<vmem>>, %arg2: memref<2x1000x5xf32, #tpu.memory_space<vmem>>, %arg3: memref<5x128xf32, #tpu.memory_space<vmem>>, %arg4: memref<1000x128xf32, #tpu.memory_space<vmem>>) attributes {dimension_semantics = [#tpu.dimension_semantics<arbitrary>], iteration_bounds = array<i64: 10>, scalar_prefetch = 0 : i64, scratch_operands = 0 : i64, tpu.core_type = #tpu.core_type<tc>, window_params = [{transform_indices = @transform_0, window_bounds = array<i64: 2, 1000, 128>}, {transform_indices = @transform_1, window_bounds = array<i64: 2, 1000, 5>}, {pipeline_mode = #tpu.pipeline_mode<synchronous>, transform_indices = @transform_2, window_bounds = array<i64: 5, 128>}, {transform_indices = @transform_3, window_bounds = array<i64: 1000, 128>}]} {
    %get3A = arith.constant 0 : index
    %get3A_0 = arith.constant 0 : index
    %get3A_1 = arith.constant 0 : index
    %get3A_2 = vector.load %arg2[%get3A, %get3A_0, %get3A_1] : memref<2x1000x5xf32, #tpu.memory_space<vmem>>, vector<1x1000x5xf32>
    %get3A_3 = vector.shape_cast %get3A_2 : vector<1x1000x5xf32> to vector<1000x5xf32>
    %get3A_4 = arith.constant 1 : index
    %get3A_5 = arith.constant 0 : index
    %get3A_6 = arith.constant 0 : index
    %get3A_7 = vector.load %arg2[%get3A_4, %get3A_5, %get3A_6] : memref<2x1000x5xf32, #tpu.memory_space<vmem>>, vector<1x1000x5xf32>
    %get3A_8 = vector.shape_cast %get3A_7 : vector<1x1000x5xf32> to vector<1000x5xf32>
    %add3A = arith.addf %get3A_3, %get3A_8 : vector<1000x5xf32>
    %iota3A = tpu.iota {dimensions = array<i32: 1>} : vector<1000x5xi32>
    %eq3A = arith.constant 4 : i32
    %eq3A_9 = vector.broadcast %eq3A : i32 to vector<1000x5xi32>
    %eq3A_10 = arith.cmpi eq, %iota3A, %eq3A_9 : vector<1000x5xi32>
    %jit3A = arith.constant 0.000000e+00 : f32
    %broadcast_in_dim3A = vector.broadcast %jit3A : f32 to vector<1000x5xf32>
    %select_n3A = arith.select %eq3A_10, %add3A, %broadcast_in_dim3A : vector<1000x5xi1>, vector<1000x5xf32>
    %reduce_sum3A = arith.constant dense<0.000000e+00> : vector<1000xf32>
    %reduce_sum3A_11 = vector.multi_reduction <add>, %select_n3A, %reduce_sum3A [1] : vector<1000x5xf32> to vector<1000xf32>
    %broadcast_in_dim3A_12 = vector.shape_cast %reduce_sum3A_11 : vector<1000xf32> to vector<1000x1xf32>
    %max3A = arith.constant 1.000000e+00 : f32
    %max3A_13 = vector.broadcast %max3A : f32 to vector<1000x1xf32>
    %max3A_14 = arith.maximumf %broadcast_in_dim3A_12, %max3A_13 : vector<1000x1xf32>
    %get3A_15 = arith.constant 0 : index
    %get3A_16 = arith.constant 0 : index
    %get3A_17 = vector.load %arg3[%get3A_15, %get3A_16] : memref<5x128xf32, #tpu.memory_space<vmem>>, vector<5x128xf32>
    %dot_general3A = arith.constant dense<0.000000e+00> : vector<1000x128xf32>
    %dot_general3A_18 = tpu.matmul %add3A, %get3A_17, %dot_general3A {dimension_numbers = #tpu.dot_dimension_numbers<[1], [0], [0], [1], [0, 0, 1, 1], [], []>, transpose_lhs_hint = false} : vector<1000x5xf32>, vector<5x128xf32>, vector<1000x128xf32> -> vector<1000x128xf32>
    %get3A_19 = arith.constant 0 : index
    %get3A_20 = arith.constant 0 : index
    %get3A_21 = arith.constant 0 : index
    %get3A_22 = vector.load %arg1[%get3A_19, %get3A_20, %get3A_21] : memref<2x1000x128xf32, #tpu.memory_space<vmem>>, vector<1x1000x128xf32>
    %get3A_23 = vector.shape_cast %get3A_22 : vector<1x1000x128xf32> to vector<1000x128xf32>
    %get3A_24 = arith.constant 1 : index
    %get3A_25 = arith.constant 0 : index
    %get3A_26 = arith.constant 0 : index
    %get3A_27 = vector.load %arg1[%get3A_24, %get3A_25, %get3A_26] : memref<2x1000x128xf32, #tpu.memory_space<vmem>>, vector<1x1000x128xf32>
    %get3A_28 = vector.shape_cast %get3A_27 : vector<1x1000x128xf32> to vector<1000x128xf32>
    %add3A_29 = arith.addf %get3A_23, %get3A_28 : vector<1000x128xf32>
    %add3A_30 = arith.addf %add3A_29, %dot_general3A_18 : vector<1000x128xf32>
    %div3A = vector.broadcast %max3A_14 : vector<1000x1xf32> to vector<1000x128xf32>
    %div3A_31 = arith.divf %add3A_30, %div3A : vector<1000x128xf32>
    %swap3A = arith.constant 0 : index
    %swap3A_32 = arith.constant 0 : index
    %swap3A_33 = vector.load %arg4[%swap3A, %swap3A_32] : memref<1000x128xf32, #tpu.memory_space<vmem>>, vector<1000x128xf32>
    tpu.vector_store %arg4[%swap3A, %swap3A_32], %div3A_31 {strides = array<i32>} : memref<1000x128xf32, #tpu.memory_space<vmem>>, vector<1000x128xf32>,
    return
  }
  func.func @transform_0(%arg0: i32) -> (i32, i32, i32) {
    %c0_i32 = arith.constant 0 : i32
    %c0_i32_0 = arith.constant 0 : i32
    %c0_i32_1 = arith.constant 0 : i32
    return %c0_i32, %arg0, %c0_i32_0 : i32, i32, i32
  }
  func.func @transform_1(%arg0: i32) -> (i32, i32, i32) {
    %c0_i32 = arith.constant 0 : i32
    %c0_i32_0 = arith.constant 0 : i32
    %c0_i32_1 = arith.constant 0 : i32
    return %c0_i32, %arg0, %c0_i32_0 : i32, i32, i32
  }
  func.func @transform_2(%arg0: i32) -> (i32, i32) {
    %c0_i32 = arith.constant 0 : i32
    %c0_i32_0 = arith.constant 0 : i32
    %c0_i32_1 = arith.constant 0 : i32
    return %c0_i32, %c0_i32_0 : i32, i32
  }
  func.func @transform_3(%arg0: i32) -> (i32, i32) {
    %c0_i32 = arith.constant 0 : i32
    %c0_i32_0 = arith.constant 0 : i32
    return %arg0, %c0_i32 : i32, i32
  }
}

module attributes {stable_mosaic.version = 14 : i64} {
  func.func @_tc_poolhead_body(%arg0: i32, %arg1: memref<2x1000x128xf32, #tpu.memory_space<vmem>>, %arg2: memref<2x1000x1xf32, #tpu.memory_space<vmem>>, %arg3: memref<2x1000x1xf32, #tpu.memory_space<vmem>>, %arg4: memref<1x128xf32, #tpu.memory_space<vmem>>, %arg5: memref<1000x1xi32, #tpu.memory_space<vmem>>, %arg6: memref<16x13xf32, #tpu.memory_space<vmem>>, %arg7: memref<13x128xf32, #tpu.memory_space<vmem>>, %arg8: memref<1x128xf32, #tpu.memory_space<vmem>>, %arg9: memref<384x128xf32, #tpu.memory_space<vmem>>, %arg10: memref<1x128xf32, #tpu.memory_space<vmem>>, %arg11: memref<128x64xf32, #tpu.memory_space<vmem>>, %arg12: memref<1x64xf32, #tpu.memory_space<vmem>>, %arg13: memref<64x4xf32, #tpu.memory_space<vmem>>, %arg14: memref<1x4xf32, #tpu.memory_space<vmem>>, %arg15: memref<16x4xf32, #tpu.memory_space<vmem>>, %arg16: memref<16x128xf32, #tpu.memory_space<vmem>>, %arg17: memref<16x128xf32, #tpu.memory_space<vmem>>, %arg18: memref<16x128xf32, #tpu.memory_space<vmem>>, %arg19: memref<16x128xf32, #tpu.memory_space<vmem>>) attributes {dimension_semantics = [#tpu.dimension_semantics<arbitrary>], iteration_bounds = array<i64: 10>, scalar_prefetch = 0 : i64, scratch_operands = 4 : i64, tpu.core_type = #tpu.core_type<tc>, window_params = [{transform_indices = @transform_0, window_bounds = array<i64: 2, 1000, 128>}, {transform_indices = @transform_1, window_bounds = array<i64: 2, 1000, 1>}, {transform_indices = @transform_2, window_bounds = array<i64: 2, 1000, 1>}, {pipeline_mode = #tpu.pipeline_mode<synchronous>, transform_indices = @transform_3, window_bounds = array<i64: 1, 128>}, {transform_indices = @transform_4, window_bounds = array<i64: 1000, 1>}, {pipeline_mode = #tpu.pipeline_mode<synchronous>, transform_indices = @transform_5, window_bounds = array<i64: 16, 13>}, {pipeline_mode = #tpu.pipeline_mode<synchronous>, transform_indices = @transform_6, window_bounds = array<i64: 13, 128>}, {pipeline_mode = #tpu.pipeline_mode<synchronous>, transform_indices = @transform_7, window_bounds = array<i64: 1, 128>}, {pipeline_mode = #tpu.pipeline_mode<synchronous>, transform_indices = @transform_8, window_bounds = array<i64: 384, 128>}, {pipeline_mode = #tpu.pipeline_mode<synchronous>, transform_indices = @transform_9, window_bounds = array<i64: 1, 128>}, {pipeline_mode = #tpu.pipeline_mode<synchronous>, transform_indices = @transform_10, window_bounds = array<i64: 128, 64>}, {pipeline_mode = #tpu.pipeline_mode<synchronous>, transform_indices = @transform_11, window_bounds = array<i64: 1, 64>}, {pipeline_mode = #tpu.pipeline_mode<synchronous>, transform_indices = @transform_12, window_bounds = array<i64: 64, 4>}, {pipeline_mode = #tpu.pipeline_mode<synchronous>, transform_indices = @transform_13, window_bounds = array<i64: 1, 4>}, {pipeline_mode = #tpu.pipeline_mode<synchronous>, transform_indices = @transform_14, window_bounds = array<i64: 16, 4>}]} {
    %get3A = arith.constant 0 : index
    %get3A_0 = arith.constant 0 : index
    %get3A_1 = arith.constant 0 : index
    %get3A_2 = vector.load %arg2[%get3A, %get3A_0, %get3A_1] : memref<2x1000x1xf32, #tpu.memory_space<vmem>>, vector<1x1000x1xf32>
    %get3A_3 = vector.shape_cast %get3A_2 : vector<1x1000x1xf32> to vector<1000x1xf32>
    %get3A_4 = arith.constant 1 : index
    %get3A_5 = arith.constant 0 : index
    %get3A_6 = arith.constant 0 : index
    %get3A_7 = vector.load %arg2[%get3A_4, %get3A_5, %get3A_6] : memref<2x1000x1xf32, #tpu.memory_space<vmem>>, vector<1x1000x1xf32>
    %get3A_8 = vector.shape_cast %get3A_7 : vector<1x1000x1xf32> to vector<1000x1xf32>
    %add3A = arith.addf %get3A_3, %get3A_8 : vector<1000x1xf32>
    %max3A = arith.constant 1.000000e+00 : f32
    %max3A_9 = vector.broadcast %max3A : f32 to vector<1000x1xf32>
    %max3A_10 = arith.maximumf %add3A, %max3A_9 : vector<1000x1xf32>
    %get3A_11 = arith.constant 0 : index
    %get3A_12 = arith.constant 0 : index
    %get3A_13 = arith.constant 0 : index
    %get3A_14 = vector.load %arg1[%get3A_11, %get3A_12, %get3A_13] : memref<2x1000x128xf32, #tpu.memory_space<vmem>>, vector<1x1000x128xf32>
    %get3A_15 = vector.shape_cast %get3A_14 : vector<1x1000x128xf32> to vector<1000x128xf32>
    %get3A_16 = arith.constant 1 : index
    %get3A_17 = arith.constant 0 : index
    %get3A_18 = arith.constant 0 : index
    %get3A_19 = vector.load %arg1[%get3A_16, %get3A_17, %get3A_18] : memref<2x1000x128xf32, #tpu.memory_space<vmem>>, vector<1x1000x128xf32>
    %get3A_20 = vector.shape_cast %get3A_19 : vector<1x1000x128xf32> to vector<1000x128xf32>
    %add3A_21 = arith.addf %get3A_15, %get3A_20 : vector<1000x128xf32>
    %div3A = vector.broadcast %max3A_10 : vector<1000x1xf32> to vector<1000x128xf32>
    %div3A_22 = arith.divf %add3A_21, %div3A : vector<1000x128xf32>
    %get3A_23 = arith.constant 0 : index
    %get3A_24 = arith.constant 0 : index
    %get3A_25 = vector.load %arg4[%get3A_23, %get3A_24] : memref<1x128xf32, #tpu.memory_space<vmem>>, vector<1x128xf32>
    %add3A_26 = vector.broadcast %get3A_25 : vector<1x128xf32> to vector<1000x128xf32>
    %add3A_27 = arith.addf %div3A_22, %add3A_26 : vector<1000x128xf32>
    %gt3A = arith.constant 0.000000e+00 : f32
    %gt3A_28 = vector.broadcast %gt3A : f32 to vector<1000x128xf32>
    %gt3A_29 = arith.cmpf ogt, %add3A_27, %gt3A_28 : vector<1000x128xf32>
    %mul3A = arith.constant 1.000000e-01 : f32
    %mul3A_30 = vector.broadcast %mul3A : f32 to vector<1000x128xf32>
    %mul3A_31 = arith.mulf %mul3A_30, %add3A_27 : vector<1000x128xf32>
    %select_n3A = arith.select %gt3A_29, %add3A_27, %mul3A_31 : vector<1000x128xi1>, vector<1000x128xf32>
    %get3A_32 = arith.constant 0 : index
    %get3A_33 = arith.constant 0 : index
    %get3A_34 = arith.constant 0 : index
    %get3A_35 = vector.load %arg3[%get3A_32, %get3A_33, %get3A_34] : memref<2x1000x1xf32, #tpu.memory_space<vmem>>, vector<1x1000x1xf32>
    %get3A_36 = vector.shape_cast %get3A_35 : vector<1x1000x1xf32> to vector<1000x1xf32>
    %get3A_37 = arith.constant 1 : index
    %get3A_38 = arith.constant 0 : index
    %get3A_39 = arith.constant 0 : index
    %get3A_40 = vector.load %arg3[%get3A_37, %get3A_38, %get3A_39] : memref<2x1000x1xf32, #tpu.memory_space<vmem>>, vector<1x1000x1xf32>
    %get3A_41 = vector.shape_cast %get3A_40 : vector<1x1000x1xf32> to vector<1000x1xf32>
    %add3A_42 = arith.addf %get3A_36, %get3A_41 : vector<1000x1xf32>
    %get3A_43 = arith.constant 0 : index
    %get3A_44 = arith.constant 0 : index
    %get3A_45 = vector.load %arg5[%get3A_43, %get3A_44] : memref<1000x1xi32, #tpu.memory_space<vmem>>, vector<1000x1xi32>
    %iota3A = tpu.iota {dimensions = array<i32: 1>} : vector<1000x16xi32>
    %eq3A = vector.broadcast %get3A_45 : vector<1000x1xi32> to vector<1000x16xi32>
    %eq3A_46 = arith.cmpi eq, %eq3A, %iota3A : vector<1000x16xi32>
    %convert_element_type3A = arith.extui %eq3A_46 : vector<1000x16xi1> to vector<1000x16xi32>
    %convert_element_type3A_47 = arith.sitofp %convert_element_type3A : vector<1000x16xi32> to vector<1000x16xf32>
    %mul3A_48 = vector.broadcast %add3A_42 : vector<1000x1xf32> to vector<1000x16xf32>
    %mul3A_49 = arith.mulf %convert_element_type3A_47, %mul3A_48 : vector<1000x16xf32>
    %broadcast_in_dim3A = arith.constant 1.000000e+00 : f32
    %broadcast_in_dim3A_50 = vector.broadcast %broadcast_in_dim3A : f32 to vector<1000x128xf32>
    %dot_general3A = arith.constant dense<0.000000e+00> : vector<16x128xf32>
    %dot_general3A_51 = tpu.matmul %convert_element_type3A_47, %select_n3A, %dot_general3A {dimension_numbers = #tpu.dot_dimension_numbers<[0], [0], [1], [1], [0, 1, 1, 1], [], []>, transpose_lhs_hint = false} : vector<1000x16xf32>, vector<1000x128xf32>, vector<16x128xf32> -> vector<16x128xf32>
    %dot_general3A_52 = arith.constant dense<0.000000e+00> : vector<16x128xf32>
    %dot_general3A_53 = tpu.matmul %convert_element_type3A_47, %broadcast_in_dim3A_50, %dot_general3A_52 {dimension_numbers = #tpu.dot_dimension_numbers<[0], [0], [1], [1], [0, 1, 1, 1], [], []>, transpose_lhs_hint = false} : vector<1000x16xf32>, vector<1000x128xf32>, vector<16x128xf32> -> vector<16x128xf32>
    %dot_general3A_54 = arith.constant dense<0.000000e+00> : vector<16x128xf32>
    %dot_general3A_55 = tpu.matmul %mul3A_49, %select_n3A, %dot_general3A_54 {dimension_numbers = #tpu.dot_dimension_numbers<[0], [0], [1], [1], [0, 1, 1, 1], [], []>, transpose_lhs_hint = false} : vector<1000x16xf32>, vector<1000x128xf32>, vector<16x128xf32> -> vector<16x128xf32>
    %dot_general3A_56 = arith.constant dense<0.000000e+00> : vector<16x128xf32>
    %dot_general3A_57 = tpu.matmul %mul3A_49, %broadcast_in_dim3A_50, %dot_general3A_56 {dimension_numbers = #tpu.dot_dimension_numbers<[0], [0], [1], [1], [0, 1, 1, 1], [], []>, transpose_lhs_hint = false} : vector<1000x16xf32>, vector<1000x128xf32>, vector<16x128xf32> -> vector<16x128xf32>
    %eq3A_58 = arith.constant 0 : i32
    %eq3A_59 = arith.cmpi eq, %arg0, %eq3A_58 : i32
    %convert_element_type3A_60 = arith.extui %eq3A_59 : i1 to i32
    %cond3A = arith.constant 0 : i32
    %cond3A_61 = arith.cmpi ne, %convert_element_type3A_60, %cond3A : i32
    scf.if %cond3A_61 {
      %broadcast_in_dim3A_94 = arith.constant 0.000000e+00 : f32
      %broadcast_in_dim3A_95 = vector.broadcast %broadcast_in_dim3A_94 : f32 to vector<16x128xf32>
      %swap3A_96 = arith.constant 0 : index
      %swap3A_97 = arith.constant 0 : index
      %swap3A_98 = vector.load %arg16[%swap3A_96, %swap3A_97] : memref<16x128xf32, #tpu.memory_space<vmem>>, vector<16x128xf32>
      tpu.vector_store %arg16[%swap3A_96, %swap3A_97], %broadcast_in_dim3A_95 {strides = array<i32>} : memref<16x128xf32, #tpu.memory_space<vmem>>, vector<16x128xf32>,
      %broadcast_in_dim3A_99 = arith.constant 0.000000e+00 : f32
      %broadcast_in_dim3A_100 = vector.broadcast %broadcast_in_dim3A_99 : f32 to vector<16x128xf32>
      %swap3A_101 = arith.constant 0 : index
      %swap3A_102 = arith.constant 0 : index
      %swap3A_103 = vector.load %arg17[%swap3A_101, %swap3A_102] : memref<16x128xf32, #tpu.memory_space<vmem>>, vector<16x128xf32>
      tpu.vector_store %arg17[%swap3A_101, %swap3A_102], %broadcast_in_dim3A_100 {strides = array<i32>} : memref<16x128xf32, #tpu.memory_space<vmem>>, vector<16x128xf32>,
      %broadcast_in_dim3A_104 = arith.constant 0.000000e+00 : f32
      %broadcast_in_dim3A_105 = vector.broadcast %broadcast_in_dim3A_104 : f32 to vector<16x128xf32>
      %swap3A_106 = arith.constant 0 : index
      %swap3A_107 = arith.constant 0 : index
      %swap3A_108 = vector.load %arg18[%swap3A_106, %swap3A_107] : memref<16x128xf32, #tpu.memory_space<vmem>>, vector<16x128xf32>
      tpu.vector_store %arg18[%swap3A_106, %swap3A_107], %broadcast_in_dim3A_105 {strides = array<i32>} : memref<16x128xf32, #tpu.memory_space<vmem>>, vector<16x128xf32>,
      %broadcast_in_dim3A_109 = arith.constant 0.000000e+00 : f32
      %broadcast_in_dim3A_110 = vector.broadcast %broadcast_in_dim3A_109 : f32 to vector<16x128xf32>
      %swap3A_111 = arith.constant 0 : index
      %swap3A_112 = arith.constant 0 : index
      %swap3A_113 = vector.load %arg19[%swap3A_111, %swap3A_112] : memref<16x128xf32, #tpu.memory_space<vmem>>, vector<16x128xf32>
      tpu.vector_store %arg19[%swap3A_111, %swap3A_112], %broadcast_in_dim3A_110 {strides = array<i32>} : memref<16x128xf32, #tpu.memory_space<vmem>>, vector<16x128xf32>,
    } else {
    }
    %get3A_62 = arith.constant 0 : index
    %get3A_63 = arith.constant 0 : index
    %get3A_64 = vector.load %arg16[%get3A_62, %get3A_63] : memref<16x128xf32, #tpu.memory_space<vmem>>, vector<16x128xf32>
    %add3A_65 = arith.addf %get3A_64, %dot_general3A_51 : vector<16x128xf32>
    %swap3A = arith.constant 0 : index
    %swap3A_66 = arith.constant 0 : index
    %swap3A_67 = vector.load %arg16[%swap3A, %swap3A_66] : memref<16x128xf32, #tpu.memory_space<vmem>>, vector<16x128xf32>
    tpu.vector_store %arg16[%swap3A, %swap3A_66], %add3A_65 {strides = array<i32>} : memref<16x128xf32, #tpu.memory_space<vmem>>, vector<16x128xf32>,
    %get3A_68 = arith.constant 0 : index
    %get3A_69 = arith.constant 0 : index
    %get3A_70 = vector.load %arg17[%get3A_68, %get3A_69] : memref<16x128xf32, #tpu.memory_space<vmem>>, vector<16x128xf32>
    %add3A_71 = arith.addf %get3A_70, %dot_general3A_53 : vector<16x128xf32>
    %swap3A_72 = arith.constant 0 : index
    %swap3A_73 = arith.constant 0 : index
    %swap3A_74 = vector.load %arg17[%swap3A_72, %swap3A_73] : memref<16x128xf32, #tpu.memory_space<vmem>>, vector<16x128xf32>
    tpu.vector_store %arg17[%swap3A_72, %swap3A_73], %add3A_71 {strides = array<i32>} : memref<16x128xf32, #tpu.memory_space<vmem>>, vector<16x128xf32>,
    %get3A_75 = arith.constant 0 : index
    %get3A_76 = arith.constant 0 : index
    %get3A_77 = vector.load %arg18[%get3A_75, %get3A_76] : memref<16x128xf32, #tpu.memory_space<vmem>>, vector<16x128xf32>
    %add3A_78 = arith.addf %get3A_77, %dot_general3A_55 : vector<16x128xf32>
    %swap3A_79 = arith.constant 0 : index
    %swap3A_80 = arith.constant 0 : index
    %swap3A_81 = vector.load %arg18[%swap3A_79, %swap3A_80] : memref<16x128xf32, #tpu.memory_space<vmem>>, vector<16x128xf32>
    tpu.vector_store %arg18[%swap3A_79, %swap3A_80], %add3A_78 {strides = array<i32>} : memref<16x128xf32, #tpu.memory_space<vmem>>, vector<16x128xf32>,
    %get3A_82 = arith.constant 0 : index
    %get3A_83 = arith.constant 0 : index
    %get3A_84 = vector.load %arg19[%get3A_82, %get3A_83] : memref<16x128xf32, #tpu.memory_space<vmem>>, vector<16x128xf32>
    %add3A_85 = arith.addf %get3A_84, %dot_general3A_57 : vector<16x128xf32>
    %swap3A_86 = arith.constant 0 : index
    %swap3A_87 = arith.constant 0 : index
    %swap3A_88 = vector.load %arg19[%swap3A_86, %swap3A_87] : memref<16x128xf32, #tpu.memory_space<vmem>>, vector<16x128xf32>
    tpu.vector_store %arg19[%swap3A_86, %swap3A_87], %add3A_85 {strides = array<i32>} : memref<16x128xf32, #tpu.memory_space<vmem>>, vector<16x128xf32>,
    %eq3A_89 = arith.constant 9 : i32
    %eq3A_90 = arith.cmpi eq, %arg0, %eq3A_89 : i32
    %convert_element_type3A_91 = arith.extui %eq3A_90 : i1 to i32
    %cond3A_92 = arith.constant 0 : i32
    %cond3A_93 = arith.cmpi ne, %convert_element_type3A_91, %cond3A_92 : i32
    scf.if %cond3A_93 {
      %get3A_94 = arith.constant 0 : index
      %get3A_95 = arith.constant 0 : index
      %get3A_96 = vector.load %arg16[%get3A_94, %get3A_95] : memref<16x128xf32, #tpu.memory_space<vmem>>, vector<16x128xf32>
      %get3A_97 = arith.constant 0 : index
      %get3A_98 = arith.constant 0 : index
      %get3A_99 = vector.load %arg17[%get3A_97, %get3A_98] : memref<16x128xf32, #tpu.memory_space<vmem>>, vector<16x128xf32>
      %max3A_100 = arith.constant 1.000000e+00 : f32
      %max3A_101 = vector.broadcast %max3A_100 : f32 to vector<16x128xf32>
      %max3A_102 = arith.maximumf %get3A_99, %max3A_101 : vector<16x128xf32>
      %div3A_103 = arith.divf %get3A_96, %max3A_102 : vector<16x128xf32>
      %get3A_104 = arith.constant 0 : index
      %get3A_105 = arith.constant 0 : index
      %get3A_106 = vector.load %arg18[%get3A_104, %get3A_105] : memref<16x128xf32, #tpu.memory_space<vmem>>, vector<16x128xf32>
      %get3A_107 = arith.constant 0 : index
      %get3A_108 = arith.constant 0 : index
      %get3A_109 = vector.load %arg19[%get3A_107, %get3A_108] : memref<16x128xf32, #tpu.memory_space<vmem>>, vector<16x128xf32>
      %max3A_110 = arith.constant 1.000000e+00 : f32
      %max3A_111 = vector.broadcast %max3A_110 : f32 to vector<16x128xf32>
      %max3A_112 = arith.maximumf %get3A_109, %max3A_111 : vector<16x128xf32>
      %div3A_113 = arith.divf %get3A_106, %max3A_112 : vector<16x128xf32>
      %get3A_114 = arith.constant 0 : index
      %get3A_115 = arith.constant 0 : index
      %get3A_116 = vector.load %arg6[%get3A_114, %get3A_115] : memref<16x13xf32, #tpu.memory_space<vmem>>, vector<16x13xf32>
      %get3A_117 = arith.constant 0 : index
      %get3A_118 = arith.constant 0 : index
      %get3A_119 = vector.load %arg7[%get3A_117, %get3A_118] : memref<13x128xf32, #tpu.memory_space<vmem>>, vector<13x128xf32>
      %dot_general3A_120 = arith.constant dense<0.000000e+00> : vector<16x128xf32>
      %dot_general3A_121 = tpu.matmul %get3A_116, %get3A_119, %dot_general3A_120 {dimension_numbers = #tpu.dot_dimension_numbers<[1], [0], [0], [1], [0, 0, 1, 1], [], []>, transpose_lhs_hint = false} : vector<16x13xf32>, vector<13x128xf32>, vector<16x128xf32> -> vector<16x128xf32>
      %get3A_122 = arith.constant 0 : index
      %get3A_123 = arith.constant 0 : index
      %get3A_124 = vector.load %arg8[%get3A_122, %get3A_123] : memref<1x128xf32, #tpu.memory_space<vmem>>, vector<1x128xf32>
      %add3A_125 = vector.broadcast %get3A_124 : vector<1x128xf32> to vector<16x128xf32>
      %add3A_126 = arith.addf %dot_general3A_121, %add3A_125 : vector<16x128xf32>
      %gt3A_127 = arith.constant 0.000000e+00 : f32
      %gt3A_128 = vector.broadcast %gt3A_127 : f32 to vector<16x128xf32>
      %gt3A_129 = arith.cmpf ogt, %add3A_126, %gt3A_128 : vector<16x128xf32>
      %mul3A_130 = arith.constant 1.000000e-01 : f32
      %mul3A_131 = vector.broadcast %mul3A_130 : f32 to vector<16x128xf32>
      %mul3A_132 = arith.mulf %mul3A_131, %add3A_126 : vector<16x128xf32>
      %select_n3A_133 = arith.select %gt3A_129, %add3A_126, %mul3A_132 : vector<16x128xi1>, vector<16x128xf32>
      %concatenate3A = tpu.concatenate %div3A_113, %div3A_103, %select_n3A_133 in 1 : vector<16x128xf32>, vector<16x128xf32>, vector<16x128xf32> -> vector<16x384xf32>
      %get3A_134 = arith.constant 0 : index
      %get3A_135 = arith.constant 0 : index
      %get3A_136 = vector.load %arg9[%get3A_134, %get3A_135] : memref<384x128xf32, #tpu.memory_space<vmem>>, vector<384x128xf32>
      %dot_general3A_137 = arith.constant dense<0.000000e+00> : vector<16x128xf32>
      %dot_general3A_138 = tpu.matmul %concatenate3A, %get3A_136, %dot_general3A_137 {dimension_numbers = #tpu.dot_dimension_numbers<[1], [0], [0], [1], [0, 0, 1, 1], [], []>, transpose_lhs_hint = false} : vector<16x384xf32>, vector<384x128xf32>, vector<16x128xf32> -> vector<16x128xf32>
      %get3A_139 = arith.constant 0 : index
      %get3A_140 = arith.constant 0 : index
      %get3A_141 = vector.load %arg10[%get3A_139, %get3A_140] : memref<1x128xf32, #tpu.memory_space<vmem>>, vector<1x128xf32>
      %add3A_142 = vector.broadcast %get3A_141 : vector<1x128xf32> to vector<16x128xf32>
      %add3A_143 = arith.addf %dot_general3A_138, %add3A_142 : vector<16x128xf32>
      %gt3A_144 = arith.constant 0.000000e+00 : f32
      %gt3A_145 = vector.broadcast %gt3A_144 : f32 to vector<16x128xf32>
      %gt3A_146 = arith.cmpf ogt, %add3A_143, %gt3A_145 : vector<16x128xf32>
      %mul3A_147 = arith.constant 1.000000e-01 : f32
      %mul3A_148 = vector.broadcast %mul3A_147 : f32 to vector<16x128xf32>
      %mul3A_149 = arith.mulf %mul3A_148, %add3A_143 : vector<16x128xf32>
      %select_n3A_150 = arith.select %gt3A_146, %add3A_143, %mul3A_149 : vector<16x128xi1>, vector<16x128xf32>
      %get3A_151 = arith.constant 0 : index
      %get3A_152 = arith.constant 0 : index
      %get3A_153 = vector.load %arg11[%get3A_151, %get3A_152] : memref<128x64xf32, #tpu.memory_space<vmem>>, vector<128x64xf32>
      %dot_general3A_154 = arith.constant dense<0.000000e+00> : vector<16x64xf32>
      %dot_general3A_155 = tpu.matmul %select_n3A_150, %get3A_153, %dot_general3A_154 {dimension_numbers = #tpu.dot_dimension_numbers<[1], [0], [0], [1], [0, 0, 1, 1], [], []>, transpose_lhs_hint = false} : vector<16x128xf32>, vector<128x64xf32>, vector<16x64xf32> -> vector<16x64xf32>
      %get3A_156 = arith.constant 0 : index
      %get3A_157 = arith.constant 0 : index
      %get3A_158 = vector.load %arg12[%get3A_156, %get3A_157] : memref<1x64xf32, #tpu.memory_space<vmem>>, vector<1x64xf32>
      %add3A_159 = vector.broadcast %get3A_158 : vector<1x64xf32> to vector<16x64xf32>
      %add3A_160 = arith.addf %dot_general3A_155, %add3A_159 : vector<16x64xf32>
      %gt3A_161 = arith.constant 0.000000e+00 : f32
      %gt3A_162 = vector.broadcast %gt3A_161 : f32 to vector<16x64xf32>
      %gt3A_163 = arith.cmpf ogt, %add3A_160, %gt3A_162 : vector<16x64xf32>
      %mul3A_164 = arith.constant 1.000000e-01 : f32
      %mul3A_165 = vector.broadcast %mul3A_164 : f32 to vector<16x64xf32>
      %mul3A_166 = arith.mulf %mul3A_165, %add3A_160 : vector<16x64xf32>
      %select_n3A_167 = arith.select %gt3A_163, %add3A_160, %mul3A_166 : vector<16x64xi1>, vector<16x64xf32>
      %get3A_168 = arith.constant 0 : index
      %get3A_169 = arith.constant 0 : index
      %get3A_170 = vector.load %arg13[%get3A_168, %get3A_169] : memref<64x4xf32, #tpu.memory_space<vmem>>, vector<64x4xf32>
      %dot_general3A_171 = arith.constant dense<0.000000e+00> : vector<16x4xf32>
      %dot_general3A_172 = tpu.matmul %select_n3A_167, %get3A_170, %dot_general3A_171 {dimension_numbers = #tpu.dot_dimension_numbers<[1], [0], [0], [1], [0, 0, 1, 1], [], []>, transpose_lhs_hint = false} : vector<16x64xf32>, vector<64x4xf32>, vector<16x4xf32> -> vector<16x4xf32>
      %get3A_173 = arith.constant 0 : index
      %get3A_174 = arith.constant 0 : index
      %get3A_175 = vector.load %arg14[%get3A_173, %get3A_174] : memref<1x4xf32, #tpu.memory_space<vmem>>, vector<1x4xf32>
      %add3A_176 = vector.broadcast %get3A_175 : vector<1x4xf32> to vector<16x4xf32>
      %add3A_177 = arith.addf %dot_general3A_172, %add3A_176 : vector<16x4xf32>
      %swap3A_178 = arith.constant 0 : index
      %swap3A_179 = arith.constant 0 : index
      %swap3A_180 = vector.load %arg15[%swap3A_178, %swap3A_179] : memref<16x4xf32, #tpu.memory_space<vmem>>, vector<16x4xf32>
      tpu.vector_store %arg15[%swap3A_178, %swap3A_179], %add3A_177 {strides = array<i32>} : memref<16x4xf32, #tpu.memory_space<vmem>>, vector<16x4xf32>,
    } else {
    }
    return
  }
  func.func @transform_0(%arg0: i32) -> (i32, i32, i32) {
    %c0_i32 = arith.constant 0 : i32
    %c0_i32_0 = arith.constant 0 : i32
    %c0_i32_1 = arith.constant 0 : i32
    return %c0_i32, %arg0, %c0_i32_0 : i32, i32, i32
  }
  func.func @transform_1(%arg0: i32) -> (i32, i32, i32) {
    %c0_i32 = arith.constant 0 : i32
    %c0_i32_0 = arith.constant 0 : i32
    %c0_i32_1 = arith.constant 0 : i32
    return %c0_i32, %arg0, %c0_i32_0 : i32, i32, i32
  }
  func.func @transform_2(%arg0: i32) -> (i32, i32, i32) {
    %c0_i32 = arith.constant 0 : i32
    %c0_i32_0 = arith.constant 0 : i32
    %c0_i32_1 = arith.constant 0 : i32
    return %c0_i32, %arg0, %c0_i32_0 : i32, i32, i32
  }
  func.func @transform_3(%arg0: i32) -> (i32, i32) {
    %c0_i32 = arith.constant 0 : i32
    %c0_i32_0 = arith.constant 0 : i32
    %c0_i32_1 = arith.constant 0 : i32
    return %c0_i32, %c0_i32_0 : i32, i32
  }
  func.func @transform_4(%arg0: i32) -> (i32, i32) {
    %c0_i32 = arith.constant 0 : i32
    %c0_i32_0 = arith.constant 0 : i32
    return %arg0, %c0_i32 : i32, i32
  }
  func.func @transform_5(%arg0: i32) -> (i32, i32) {
    %c0_i32 = arith.constant 0 : i32
    %c0_i32_0 = arith.constant 0 : i32
    %c0_i32_1 = arith.constant 0 : i32
    return %c0_i32, %c0_i32_0 : i32, i32
  }
  func.func @transform_6(%arg0: i32) -> (i32, i32) {
    %c0_i32 = arith.constant 0 : i32
    %c0_i32_0 = arith.constant 0 : i32
    %c0_i32_1 = arith.constant 0 : i32
    return %c0_i32, %c0_i32_0 : i32, i32
  }
  func.func @transform_7(%arg0: i32) -> (i32, i32) {
    %c0_i32 = arith.constant 0 : i32
    %c0_i32_0 = arith.constant 0 : i32
    %c0_i32_1 = arith.constant 0 : i32
    return %c0_i32, %c0_i32_0 : i32, i32
  }
  func.func @transform_8(%arg0: i32) -> (i32, i32) {
    %c0_i32 = arith.constant 0 : i32
    %c0_i32_0 = arith.constant 0 : i32
    %c0_i32_1 = arith.constant 0 : i32
    return %c0_i32, %c0_i32_0 : i32, i32
  }
  func.func @transform_9(%arg0: i32) -> (i32, i32) {
    %c0_i32 = arith.constant 0 : i32
    %c0_i32_0 = arith.constant 0 : i32
    %c0_i32_1 = arith.constant 0 : i32
    return %c0_i32, %c0_i32_0 : i32, i32
  }
  func.func @transform_10(%arg0: i32) -> (i32, i32) {
    %c0_i32 = arith.constant 0 : i32
    %c0_i32_0 = arith.constant 0 : i32
    %c0_i32_1 = arith.constant 0 : i32
    return %c0_i32, %c0_i32_0 : i32, i32
  }
  func.func @transform_11(%arg0: i32) -> (i32, i32) {
    %c0_i32 = arith.constant 0 : i32
    %c0_i32_0 = arith.constant 0 : i32
    %c0_i32_1 = arith.constant 0 : i32
    return %c0_i32, %c0_i32_0 : i32, i32
  }
  func.func @transform_12(%arg0: i32) -> (i32, i32) {
    %c0_i32 = arith.constant 0 : i32
    %c0_i32_0 = arith.constant 0 : i32
    %c0_i32_1 = arith.constant 0 : i32
    return %c0_i32, %c0_i32_0 : i32, i32
  }
  func.func @transform_13(%arg0: i32) -> (i32, i32) {
    %c0_i32 = arith.constant 0 : i32
    %c0_i32_0 = arith.constant 0 : i32
    %c0_i32_1 = arith.constant 0 : i32
    return %c0_i32, %c0_i32_0 : i32, i32
  }
  func.func @transform_14(%arg0: i32) -> (i32, i32) {
    %c0_i32 = arith.constant 0 : i32
    %c0_i32_0 = arith.constant 0 : i32
    %c0_i32_1 = arith.constant 0 : i32
    return %c0_i32, %c0_i32_0 : i32, i32
  }
}

</mosaic_0001>

<sc_bundles>
// kernel: kernel.11.cloned.1.call-start
scs
__scs_entry_jumppad:
0x0: {  	(pc) =	sbr.rel $0x88, $3  }
0x1: {  	(tag) =	ssettag $0x0;
	lr =	simm.s32 $0x1  }
0x2: {  	[smem:$0x3F8F] =	sst lr;
	_ =	strace $0xD0000000  }
0x3: {  	_ = 	snop  }
0x4: {  	_ = 	snop  }
0x5: {  	_ = 	snop  }
0x6: {  	_ = 	snop  }
0x7: {  	_ = 	snop  }
__scs_overlays_trampoline_lowered:
0x8: {  	[smem:$0x3F9E] =	sst s0  }
0x9: {  	[smem:$0x3F9F] =	sst s1  }
0xa: {  	[smem:$0x3FA0] =	sst s2  }
0xb: {  	[smem:$0x3FA1] =	sst s3  }
0xc: {  	[smem:$0x3FA2] =	sst s4  }
0xd: {  	[smem:$0x3FA3] =	sst s5  }
0xe: {  	[smem:$0x3FA4] =	sst s6  }
0xf: {  	[smem:$0x3FA5] =	sst s7  }
0x10: {  	[smem:$0x3FA6] =	sst s8  }
0x11: {  	[smem:$0x3FA7] =	sst s9;
	s0 =	simm.s32 @!p0 $0x0  }
0x12: {  	s1 =	sld [smem:$0x3F8D];
	s0 =	simm.s32 @p0 $0x1  }
0x13: {  	[smem:$0x3FA8] =	sst s0;
	s0 =	simm.s32 @!p1 $0x0  }
0x14: {  	s2 =	sld [smem:$0x3F8C];
	s0 =	simm.s32 @p1 $0x1  }
0x15: {  	[smem:$0x3FA9] =	sst s0;
	s0 =	simm.s32 @!p2 $0x0  }
0x16: {  	s3 =	sld [smem:$0x3FDB];
	s0 =	simm.s32 @p2 $0x1  }
0x17: {  	s4 =	simm.s32 $0x1BF5;
	[smem:$0x3FAB] =	sst s0  }
0x18: {  	s0 =	sld [smem:$0x3F8E];
	_ =	swait.ge [sflag:s4], $0x0  }
0x19: {  	s7 =	sld [smem:$0x3F8F]  }
0x1a: {  	s8 =	sadd.s32 $0xFFFFE003, lr  }
0x1b: {  	s9 =	sadd.s32 $0xFFFFFEF7, lr;
	s5 =	simm.s32 $0xFFFFFFFF;
	p2 =	slt.u32 s8, $0xFFFFF086  }
0x1c: {  	p1 =	slt.u32 s9, $0xF7A;
	s5 =	simm.s32 @!p2 $0x0  }
0x1d: {  	s5 =	simm.s32 @p1 $0x1;
	p0 =	seq.s32 s7, s2  }
0x1e: {  	s7 =	smul.u32 @!p0 $0xF7A, s2;
	p2 =	seq.s32 @!p0 s5, $0x0  }
0x1f: {  	s9 =	smul.u32 $0xF7A, s1;
	s8 =	simm.s32 @!p0 $0x1BF5;
	p2 =	por !p2, p0  }
0x20: {  	[sflag:s8] =	ssyncset.s32 @!p0 $0xFFFFF086;
	s6 =	sadd.s32 @!p0 s3, s7;
	s7 =	simm.s32 @!p0 $0x108  }
0x21: {  	s3 =	sadd.s32 s3, s9;
	s6 =	sadd.s32 @!p0 $0x88, s6;
	s7 =	simm.s32 @p2 $0x1082  }
0x22: {  	[simem:s7], [sflag:s8] =	dma.local @!p0 [hbm:s6], $0xF7A  }
0x23: {  	s9 =	sor.u32 $0xD0000000, s2;
	s6 =	simm.s32 $0x108;
	_ =	swait.ge @!p0 [sflag:s8], $0x0  }
0x24: {  	s3 =	sadd.s32 $0x88, s3;
	s6 =	simm.s32 @!p1 $0x1082;
	[sflag:s4] =	ssyncset.s32 $0xFFFFF086  }
0x25: {  	[simem:s6], [sflag:s4] =	dma.local [hbm:s3], $0xF7A  }
0x26: {  	[smem:$0x3F8F] =	sst s1;
	(tag) =	ssettag s2;
	_ =	strace s9  }
0x27: {  	s1 =	sld [smem:$0x3F9F]  }
0x28: {  	s2 =	sld [smem:$0x3FA0]  }
0x29: {  	s4 =	sld [smem:$0x3FA2]  }
0x2a: {  	p0 =	seq.s32 s5, $0x0;
	s5 =	sld [smem:$0x3FA3]  }
0x2b: {  	s6 =	sld [smem:$0x3FA4]  }
0x2c: {  	s7 =	sld [smem:$0x3FA5]  }
0x2d: {  	s3 =	simm.s32 $0x108;
	s8 =	sld [smem:$0x3FA6]  }
0x2e: {  	s3 =	simm.s32 @!p0 $0x1082;
	s9 =	sld [smem:$0x3FA7]  }
0x2f: {  	lr =	sadd.s32 s0, s3;
	s0 =	sld [smem:$0x3F9E]  }
0x30: {  	s3 =	sld [smem:$0x3FA1]  }
0x31: {  	[smem:$0x3FAA] =	sst s10  }
0x32: {  	s10 =	sld [smem:$0x3FA8];
	_ =	sdelay $0x3  }
0x33: {  	p0 =	seq.s32 s10, $0x1;
	s10 =	sld [smem:$0x3FAA];
	_ =	sdelay $0x3  }
0x34: {  	[smem:$0x3FAA] =	sst s10  }
0x35: {  	s10 =	sld [smem:$0x3FA9];
	_ =	sdelay $0x3  }
0x36: {  	p1 =	seq.s32 s10, $0x1;
	s10 =	sld [smem:$0x3FAA];
	_ =	sdelay $0x3  }
0x37: {  	[smem:$0x3FAA] =	sst s10  }
0x38: {  	s10 =	sld [smem:$0x3FAB]  }
0x39: {  	_ = 	snop;
	(pc) =	sbr.ind lr, $3  }
0x3a: {  	_ = 	snop  }
0x3b: {  	_ = 	snop  }
0x3c: {  	p2 =	seq.s32 s10, $0x1;
	s10 =	sld [smem:$0x3FAA]  }
0x3d: {  	_ =	shalt  }
0x3e: {  	_ =	shalt  }
0x3f: {  	_ =	shalt  }
0x40: {  	_ =	shalt  }
0x41: {  	_ =	shalt  }
0x42: {  	_ =	shalt  }
0x43: {  	_ =	shalt  }
0x44: {  	_ =	shalt  }
0x45: {  	_ =	shalt  }
0x46: {  	_ =	shalt  }
0x47: {  	_ =	shalt  }
0x48: {  	_ =	shalt  }
0x49: {  	_ =	shalt  }
0x4a: {  	_ =	shalt  }
0x4b: {  	_ =	shalt  }
0x4c: {  	_ =	shalt  }
0x4d: {  	_ =	shalt  }
0x4e: {  	_ =	shalt  }
0x4f: {  	_ =	shalt  }
0x50: {  	_ =	shalt  }
0x51: {  	_ =	shalt  }
0x52: {  	_ =	shalt  }
0x53: {  	_ =	shalt  }
0x54: {  	_ =	shalt  }
0x55: {  	_ =	shalt  }
0x56: {  	_ =	shalt  }
0x57: {  	_ =	shalt  }
0x58: {  	_ =	shalt  }
0x59: {  	_ =	shalt  }
0x5a: {  	_ =	shalt  }
0x5b: {  	_ =	shalt  }
0x5c: {  	_ =	shalt  }
0x5d: {  	_ =	shalt  }
0x5e: {  	_ =	shalt  }
0x5f: {  	_ =	shalt  }
0x60: {  	_ =	shalt  }
0x61: {  	_ =	shalt  }
0x62: {  	_ =	shalt  }
0x63: {  	_ =	shalt  }
0x64: {  	_ =	shalt  }
0x65: {  	_ =	shalt  }
0x66: {  	_ =	shalt  }
0x67: {  	_ =	shalt  }
0x68: {  	_ =	shalt  }
0x69: {  	_ =	shalt  }
0x6a: {  	_ =	shalt  }
0x6b: {  	_ =	shalt  }
0x6c: {  	_ =	shalt  }
0x6d: {  	_ =	shalt  }
0x6e: {  	_ =	shalt  }
0x6f: {  	_ =	shalt  }
0x70: {  	_ =	shalt  }
0x71: {  	_ =	shalt  }
0x72: {  	_ =	shalt  }
0x73: {  	_ =	shalt  }
0x74: {  	_ =	shalt  }
0x75: {  	_ =	shalt  }
0x76: {  	_ =	shalt  }
0x77: {  	_ =	shalt  }
0x78: {  	_ =	shalt  }
0x79: {  	_ =	shalt  }
0x7a: {  	_ =	shalt  }
0x7b: {  	_ =	shalt  }
0x7c: {  	_ =	shalt  }
0x7d: {  	_ =	shalt  }
0x7e: {  	_ =	shalt  }
0x7f: {  	_ =	shalt  }
0x80: {  	_ =	shalt  }
0x81: {  	_ =	shalt  }
0x82: {  	_ =	shalt  }
0x83: {  	_ =	shalt  }
0x84: {  	_ =	shalt  }
0x85: {  	_ =	shalt  }
0x86: {  	_ =	shalt  }
0x87: {  	_ =	shalt  }
.Lfunc_end0:
.L_simem_size_0:
called_computation.1_lowered:
.L_overlay_start_0:
0x88: {  	s2 =	sld [smem:$0x3FD9]  }
0x89: {  	s3 =	sld [smem:$0x3FFE];
	_ =	sdelay $0x1  }
0x8a: {  	s1 =	srdreg.scid  }
0x8b: {  	s0 =	sand.u32 $0x1, s1  }
0x8c: {  	s16 =	sshll.u32 s0, $0xA;
	s2 =	sadd.s32 s3, s2  }
0x8d: {  	s2 =	sadd.s32 s2, s16  }
0x8e: {  	[smem:$0x3FB6] =	sst s2  }
0x8f: {  	_ = 	snop  }
0x90: {  	(tm) =	ssettm $0x1  }
0x91: {  	s17 =	sld [smem:$0x3FFB];
	_ =	sdelay $0x3  }
0x92: {  	_ =	strace s17  }
0x93: {  	s2 =	sld [smem:$0x3FFC];
	_ =	sdelay $0x3  }
0x94: {  	_ =	strace s2  }
0x95: {  	s2 =	sld [smem:$0x3FFD];
	_ =	sdelay $0x3  }
0x96: {  	_ =	strace s2  }
0x97: {  	_ =	strace $0x8FFFFFFF  }
0x98: {  	s18 =	sld [smem:$0x3FDB];
	_ =	sdelay $0x1  }
0x99: {  	s19 =	simm.s32 $_scs_section_size  }
0x9a: {  	s4 =	simm.s32 $_size__tile_overlayer_lowered;
	s5 =	simm.s32 $_tile_overlayer_lowered  }
0x9b: {  	s22 =	simm.s32 $0x1BFF;
	s21 =	sshll.u32 s5, $0x1;
	s2 =	sadd.s32 s19, s18  }
0x9c: {  	s6 =	simm.s32 $0x0;
	s20 =	sshll.u32 s4, $0x1;
	s4 =	sadd.s32 s21, s2  }
0x9d: {  	[timem:s6], [sflag:s22] =	dma.local [hbm:s4], s20  }
0x9e: {  	_ =	swait.ge [sflag:s22], s20  }
0x9f: {  	s3 =	ssub.s32 $0x0, s20;
	[sflag:s22] =	ssyncset.done $0x0  }
0xa0: {  	[sflag:s22] =	ssyncadd.s32 s3;
	_ =	sdelay $0x1  }
0xa1: {  	s23 =	simm.s32 $0x1B8B  }
0xa2: {  	_ =	swait.ge [sflag:s23], $0x1  }
0xa3: {  	[sflag:s23] =	ssyncset.done $0x0  }
0xa4: {  	s25 =	simm.s32 $0x1B8E;
	s24 =	sld [smem:$0x3FFE];
	[sflag:s23] =	ssyncadd.s32 $0xFFFFFFFF  }
0xa5: {  	s26 =	simm.s32 $execute0_lowered;
	[smem:$0x3FD2] =	sst s25  }
0xa6: {  	s4 =	sshll.u32 s26, $0x1;
	_ =	strace $0x80000049;
	[dreg:$0x1] =	wrdreg $0xFFFFFFFF  }
0xa7: {  	s28 =	simm.s32 $_size_execute0_lowered;
	s2 =	sadd.s32 s2, s4;
	[dreg:$0x0] =	wrdreg $0x0  }
0xa8: {  	s4 =	sshll.u32 s28, $0x1;
	[dreg:$0x2] =	wrdreg s2  }
0xa9: {  	[dreg:$0x3] =	wrdreg s4  }
0xaa: {  	[dreg:$0x4] =	wrdreg $0xC0  }
0xab: {  	_ =	task [dreg:s6], $0x5FFFF  }
0xac: {  	[dreg:$0x1] =	wrdreg $0xFFFFFFFF  }
0xad: {  	[dreg:$0x0] =	wrdreg $0x60  }
0xae: {  	[dreg:$0x2] =	wrdreg s24  }
0xaf: {  	[dreg:$0x3] =	wrdreg $0xA9000  }
0xb0: {  	[dreg:$0x4] =	wrdreg $0x9  }
0xb1: {  	_ =	task.clear_ibuf [dreg:s6], $0x5FFFF;
	_ =	strace $0x90000049  }
0xb2: {  	s29 =	simm.s32 $0x9;
	_ =	strace $0x8000004B  }
0xb3: {  	_ =	swait.ge [sflag:s29], $0x1  }
0xb4: {  	[sflag:s29] =	ssyncadd.s32 $0xFFFFFFFF  }
0xb5: {  	_ =	strace $0x9000004B  }
0xb6: {  	_ =	sfence  }
0xb7: {  	s30 =	sld [smem:$0x0];
	_ =	sdelay $0x2  }
0xb8: {  	s31 =	sshll.u32 s1, $0xD;
	s1 =	sshrl.u32 s1, $0x2  }
0xb9: {  	s3 =	sand.u32 $0x4000, s31;
	s1 =	sadd.s32 s1, s30  }
0xba: {  	s0 =	sor.u32 s3, s0;
	s1 =	sshll.u32 s1, $0x11  }
0xbb: {  	s0 =	sor.u32 s1, s0  }
0xbc: {  	s0 =	sadd.s32 $0x8F2B, s0  }
0xbd: {  	[sflag:s0] =	ssyncadd.remote.s32 $0x1  }
0xbe: {  	_ =	sfence.sel $0xFFFF  }
0xbf: {  	[dreg:$0x0] =	wrdreg $0xFFFFFFFF;
	(pc) =	sbr.abs _section_cstart, $3  }
0xc0: {  	[dreg:$0x1] =	wrdreg $0xFFFFFFFF  }
0xc1: {  	_ =	task.clear_ibuf [dreg:s6], $0x2FFFF;
	_ =	strace $0x9FFFFFFF  }
0xc2: {  	(tm) =	ssettm $0x7FFFFFFF  }
0xc3: {  	_ =	shalt  }
tec
execute0_lowered:
.L_overlay_start_1:
0x0: {  	(tag) =	ssettag $0x1  }
0x1: {  	s0 =	srdreg.scid;
	s7 =	rddreg [dreg:$0x0]  }
0x2: {  	s12 =	stileid.u32;
	s1 =	rddreg [dreg:$0x1];
	s2 =	simm.s32 $0x0  }
0x3: {  	s17 =	simm.s32 $0x2800;
	s18 =	simm.s32 $0x80;
	s19 =	simm.s32 $0x6900  }
0x4: {  	s20 =	simm.s32 $0x2880;
	s21 =	simm.s32 $0x1;
	s22 =	simm.s32 $0x2  }
0x5: {  	s23 =	simm.s32 $0x0;
	s8 =	sand.u32 $0x1, s0;
	s0 =	rddreg [dreg:$0x2]  }
0x6: {  	s25 =	sshll.u32 s12, $0x1;
	[smem:$0x7FF] =	sst s2;
	s4 =	sadd.s32 $0x19800, s7  }
0x7: {  	s5 =	sadd.s32 $0xF800, s7;
	s11 =	smul.u32 $0x4E000, s12;
	s6 =	sadd.s32 $0x9F000, s7  }
0x8: {  	s14 =	sadd.s32 $0xA1800, s7;
	s15 =	smul.u32 $0x13800, s12;
	p0 =	sne.s32 s12, $0x0  }
0x9: {  	s31 =	sshll.u32 s12, $0x6;
	s12 =	simm.s32 $0x3;
	s3 =	sor.u32 s8, s25  }
0xa: {  	_ =	strace $0x8000004A;
	s13 =	ssub.s32 $0x2, s8;
	s8 =	smul.u32 $0x138800, s8  }
0xb: {  	s3 =	smul.u32 $0x2800, s3;
	s26 =	sshrl.u32 s13, $0x1;
	s28 =	sshrl.u32 s11, $0x2  }
0xc: {  	s13 =	ssub.s32 s13, s26;
	s16 =	sadd.s32 s28, s1;
	s29 =	sadd.s32 s15, s8  }
0xd: {  	s8 =	sshrl.u32 s8, $0x3;
	s15 =	sadd.s32 $0x138000, s1;
	s9 =	sshrl.u32 s3, $0x3  }
0xe: {  	s30 =	sadd.s32 s14, s8;
	s11 =	smax.u32 s13, $0x1;
	s10 =	sadd.s32 s9, s7  }
0xf: {  	s13 =	sor.u32 $0x1C03, s31;
	s7 =	sadd.s32 $0x46E00, s10;
	s10 =	sshrl.u32 s29, $0x3  }
0x10: {  	s15 =	sshrl.u32 @!p0 s15, $0x3;
	s8 =	sadd.s32 s5, s9;
	s9 =	sadd.s32 s14, s10  }
0x11: {  	s10 =	sadd.s32 $0x27000, s30;
	s14 =	sshrl.u32 s16, $0x3;
	s16 =	simm.s32 $0x2900  }
.LBB2_1:
0x12: {  	[tilespmem:s2], [sflag:$0x3] =	stream.linear.gather [hbm4b:s7+s2], $0x2780, $0x38;
	[tilespmem:$0x1E1C0] =	vst v63  }
0x13: {  	_ =	swait.ge [sflag:s12], $0x2780  }
0x14: {  	[sflag:s12] =	ssyncset.done $0x0  }
0x15: {  	[sflag:s12] =	ssyncadd.s32 $0xFFFFD880  }
0x16: {  	[spmem:s14], [sflag:s13] =	dma.local [hbm:s6], $0x2700  }
0x17: {  	_ =	swait.ge [sflag:s12], $0x2700  }
0x18: {  	[sflag:s12] =	ssyncset.done $0x0  }
0x19: {  	s24 =	simm.s32 @!p0 $0x3;
	[sflag:s12] =	ssyncadd.s32 $0xFFFFD900  }
0x1a: {  	[spmem:s15], [sflag:s13] =	dma.local @!p0 [hbm:s6], $0x100  }
0x1b: {  	_ =	swait.ge @!p0 [sflag:s24], $0x100  }
0x1c: {  	[sflag:s24] =	ssyncset.done @!p0 $0x0  }
0x1d: {  	[sflag:s24] =	ssyncadd.s32 @!p0 $0xFFFFFF00  }
0x1e: {  	s26 =	simm.s32 $0x0;
	[bflag:$0x0] =	sbarrier.arrive $0xFFFF  }
0x1f: {  	[tilespmem:s16], [sflag:$0x1] =	stream.indirect.gather [hbm4b:s4+s18], $0x80, s2, s18, $0xb8;
	[tilespmem:$0x1E1C0] =	vst v63  }
0x20: {  	s25 =	simm.s32 $0x80;
	s24 =	sand.u32 $0x3C00, s26  }
0x21: {  	[tilespmem:s17], [sflag:$0x3] =	stream.linear.gather [hbm4b:s8+s2], $0x80, $0x38;
	[tilespmem:$0x1E1C0] =	vst v63  }
0x22: {  	s25 =	sand.u32 $0x380, s25;
	s24 =	sadd.s32 s3, s24;
	_ =	swait.ge [sflag:s12], $0x80  }
0x23: {  	s24 =	sor.u32 s24, s25;
	[sflag:s12] =	ssyncset.done $0x0  }
0x24: {  	s24 =	sshrl.u32 s24, $0x3;
	[sflag:s12] =	ssyncadd.s32 $0xFFFFFF80  }
0x25: {  	[tilespmem:s19], [sflag:$0x2] =	stream.indirect.gather [hbm4b:s4+s18], $0x80, s18, s18, $0xb8;
	[tilespmem:$0x1E1C0] =	vst v63  }
0x26: {  	s24 =	sadd.s32 s5, s24  }
0x27: {  	[tilespmem:s20], [sflag:$0x3] =	stream.linear.gather [hbm4b:s24+s2], $0x80, $0x38;
	[tilespmem:$0x1E1C0] =	vst v63  }
0x28: {  	_ =	swait.ge [sflag:s12], $0x80  }
0x29: {  	[sflag:s12] =	ssyncset.done $0x0  }
0x2a: {  	[sflag:s12] =	ssyncadd.s32 $0xFFFFFF80  }
0x2b: {  	_ =	swait.ge [sflag:s21], $0x4000  }
0x2c: {  	s31 =	simm.s32 $0x100;
	[sflag:s21] =	ssyncset.done $0x0  }
0x2d: {  	s26 =	sand.u32 $0x7C00, s31;
	[sflag:s21] =	ssyncadd.s32 $0xFFFFC000  }
0x2e: {  	[spmem:s1] =	stream.indirect.scatter.add.f32 [tilespmem:s16], [sflag:$0x3], $0x80, s17, s18, $0xb8;
	[tilespmem:$0x1E1C0] =	vst v63  }
0x2f: {  	s25 =	sadd.s32 s3, s26;
	s24 =	sand.u32 $0x300, s31;
	_ =	swait.ge [sflag:s12], $0x4000  }
0x30: {  	s24 =	sor.u32 s24, s25;
	[sflag:s12] =	ssyncset.done $0x0  }
0x31: {  	s26 =	simm.s32 $0x100;
	s24 =	sshrl.u32 s24, $0x3;
	[sflag:s12] =	ssyncadd.s32 $0xFFFFC000  }
0x32: {  	[tilespmem:s16], [sflag:$0x1] =	stream.indirect.gather [hbm4b:s4+s18], $0x80, s26, s18, $0xb8;
	[tilespmem:$0x1E1C0] =	vst v63  }
0x33: {  	s24 =	sadd.s32 s5, s24  }
0x34: {  	[tilespmem:s17], [sflag:$0x3] =	stream.linear.gather [hbm4b:s24+s2], $0x80, $0x38;
	[tilespmem:$0x1E1C0] =	vst v63  }
0x35: {  	_ =	swait.ge [sflag:s12], $0x80  }
0x36: {  	s28 =	simm.s32 $0x300;
	s30 =	simm.s32 $0x180;
	[sflag:s12] =	ssyncset.done $0x0  }
0x37: {  	s31 =	simm.s32 $0x100;
	s25 =	simm.s32 $0x200;
	[sflag:s12] =	ssyncadd.s32 $0xFFFFFF80  }
0x38: {  	s29 =	sand.u32 $0x3C00, s31;
	s24 =	simm.s32 $0x180;
	_ =	swait.ge [sflag:s22], $0x4000  }
.LBB2_2:
0x39: {  	s29 =	sadd.s32 s3, s29  }
0x3a: {  	s30 =	sand.u32 $0x380, s30;
	[sflag:s22] =	ssyncset.done $0x0;
	s31 =	smov.u32 s28  }
0x3b: {  	s26 =	sadd.s32 $0x100, s28;
	s29 =	sor.u32 s29, s30;
	[sflag:s22] =	ssyncadd.s32 $0xFFFFC000  }
0x3c: {  	[spmem:s1] =	stream.indirect.scatter.add.f32 [tilespmem:s19], [sflag:$0x3], $0x80, s20, s18, $0xb8;
	[tilespmem:$0x1E1C0] =	vst v63  }
0x3d: {  	p1 =	sne.s32 s28, $0x2700;
	s28 =	sshrl.u32 s29, $0x3;
	_ =	swait.ge [sflag:s12], $0x4000  }
0x3e: {  	[sflag:s12] =	ssyncset.done $0x0  }
0x3f: {  	[sflag:s12] =	ssyncadd.s32 $0xFFFFC000  }
0x40: {  	[tilespmem:s19], [sflag:$0x2] =	stream.indirect.gather [hbm4b:s4+s18], $0x80, s24, s18, $0xb8;
	[tilespmem:$0x1E1C0] =	vst v63  }
0x41: {  	s28 =	sadd.s32 s5, s28  }
0x42: {  	[tilespmem:s20], [sflag:$0x3] =	stream.linear.gather [hbm4b:s28+s2], $0x80, $0x38;
	[tilespmem:$0x1E1C0] =	vst v63  }
0x43: {  	_ =	swait.ge [sflag:s12], $0x80  }
0x44: {  	[sflag:s12] =	ssyncset.done $0x0  }
0x45: {  	[sflag:s12] =	ssyncadd.s32 $0xFFFFFF80  }
0x46: {  	_ =	swait.ge [sflag:s21], $0x4000  }
0x47: {  	[sflag:s21] =	ssyncset.done $0x0  }
0x48: {  	[sflag:s21] =	ssyncadd.s32 $0xFFFFC000  }
0x49: {  	[spmem:s1] =	stream.indirect.scatter.add.f32 [tilespmem:s16], [sflag:$0x3], $0x80, s17, s18, $0xb8;
	[tilespmem:$0x1E1C0] =	vst v63  }
0x4a: {  	s28 =	sand.u32 $0x7C00, s25;
	_ =	swait.ge [sflag:s12], $0x4000  }
0x4b: {  	s25 =	sand.u32 $0x300, s25;
	s28 =	sadd.s32 s3, s28;
	[sflag:s12] =	ssyncset.done $0x0  }
0x4c: {  	s29 =	sadd.s32 $0x80, s24;
	s25 =	sor.u32 s25, s28;
	[sflag:s12] =	ssyncadd.s32 $0xFFFFC000  }
0x4d: {  	[tilespmem:s16], [sflag:$0x1] =	stream.indirect.gather [hbm4b:s4+s18], $0x80, s29, s18, $0xb8;
	[tilespmem:$0x1E1C0] =	vst v63  }
0x4e: {  	s28 =	sshrl.u32 s25, $0x3;
	s25 =	smov.u32 s31  }
0x4f: {  	s28 =	sadd.s32 s5, s28  }
0x50: {  	[tilespmem:s17], [sflag:$0x3] =	stream.linear.gather [hbm4b:s28+s2], $0x80, $0x38;
	[tilespmem:$0x1E1C0] =	vst v63  }
.Ltmp0:
0x51: {  	_ = 	snop;
	(pc) =	sbr.rel @p1 .LBB2_2-.Ltmp0, $4  }
0x52: {  	_ =	swait.ge [sflag:s12], $0x80  }
0x53: {  	s24 =	sadd.s32 $0x100, s24;
	[sflag:s12] =	ssyncset.done $0x0  }
0x54: {  	s30 =	sadd.s32 $0xFFFFFF80, s25;
	s28 =	sadd.s32 $0xFFFFFF00, s25;
	[sflag:s12] =	ssyncadd.s32 $0xFFFFFF80  }
0x55: {  	s29 =	sand.u32 $0x3C00, s28;
	s28 =	smov.u32 s26;
	_ =	swait.ge [sflag:s22], $0x4000  }
0x56: {  	[sflag:s22] =	ssyncset.done $0x0  }
0x57: {  	[sflag:s22] =	ssyncadd.s32 $0xFFFFC000  }
0x58: {  	[spmem:s1] =	stream.indirect.scatter.add.f32 [tilespmem:s19], [sflag:$0x3], $0x80, s20, s18, $0xb8;
	[tilespmem:$0x1E1C0] =	vst v63  }
0x59: {  	s26 =	sadd.s32 s3, s29;
	s28 =	sand.u32 $0x380, s30;
	_ =	swait.ge [sflag:s12], $0x4000  }
0x5a: {  	s26 =	sor.u32 s26, s28;
	[sflag:s12] =	ssyncset.done $0x0  }
0x5b: {  	s26 =	sshrl.u32 s26, $0x3;
	[sflag:s12] =	ssyncadd.s32 $0xFFFFC000  }
0x5c: {  	[tilespmem:s19], [sflag:$0x2] =	stream.indirect.gather [hbm4b:s4+s18], $0x80, s24, s18, $0xb8;
	[tilespmem:$0x1E1C0] =	vst v63  }
0x5d: {  	s26 =	sadd.s32 s5, s26  }
0x5e: {  	[tilespmem:s20], [sflag:$0x3] =	stream.linear.gather [hbm4b:s26+s2], $0x80, $0x38;
	[tilespmem:$0x1E1C0] =	vst v63  }
0x5f: {  	_ =	swait.ge [sflag:s12], $0x80  }
0x60: {  	[sflag:s12] =	ssyncset.done $0x0  }
0x61: {  	[sflag:s12] =	ssyncadd.s32 $0xFFFFFF80  }
0x62: {  	_ =	swait.ge [sflag:s21], $0x4000  }
0x63: {  	[sflag:s21] =	ssyncset.done $0x0  }
0x64: {  	s28 =	sand.u32 $0x7C00, s25;
	[sflag:s21] =	ssyncadd.s32 $0xFFFFC000  }
0x65: {  	[spmem:s1] =	stream.indirect.scatter.add.f32 [tilespmem:s16], [sflag:$0x3], $0x80, s17, s18, $0xb8;
	[tilespmem:$0x1E1C0] =	vst v63  }
0x66: {  	s29 =	sand.u32 $0x300, s25;
	s26 =	sadd.s32 s3, s28;
	_ =	swait.ge [sflag:s12], $0x4000  }
0x67: {  	s25 =	sor.u32 s29, s26;
	[sflag:s12] =	ssyncset.done $0x0  }
0x68: {  	s30 =	sadd.s32 $0x80, s24;
	s31 =	sshrl.u32 s25, $0x3;
	[sflag:s12] =	ssyncadd.s32 $0xFFFFC000  }
0x69: {  	[tilespmem:s16], [sflag:$0x1] =	stream.indirect.gather [hbm4b:s4+s18], $0x80, s30, s18, $0xb8;
	[tilespmem:$0x1E1C0] =	vst v63  }
0x6a: {  	s24 =	sadd.s32 s5, s31  }
0x6b: {  	[tilespmem:s17], [sflag:$0x3] =	stream.linear.gather [hbm4b:s24+s2], $0x80, $0x38;
	[tilespmem:$0x1E1C0] =	vst v63  }
0x6c: {  	_ =	swait.ge [sflag:s12], $0x80  }
0x6d: {  	[sflag:s12] =	ssyncset.done $0x0  }
0x6e: {  	[sflag:s12] =	ssyncadd.s32 $0xFFFFFF80  }
0x6f: {  	_ =	swait.ge [sflag:s22], $0x4000  }
0x70: {  	[sflag:s22] =	ssyncset.done $0x0  }
0x71: {  	[sflag:s22] =	ssyncadd.s32 $0xFFFFC000  }
0x72: {  	[spmem:s1] =	stream.indirect.scatter.add.f32 [tilespmem:s19], [sflag:$0x3], $0x80, s20, s18, $0xb8;
	[tilespmem:$0x1E1C0] =	vst v63  }
0x73: {  	_ =	swait.ge [sflag:s12], $0x4000  }
0x74: {  	[sflag:s12] =	ssyncset.done $0x0  }
0x75: {  	[sflag:s12] =	ssyncadd.s32 $0xFFFFC000  }
0x76: {  	_ =	swait.ge [sflag:s21], $0x4000  }
0x77: {  	[sflag:s21] =	ssyncset.done $0x0  }
0x78: {  	[sflag:s21] =	ssyncadd.s32 $0xFFFFC000  }
0x79: {  	[spmem:s1] =	stream.indirect.scatter.add.f32 [tilespmem:s16], [sflag:$0x3], $0x80, s17, s18, $0xb8;
	[tilespmem:$0x1E1C0] =	vst v63  }
0x7a: {  	_ =	swait.ge [sflag:s12], $0x4000  }
0x7b: {  	[sflag:s12] =	ssyncset.done $0x0  }
0x7c: {  	[sflag:s12] =	ssyncadd.s32 $0xFFFFC000  }
0x7d: {  	[bflag:$0x0] =	sbarrier.arrive $0xFFFF  }
0x7e: {  	[hbm:s9], [sflag:s13] =	dma.local [spmem:s14], $0x2700  }
0x7f: {  	s23 =	sadd.s32 $0x1, s23;
	_ =	swait.ge [sflag:s12], $0x2700  }
0x80: {  	p1 =	sne.s32 s23, s11;
	[sflag:s12] =	ssyncset.done $0x0  }
.Ltmp1:
0x81: {  	s24 =	simm.s32 @!p0 $0x3;
	[sflag:s12] =	ssyncadd.s32 $0xFFFFD900;
	(pc) =	sbr.rel @p1 .LBB2_1-.Ltmp1, $4  }
0x82: {  	[hbm:s10], [sflag:s13] =	dma.local @!p0 [spmem:s15], $0x100  }
0x83: {  	_ =	swait.ge @!p0 [sflag:s24], $0x100  }
0x84: {  	[sflag:s24] =	ssyncset.done @!p0 $0x0  }
0x85: {  	[sflag:s24] =	ssyncadd.s32 @!p0 $0xFFFFFF00  }
0x86: {  	_ =	sfence.sel $0x180000  }
0x87: {  	[bflag:$0x0] =	sbarrier.arrive $0xFFFF  }
0x88: {  	_ =	strace $0x9000004A  }
0x89: {  	s0 =	sadd.s32 @!p0 $0x100000, s0;
	[bflag:$0x2] =	sbarrier.arrive $0xFFFF  }
0x8a: {  	[sflag:s0] =	ssyncadd.tile.s32 @!p0 $0x1;
	_ =	shalt  }
.Lfunc_end2:
_tile_overlayer_lowered:
.L_overlay_start_2:
0x8b: {  	(tag) =	ssettag $0x2  }
0x8c: {  	s0 =	rddreg [dreg:$0x0];
	s2 =	stileid.u32  }
0x8d: {  	s1 =	rddreg [dreg:$0x1];
	p0 =	sne.s32 s2, $0x0  }
0x8e: {  	s3 =	rddreg [dreg:$0x2];
	[bflag:$0x3] =	sbarrier.arrive $0xFFFF;
	s2 =	simm.s32 @!p0 $0x1C03  }
0x8f: {  	[timem:s3], [sflag:s2] =	dma.local @!p0 [hbm:s0], s1  }
0x90: {  	s0 =	simm.s32 @!p0 $0x3  }
0x91: {  	_ =	swait.ge @!p0 [sflag:s0], s1  }
0x92: {  	s1 =	ssub.s32 @!p0 $0x0, s1;
	[sflag:s0] =	ssyncset.done @!p0 $0x0  }
0x93: {  	[sflag:s0] =	ssyncadd.s32 @!p0 s1  }
0x94: {  	[bflag:$0x3] =	sbarrier.arrive $0xFFFF  }
0x95: {  	_ =	shalt  }

// kernel: kernel.14.cloned.1.call-start
scs
__scs_entry_jumppad:
0x0: {  	(pc) =	sbr.rel $0x88, $3  }
0x1: {  	(tag) =	ssettag $0x0;
	lr =	simm.s32 $0x1  }
0x2: {  	[smem:$0x3F8F] =	sst lr;
	_ =	strace $0xD0000000  }
0x3: {  	_ = 	snop  }
0x4: {  	_ = 	snop  }
0x5: {  	_ = 	snop  }
0x6: {  	_ = 	snop  }
0x7: {  	_ = 	snop  }
__scs_overlays_trampoline_lowered:
0x8: {  	[smem:$0x3F9E] =	sst s0  }
0x9: {  	[smem:$0x3F9F] =	sst s1  }
0xa: {  	[smem:$0x3FA0] =	sst s2  }
0xb: {  	[smem:$0x3FA1] =	sst s3  }
0xc: {  	[smem:$0x3FA2] =	sst s4  }
0xd: {  	[smem:$0x3FA3] =	sst s5  }
0xe: {  	[smem:$0x3FA4] =	sst s6  }
0xf: {  	[smem:$0x3FA5] =	sst s7  }
0x10: {  	[smem:$0x3FA6] =	sst s8  }
0x11: {  	[smem:$0x3FA7] =	sst s9;
	s0 =	simm.s32 @!p0 $0x0  }
0x12: {  	s1 =	sld [smem:$0x3F8D];
	s0 =	simm.s32 @p0 $0x1  }
0x13: {  	[smem:$0x3FA8] =	sst s0;
	s0 =	simm.s32 @!p1 $0x0  }
0x14: {  	s2 =	sld [smem:$0x3F8C];
	s0 =	simm.s32 @p1 $0x1  }
0x15: {  	[smem:$0x3FA9] =	sst s0;
	s0 =	simm.s32 @!p2 $0x0  }
0x16: {  	s3 =	sld [smem:$0x3FDB];
	s0 =	simm.s32 @p2 $0x1  }
0x17: {  	s4 =	simm.s32 $0x1BF5;
	[smem:$0x3FAB] =	sst s0  }
0x18: {  	s0 =	sld [smem:$0x3F8E];
	_ =	swait.ge [sflag:s4], $0x0  }
0x19: {  	s7 =	sld [smem:$0x3F8F]  }
0x1a: {  	s8 =	sadd.s32 $0xFFFFE003, lr  }
0x1b: {  	s9 =	sadd.s32 $0xFFFFFEF7, lr;
	s5 =	simm.s32 $0xFFFFFFFF;
	p2 =	slt.u32 s8, $0xFFFFF086  }
0x1c: {  	p1 =	slt.u32 s9, $0xF7A;
	s5 =	simm.s32 @!p2 $0x0  }
0x1d: {  	s5 =	simm.s32 @p1 $0x1;
	p0 =	seq.s32 s7, s2  }
0x1e: {  	s7 =	smul.u32 @!p0 $0xF7A, s2;
	p2 =	seq.s32 @!p0 s5, $0x0  }
0x1f: {  	s9 =	smul.u32 $0xF7A, s1;
	s8 =	simm.s32 @!p0 $0x1BF5;
	p2 =	por !p2, p0  }
0x20: {  	[sflag:s8] =	ssyncset.s32 @!p0 $0xFFFFF086;
	s6 =	sadd.s32 @!p0 s3, s7;
	s7 =	simm.s32 @!p0 $0x108  }
0x21: {  	s3 =	sadd.s32 s3, s9;
	s6 =	sadd.s32 @!p0 $0x88, s6;
	s7 =	simm.s32 @p2 $0x1082  }
0x22: {  	[simem:s7], [sflag:s8] =	dma.local @!p0 [hbm:s6], $0xF7A  }
0x23: {  	s9 =	sor.u32 $0xD0000000, s2;
	s6 =	simm.s32 $0x108;
	_ =	swait.ge @!p0 [sflag:s8], $0x0  }
0x24: {  	s3 =	sadd.s32 $0x88, s3;
	s6 =	simm.s32 @!p1 $0x1082;
	[sflag:s4] =	ssyncset.s32 $0xFFFFF086  }
0x25: {  	[simem:s6], [sflag:s4] =	dma.local [hbm:s3], $0xF7A  }
0x26: {  	[smem:$0x3F8F] =	sst s1;
	(tag) =	ssettag s2;
	_ =	strace s9  }
0x27: {  	s1 =	sld [smem:$0x3F9F]  }
0x28: {  	s2 =	sld [smem:$0x3FA0]  }
0x29: {  	s4 =	sld [smem:$0x3FA2]  }
0x2a: {  	p0 =	seq.s32 s5, $0x0;
	s5 =	sld [smem:$0x3FA3]  }
0x2b: {  	s6 =	sld [smem:$0x3FA4]  }
0x2c: {  	s7 =	sld [smem:$0x3FA5]  }
0x2d: {  	s3 =	simm.s32 $0x108;
	s8 =	sld [smem:$0x3FA6]  }
0x2e: {  	s3 =	simm.s32 @!p0 $0x1082;
	s9 =	sld [smem:$0x3FA7]  }
0x2f: {  	lr =	sadd.s32 s0, s3;
	s0 =	sld [smem:$0x3F9E]  }
0x30: {  	s3 =	sld [smem:$0x3FA1]  }
0x31: {  	[smem:$0x3FAA] =	sst s10  }
0x32: {  	s10 =	sld [smem:$0x3FA8];
	_ =	sdelay $0x3  }
0x33: {  	p0 =	seq.s32 s10, $0x1;
	s10 =	sld [smem:$0x3FAA];
	_ =	sdelay $0x3  }
0x34: {  	[smem:$0x3FAA] =	sst s10  }
0x35: {  	s10 =	sld [smem:$0x3FA9];
	_ =	sdelay $0x3  }
0x36: {  	p1 =	seq.s32 s10, $0x1;
	s10 =	sld [smem:$0x3FAA];
	_ =	sdelay $0x3  }
0x37: {  	[smem:$0x3FAA] =	sst s10  }
0x38: {  	s10 =	sld [smem:$0x3FAB]  }
0x39: {  	_ = 	snop;
	(pc) =	sbr.ind lr, $3  }
0x3a: {  	_ = 	snop  }
0x3b: {  	_ = 	snop  }
0x3c: {  	p2 =	seq.s32 s10, $0x1;
	s10 =	sld [smem:$0x3FAA]  }
0x3d: {  	_ =	shalt  }
0x3e: {  	_ =	shalt  }
0x3f: {  	_ =	shalt  }
0x40: {  	_ =	shalt  }
0x41: {  	_ =	shalt  }
0x42: {  	_ =	shalt  }
0x43: {  	_ =	shalt  }
0x44: {  	_ =	shalt  }
0x45: {  	_ =	shalt  }
0x46: {  	_ =	shalt  }
0x47: {  	_ =	shalt  }
0x48: {  	_ =	shalt  }
0x49: {  	_ =	shalt  }
0x4a: {  	_ =	shalt  }
0x4b: {  	_ =	shalt  }
0x4c: {  	_ =	shalt  }
0x4d: {  	_ =	shalt  }
0x4e: {  	_ =	shalt  }
0x4f: {  	_ =	shalt  }
0x50: {  	_ =	shalt  }
0x51: {  	_ =	shalt  }
0x52: {  	_ =	shalt  }
0x53: {  	_ =	shalt  }
0x54: {  	_ =	shalt  }
0x55: {  	_ =	shalt  }
0x56: {  	_ =	shalt  }
0x57: {  	_ =	shalt  }
0x58: {  	_ =	shalt  }
0x59: {  	_ =	shalt  }
0x5a: {  	_ =	shalt  }
0x5b: {  	_ =	shalt  }
0x5c: {  	_ =	shalt  }
0x5d: {  	_ =	shalt  }
0x5e: {  	_ =	shalt  }
0x5f: {  	_ =	shalt  }
0x60: {  	_ =	shalt  }
0x61: {  	_ =	shalt  }
0x62: {  	_ =	shalt  }
0x63: {  	_ =	shalt  }
0x64: {  	_ =	shalt  }
0x65: {  	_ =	shalt  }
0x66: {  	_ =	shalt  }
0x67: {  	_ =	shalt  }
0x68: {  	_ =	shalt  }
0x69: {  	_ =	shalt  }
0x6a: {  	_ =	shalt  }
0x6b: {  	_ =	shalt  }
0x6c: {  	_ =	shalt  }
0x6d: {  	_ =	shalt  }
0x6e: {  	_ =	shalt  }
0x6f: {  	_ =	shalt  }
0x70: {  	_ =	shalt  }
0x71: {  	_ =	shalt  }
0x72: {  	_ =	shalt  }
0x73: {  	_ =	shalt  }
0x74: {  	_ =	shalt  }
0x75: {  	_ =	shalt  }
0x76: {  	_ =	shalt  }
0x77: {  	_ =	shalt  }
0x78: {  	_ =	shalt  }
0x79: {  	_ =	shalt  }
0x7a: {  	_ =	shalt  }
0x7b: {  	_ =	shalt  }
0x7c: {  	_ =	shalt  }
0x7d: {  	_ =	shalt  }
0x7e: {  	_ =	shalt  }
0x7f: {  	_ =	shalt  }
0x80: {  	_ =	shalt  }
0x81: {  	_ =	shalt  }
0x82: {  	_ =	shalt  }
0x83: {  	_ =	shalt  }
0x84: {  	_ =	shalt  }
0x85: {  	_ =	shalt  }
0x86: {  	_ =	shalt  }
0x87: {  	_ =	shalt  }
.Lfunc_end0:
.L_simem_size_0:
called_computation.2_lowered:
.L_overlay_start_0:
0x88: {  	s2 =	sld [smem:$0x3FD9]  }
0x89: {  	s3 =	sld [smem:$0x3FFE];
	_ =	sdelay $0x1  }
0x8a: {  	s1 =	srdreg.scid  }
0x8b: {  	s0 =	sand.u32 $0x1, s1  }
0x8c: {  	s16 =	sshll.u32 s0, $0xA;
	s2 =	sadd.s32 s3, s2  }
0x8d: {  	s2 =	sadd.s32 s2, s16  }
0x8e: {  	[smem:$0x3FB6] =	sst s2  }
0x8f: {  	_ = 	snop  }
0x90: {  	(tm) =	ssettm $0x1  }
0x91: {  	s17 =	sld [smem:$0x3FFB];
	_ =	sdelay $0x3  }
0x92: {  	_ =	strace s17  }
0x93: {  	s2 =	sld [smem:$0x3FFC];
	_ =	sdelay $0x3  }
0x94: {  	_ =	strace s2  }
0x95: {  	s2 =	sld [smem:$0x3FFD];
	_ =	sdelay $0x3  }
0x96: {  	_ =	strace s2  }
0x97: {  	_ =	strace $0x8FFFFFFF  }
0x98: {  	s18 =	sld [smem:$0x3FDB];
	_ =	sdelay $0x1  }
0x99: {  	s19 =	simm.s32 $_scs_section_size  }
0x9a: {  	s4 =	simm.s32 $_size__tile_overlayer_lowered;
	s5 =	simm.s32 $_tile_overlayer_lowered  }
0x9b: {  	s22 =	simm.s32 $0x1BFF;
	s21 =	sshll.u32 s5, $0x1;
	s2 =	sadd.s32 s19, s18  }
0x9c: {  	s6 =	simm.s32 $0x0;
	s20 =	sshll.u32 s4, $0x1;
	s4 =	sadd.s32 s21, s2  }
0x9d: {  	[timem:s6], [sflag:s22] =	dma.local [hbm:s4], s20  }
0x9e: {  	_ =	swait.ge [sflag:s22], s20  }
0x9f: {  	s3 =	ssub.s32 $0x0, s20;
	[sflag:s22] =	ssyncset.done $0x0  }
0xa0: {  	[sflag:s22] =	ssyncadd.s32 s3;
	_ =	sdelay $0x1  }
0xa1: {  	s23 =	simm.s32 $0x1B8B  }
0xa2: {  	_ =	swait.ge [sflag:s23], $0x1  }
0xa3: {  	[sflag:s23] =	ssyncset.done $0x0  }
0xa4: {  	s25 =	simm.s32 $0x1B8E;
	s24 =	sld [smem:$0x3FFE];
	[sflag:s23] =	ssyncadd.s32 $0xFFFFFFFF  }
0xa5: {  	s26 =	simm.s32 $execute0_lowered;
	[smem:$0x3FD2] =	sst s25  }
0xa6: {  	s4 =	sshll.u32 s26, $0x1;
	_ =	strace $0x8000004C;
	[dreg:$0x1] =	wrdreg $0xFFFFFFFF  }
0xa7: {  	s28 =	simm.s32 $_size_execute0_lowered;
	s2 =	sadd.s32 s2, s4;
	[dreg:$0x0] =	wrdreg $0x0  }
0xa8: {  	s4 =	sshll.u32 s28, $0x1;
	[dreg:$0x2] =	wrdreg s2  }
0xa9: {  	[dreg:$0x3] =	wrdreg s4  }
0xaa: {  	[dreg:$0x4] =	wrdreg $0xC0  }
0xab: {  	_ =	task [dreg:s6], $0x5FFFF  }
0xac: {  	[dreg:$0x1] =	wrdreg $0xFFFFFFFF  }
0xad: {  	[dreg:$0x0] =	wrdreg $0x60  }
0xae: {  	[dreg:$0x2] =	wrdreg s24  }
0xaf: {  	[dreg:$0x3] =	wrdreg $0xA9000  }
0xb0: {  	[dreg:$0x4] =	wrdreg $0x9  }
0xb1: {  	_ =	task.clear_ibuf [dreg:s6], $0x5FFFF;
	_ =	strace $0x9000004C  }
0xb2: {  	s29 =	simm.s32 $0x9;
	_ =	strace $0x8000004E  }
0xb3: {  	_ =	swait.ge [sflag:s29], $0x1  }
0xb4: {  	[sflag:s29] =	ssyncadd.s32 $0xFFFFFFFF  }
0xb5: {  	_ =	strace $0x9000004E  }
0xb6: {  	_ =	sfence  }
0xb7: {  	s30 =	sld [smem:$0x0];
	_ =	sdelay $0x2  }
0xb8: {  	s31 =	sshll.u32 s1, $0xD;
	s1 =	sshrl.u32 s1, $0x2  }
0xb9: {  	s3 =	sand.u32 $0x4000, s31;
	s1 =	sadd.s32 s1, s30  }
0xba: {  	s0 =	sor.u32 s3, s0;
	s1 =	sshll.u32 s1, $0x11  }
0xbb: {  	s0 =	sor.u32 s1, s0  }
0xbc: {  	s0 =	sadd.s32 $0x8F2B, s0  }
0xbd: {  	[sflag:s0] =	ssyncadd.remote.s32 $0x1  }
0xbe: {  	_ =	sfence.sel $0xFFFF  }
0xbf: {  	[dreg:$0x0] =	wrdreg $0xFFFFFFFF;
	(pc) =	sbr.abs _section_cstart, $3  }
0xc0: {  	[dreg:$0x1] =	wrdreg $0xFFFFFFFF  }
0xc1: {  	_ =	task.clear_ibuf [dreg:s6], $0x2FFFF;
	_ =	strace $0x9FFFFFFF  }
0xc2: {  	(tm) =	ssettm $0x7FFFFFFF  }
0xc3: {  	_ =	shalt  }
tec
execute0_lowered:
.L_overlay_start_1:
0x0: {  	(tag) =	ssettag $0x1  }
0x1: {  	s0 =	srdreg.scid;
	s7 =	rddreg [dreg:$0x0]  }
0x2: {  	s12 =	stileid.u32;
	s1 =	rddreg [dreg:$0x1];
	s2 =	simm.s32 $0x0  }
0x3: {  	s17 =	simm.s32 $0x2800;
	s18 =	simm.s32 $0x80;
	s19 =	simm.s32 $0x6900  }
0x4: {  	s20 =	simm.s32 $0x2880;
	s21 =	simm.s32 $0x1;
	s22 =	simm.s32 $0x2  }
0x5: {  	s23 =	simm.s32 $0x0;
	s8 =	sand.u32 $0x1, s0;
	s0 =	rddreg [dreg:$0x2]  }
0x6: {  	s25 =	sshll.u32 s12, $0x1;
	[smem:$0x7FF] =	sst s2;
	s4 =	sadd.s32 $0xF800, s7  }
0x7: {  	s5 =	sadd.s32 $0x5800, s7;
	s11 =	smul.u32 $0x4E000, s12;
	s6 =	sadd.s32 $0x9F000, s7  }
0x8: {  	s14 =	sadd.s32 $0xA1800, s7;
	s15 =	smul.u32 $0x13800, s12;
	p0 =	sne.s32 s12, $0x0  }
0x9: {  	s31 =	sshll.u32 s12, $0x6;
	s12 =	simm.s32 $0x3;
	s3 =	sor.u32 s8, s25  }
0xa: {  	_ =	strace $0x8000004D;
	s13 =	ssub.s32 $0x2, s8;
	s8 =	smul.u32 $0x138800, s8  }
0xb: {  	s3 =	smul.u32 $0x2800, s3;
	s26 =	sshrl.u32 s13, $0x1;
	s28 =	sshrl.u32 s11, $0x2  }
0xc: {  	s13 =	ssub.s32 s13, s26;
	s16 =	sadd.s32 s28, s1;
	s29 =	sadd.s32 s15, s8  }
0xd: {  	s8 =	sshrl.u32 s8, $0x3;
	s15 =	sadd.s32 $0x138000, s1;
	s9 =	sshrl.u32 s3, $0x3  }
0xe: {  	s30 =	sadd.s32 s14, s8;
	s11 =	smax.u32 s13, $0x1;
	s10 =	sadd.s32 s9, s7  }
0xf: {  	s13 =	sor.u32 $0x1C03, s31;
	s7 =	sadd.s32 $0xEFA00, s10;
	s10 =	sshrl.u32 s29, $0x3  }
0x10: {  	s15 =	sshrl.u32 @!p0 s15, $0x3;
	s8 =	sadd.s32 s5, s9;
	s9 =	sadd.s32 s14, s10  }
0x11: {  	s10 =	sadd.s32 $0x27000, s30;
	s14 =	sshrl.u32 s16, $0x3;
	s16 =	simm.s32 $0x2900  }
.LBB2_1:
0x12: {  	[tilespmem:s2], [sflag:$0x3] =	stream.linear.gather [hbm4b:s7+s2], $0x2780, $0x38;
	[tilespmem:$0x1E1C0] =	vst v63  }
0x13: {  	_ =	swait.ge [sflag:s12], $0x2780  }
0x14: {  	[sflag:s12] =	ssyncset.done $0x0  }
0x15: {  	[sflag:s12] =	ssyncadd.s32 $0xFFFFD880  }
0x16: {  	[spmem:s14], [sflag:s13] =	dma.local [hbm:s6], $0x2700  }
0x17: {  	_ =	swait.ge [sflag:s12], $0x2700  }
0x18: {  	[sflag:s12] =	ssyncset.done $0x0  }
0x19: {  	s24 =	simm.s32 @!p0 $0x3;
	[sflag:s12] =	ssyncadd.s32 $0xFFFFD900  }
0x1a: {  	[spmem:s15], [sflag:s13] =	dma.local @!p0 [hbm:s6], $0x100  }
0x1b: {  	_ =	swait.ge @!p0 [sflag:s24], $0x100  }
0x1c: {  	[sflag:s24] =	ssyncset.done @!p0 $0x0  }
0x1d: {  	[sflag:s24] =	ssyncadd.s32 @!p0 $0xFFFFFF00  }
0x1e: {  	s26 =	simm.s32 $0x0;
	[bflag:$0x0] =	sbarrier.arrive $0xFFFF  }
0x1f: {  	[tilespmem:s16], [sflag:$0x1] =	stream.indirect.gather [hbm4b:s4+s18], $0x80, s2, s18, $0xb8;
	[tilespmem:$0x1E1C0] =	vst v63  }
0x20: {  	s25 =	simm.s32 $0x80;
	s24 =	sand.u32 $0x3C00, s26  }
0x21: {  	[tilespmem:s17], [sflag:$0x3] =	stream.linear.gather [hbm4b:s8+s2], $0x80, $0x38;
	[tilespmem:$0x1E1C0] =	vst v63  }
0x22: {  	s25 =	sand.u32 $0x380, s25;
	s24 =	sadd.s32 s3, s24;
	_ =	swait.ge [sflag:s12], $0x80  }
0x23: {  	s24 =	sor.u32 s24, s25;
	[sflag:s12] =	ssyncset.done $0x0  }
0x24: {  	s24 =	sshrl.u32 s24, $0x3;
	[sflag:s12] =	ssyncadd.s32 $0xFFFFFF80  }
0x25: {  	[tilespmem:s19], [sflag:$0x2] =	stream.indirect.gather [hbm4b:s4+s18], $0x80, s18, s18, $0xb8;
	[tilespmem:$0x1E1C0] =	vst v63  }
0x26: {  	s24 =	sadd.s32 s5, s24  }
0x27: {  	[tilespmem:s20], [sflag:$0x3] =	stream.linear.gather [hbm4b:s24+s2], $0x80, $0x38;
	[tilespmem:$0x1E1C0] =	vst v63  }
0x28: {  	_ =	swait.ge [sflag:s12], $0x80  }
0x29: {  	[sflag:s12] =	ssyncset.done $0x0  }
0x2a: {  	[sflag:s12] =	ssyncadd.s32 $0xFFFFFF80  }
0x2b: {  	_ =	swait.ge [sflag:s21], $0x4000  }
0x2c: {  	s31 =	simm.s32 $0x100;
	[sflag:s21] =	ssyncset.done $0x0  }
0x2d: {  	s26 =	sand.u32 $0x7C00, s31;
	[sflag:s21] =	ssyncadd.s32 $0xFFFFC000  }
0x2e: {  	[spmem:s1] =	stream.indirect.scatter.add.f32 [tilespmem:s16], [sflag:$0x3], $0x80, s17, s18, $0xb8;
	[tilespmem:$0x1E1C0] =	vst v63  }
0x2f: {  	s25 =	sadd.s32 s3, s26;
	s24 =	sand.u32 $0x300, s31;
	_ =	swait.ge [sflag:s12], $0x4000  }
0x30: {  	s24 =	sor.u32 s24, s25;
	[sflag:s12] =	ssyncset.done $0x0  }
0x31: {  	s26 =	simm.s32 $0x100;
	s24 =	sshrl.u32 s24, $0x3;
	[sflag:s12] =	ssyncadd.s32 $0xFFFFC000  }
0x32: {  	[tilespmem:s16], [sflag:$0x1] =	stream.indirect.gather [hbm4b:s4+s18], $0x80, s26, s18, $0xb8;
	[tilespmem:$0x1E1C0] =	vst v63  }
0x33: {  	s24 =	sadd.s32 s5, s24  }
0x34: {  	[tilespmem:s17], [sflag:$0x3] =	stream.linear.gather [hbm4b:s24+s2], $0x80, $0x38;
	[tilespmem:$0x1E1C0] =	vst v63  }
0x35: {  	_ =	swait.ge [sflag:s12], $0x80  }
0x36: {  	s28 =	simm.s32 $0x300;
	s30 =	simm.s32 $0x180;
	[sflag:s12] =	ssyncset.done $0x0  }
0x37: {  	s31 =	simm.s32 $0x100;
	s25 =	simm.s32 $0x200;
	[sflag:s12] =	ssyncadd.s32 $0xFFFFFF80  }
0x38: {  	s29 =	sand.u32 $0x3C00, s31;
	s24 =	simm.s32 $0x180;
	_ =	swait.ge [sflag:s22], $0x4000  }
.LBB2_2:
0x39: {  	s29 =	sadd.s32 s3, s29  }
0x3a: {  	s30 =	sand.u32 $0x380, s30;
	[sflag:s22] =	ssyncset.done $0x0;
	s31 =	smov.u32 s28  }
0x3b: {  	s26 =	sadd.s32 $0x100, s28;
	s29 =	sor.u32 s29, s30;
	[sflag:s22] =	ssyncadd.s32 $0xFFFFC000  }
0x3c: {  	[spmem:s1] =	stream.indirect.scatter.add.f32 [tilespmem:s19], [sflag:$0x3], $0x80, s20, s18, $0xb8;
	[tilespmem:$0x1E1C0] =	vst v63  }
0x3d: {  	p1 =	sne.s32 s28, $0x2700;
	s28 =	sshrl.u32 s29, $0x3;
	_ =	swait.ge [sflag:s12], $0x4000  }
0x3e: {  	[sflag:s12] =	ssyncset.done $0x0  }
0x3f: {  	[sflag:s12] =	ssyncadd.s32 $0xFFFFC000  }
0x40: {  	[tilespmem:s19], [sflag:$0x2] =	stream.indirect.gather [hbm4b:s4+s18], $0x80, s24, s18, $0xb8;
	[tilespmem:$0x1E1C0] =	vst v63  }
0x41: {  	s28 =	sadd.s32 s5, s28  }
0x42: {  	[tilespmem:s20], [sflag:$0x3] =	stream.linear.gather [hbm4b:s28+s2], $0x80, $0x38;
	[tilespmem:$0x1E1C0] =	vst v63  }
0x43: {  	_ =	swait.ge [sflag:s12], $0x80  }
0x44: {  	[sflag:s12] =	ssyncset.done $0x0  }
0x45: {  	[sflag:s12] =	ssyncadd.s32 $0xFFFFFF80  }
0x46: {  	_ =	swait.ge [sflag:s21], $0x4000  }
0x47: {  	[sflag:s21] =	ssyncset.done $0x0  }
0x48: {  	[sflag:s21] =	ssyncadd.s32 $0xFFFFC000  }
0x49: {  	[spmem:s1] =	stream.indirect.scatter.add.f32 [tilespmem:s16], [sflag:$0x3], $0x80, s17, s18, $0xb8;
	[tilespmem:$0x1E1C0] =	vst v63  }
0x4a: {  	s28 =	sand.u32 $0x7C00, s25;
	_ =	swait.ge [sflag:s12], $0x4000  }
0x4b: {  	s25 =	sand.u32 $0x300, s25;
	s28 =	sadd.s32 s3, s28;
	[sflag:s12] =	ssyncset.done $0x0  }
0x4c: {  	s29 =	sadd.s32 $0x80, s24;
	s25 =	sor.u32 s25, s28;
	[sflag:s12] =	ssyncadd.s32 $0xFFFFC000  }
0x4d: {  	[tilespmem:s16], [sflag:$0x1] =	stream.indirect.gather [hbm4b:s4+s18], $0x80, s29, s18, $0xb8;
	[tilespmem:$0x1E1C0] =	vst v63  }
0x4e: {  	s28 =	sshrl.u32 s25, $0x3;
	s25 =	smov.u32 s31  }
0x4f: {  	s28 =	sadd.s32 s5, s28  }
0x50: {  	[tilespmem:s17], [sflag:$0x3] =	stream.linear.gather [hbm4b:s28+s2], $0x80, $0x38;
	[tilespmem:$0x1E1C0] =	vst v63  }
.Ltmp0:
0x51: {  	_ = 	snop;
	(pc) =	sbr.rel @p1 .LBB2_2-.Ltmp0, $4  }
0x52: {  	_ =	swait.ge [sflag:s12], $0x80  }
0x53: {  	s24 =	sadd.s32 $0x100, s24;
	[sflag:s12] =	ssyncset.done $0x0  }
0x54: {  	s30 =	sadd.s32 $0xFFFFFF80, s25;
	s28 =	sadd.s32 $0xFFFFFF00, s25;
	[sflag:s12] =	ssyncadd.s32 $0xFFFFFF80  }
0x55: {  	s29 =	sand.u32 $0x3C00, s28;
	s28 =	smov.u32 s26;
	_ =	swait.ge [sflag:s22], $0x4000  }
0x56: {  	[sflag:s22] =	ssyncset.done $0x0  }
0x57: {  	[sflag:s22] =	ssyncadd.s32 $0xFFFFC000  }
0x58: {  	[spmem:s1] =	stream.indirect.scatter.add.f32 [tilespmem:s19], [sflag:$0x3], $0x80, s20, s18, $0xb8;
	[tilespmem:$0x1E1C0] =	vst v63  }
0x59: {  	s26 =	sadd.s32 s3, s29;
	s28 =	sand.u32 $0x380, s30;
	_ =	swait.ge [sflag:s12], $0x4000  }
0x5a: {  	s26 =	sor.u32 s26, s28;
	[sflag:s12] =	ssyncset.done $0x0  }
0x5b: {  	s26 =	sshrl.u32 s26, $0x3;
	[sflag:s12] =	ssyncadd.s32 $0xFFFFC000  }
0x5c: {  	[tilespmem:s19], [sflag:$0x2] =	stream.indirect.gather [hbm4b:s4+s18], $0x80, s24, s18, $0xb8;
	[tilespmem:$0x1E1C0] =	vst v63  }
0x5d: {  	s26 =	sadd.s32 s5, s26  }
0x5e: {  	[tilespmem:s20], [sflag:$0x3] =	stream.linear.gather [hbm4b:s26+s2], $0x80, $0x38;
	[tilespmem:$0x1E1C0] =	vst v63  }
0x5f: {  	_ =	swait.ge [sflag:s12], $0x80  }
0x60: {  	[sflag:s12] =	ssyncset.done $0x0  }
0x61: {  	[sflag:s12] =	ssyncadd.s32 $0xFFFFFF80  }
0x62: {  	_ =	swait.ge [sflag:s21], $0x4000  }
0x63: {  	[sflag:s21] =	ssyncset.done $0x0  }
0x64: {  	s28 =	sand.u32 $0x7C00, s25;
	[sflag:s21] =	ssyncadd.s32 $0xFFFFC000  }
0x65: {  	[spmem:s1] =	stream.indirect.scatter.add.f32 [tilespmem:s16], [sflag:$0x3], $0x80, s17, s18, $0xb8;
	[tilespmem:$0x1E1C0] =	vst v63  }
0x66: {  	s29 =	sand.u32 $0x300, s25;
	s26 =	sadd.s32 s3, s28;
	_ =	swait.ge [sflag:s12], $0x4000  }
0x67: {  	s25 =	sor.u32 s29, s26;
	[sflag:s12] =	ssyncset.done $0x0  }
0x68: {  	s30 =	sadd.s32 $0x80, s24;
	s31 =	sshrl.u32 s25, $0x3;
	[sflag:s12] =	ssyncadd.s32 $0xFFFFC000  }
0x69: {  	[tilespmem:s16], [sflag:$0x1] =	stream.indirect.gather [hbm4b:s4+s18], $0x80, s30, s18, $0xb8;
	[tilespmem:$0x1E1C0] =	vst v63  }
0x6a: {  	s24 =	sadd.s32 s5, s31  }
0x6b: {  	[tilespmem:s17], [sflag:$0x3] =	stream.linear.gather [hbm4b:s24+s2], $0x80, $0x38;
	[tilespmem:$0x1E1C0] =	vst v63  }
0x6c: {  	_ =	swait.ge [sflag:s12], $0x80  }
0x6d: {  	[sflag:s12] =	ssyncset.done $0x0  }
0x6e: {  	[sflag:s12] =	ssyncadd.s32 $0xFFFFFF80  }
0x6f: {  	_ =	swait.ge [sflag:s22], $0x4000  }
0x70: {  	[sflag:s22] =	ssyncset.done $0x0  }
0x71: {  	[sflag:s22] =	ssyncadd.s32 $0xFFFFC000  }
0x72: {  	[spmem:s1] =	stream.indirect.scatter.add.f32 [tilespmem:s19], [sflag:$0x3], $0x80, s20, s18, $0xb8;
	[tilespmem:$0x1E1C0] =	vst v63  }
0x73: {  	_ =	swait.ge [sflag:s12], $0x4000  }
0x74: {  	[sflag:s12] =	ssyncset.done $0x0  }
0x75: {  	[sflag:s12] =	ssyncadd.s32 $0xFFFFC000  }
0x76: {  	_ =	swait.ge [sflag:s21], $0x4000  }
0x77: {  	[sflag:s21] =	ssyncset.done $0x0  }
0x78: {  	[sflag:s21] =	ssyncadd.s32 $0xFFFFC000  }
0x79: {  	[spmem:s1] =	stream.indirect.scatter.add.f32 [tilespmem:s16], [sflag:$0x3], $0x80, s17, s18, $0xb8;
	[tilespmem:$0x1E1C0] =	vst v63  }
0x7a: {  	_ =	swait.ge [sflag:s12], $0x4000  }
0x7b: {  	[sflag:s12] =	ssyncset.done $0x0  }
0x7c: {  	[sflag:s12] =	ssyncadd.s32 $0xFFFFC000  }
0x7d: {  	[bflag:$0x0] =	sbarrier.arrive $0xFFFF  }
0x7e: {  	[hbm:s9], [sflag:s13] =	dma.local [spmem:s14], $0x2700  }
0x7f: {  	s23 =	sadd.s32 $0x1, s23;
	_ =	swait.ge [sflag:s12], $0x2700  }
0x80: {  	p1 =	sne.s32 s23, s11;
	[sflag:s12] =	ssyncset.done $0x0  }
.Ltmp1:
0x81: {  	s24 =	simm.s32 @!p0 $0x3;
	[sflag:s12] =	ssyncadd.s32 $0xFFFFD900;
	(pc) =	sbr.rel @p1 .LBB2_1-.Ltmp1, $4  }
0x82: {  	[hbm:s10], [sflag:s13] =	dma.local @!p0 [spmem:s15], $0x100  }
0x83: {  	_ =	swait.ge @!p0 [sflag:s24], $0x100  }
0x84: {  	[sflag:s24] =	ssyncset.done @!p0 $0x0  }
0x85: {  	[sflag:s24] =	ssyncadd.s32 @!p0 $0xFFFFFF00  }
0x86: {  	_ =	sfence.sel $0x180000  }
0x87: {  	[bflag:$0x0] =	sbarrier.arrive $0xFFFF  }
0x88: {  	_ =	strace $0x9000004D  }
0x89: {  	s0 =	sadd.s32 @!p0 $0x100000, s0;
	[bflag:$0x2] =	sbarrier.arrive $0xFFFF  }
0x8a: {  	[sflag:s0] =	ssyncadd.tile.s32 @!p0 $0x1;
	_ =	shalt  }
.Lfunc_end2:
_tile_overlayer_lowered:
.L_overlay_start_2:
0x8b: {  	(tag) =	ssettag $0x2  }
0x8c: {  	s0 =	rddreg [dreg:$0x0];
	s2 =	stileid.u32  }
0x8d: {  	s1 =	rddreg [dreg:$0x1];
	p0 =	sne.s32 s2, $0x0  }
0x8e: {  	s3 =	rddreg [dreg:$0x2];
	[bflag:$0x3] =	sbarrier.arrive $0xFFFF;
	s2 =	simm.s32 @!p0 $0x1C03  }
0x8f: {  	[timem:s3], [sflag:s2] =	dma.local @!p0 [hbm:s0], s1  }
0x90: {  	s0 =	simm.s32 @!p0 $0x3  }
0x91: {  	_ =	swait.ge @!p0 [sflag:s0], s1  }
0x92: {  	s1 =	ssub.s32 @!p0 $0x0, s1;
	[sflag:s0] =	ssyncset.done @!p0 $0x0  }
0x93: {  	[sflag:s0] =	ssyncadd.s32 @!p0 s1  }
0x94: {  	[bflag:$0x3] =	sbarrier.arrive $0xFFFF  }
0x95: {  	_ =	shalt  }

// kernel: kernel.8.cloned.1.call-start
scs
__scs_entry_jumppad:
0x0: {  	(pc) =	sbr.rel $0x88, $3  }
0x1: {  	(tag) =	ssettag $0x0;
	lr =	simm.s32 $0x1  }
0x2: {  	[smem:$0x3F8F] =	sst lr;
	_ =	strace $0xD0000000  }
0x3: {  	_ = 	snop  }
0x4: {  	_ = 	snop  }
0x5: {  	_ = 	snop  }
0x6: {  	_ = 	snop  }
0x7: {  	_ = 	snop  }
__scs_overlays_trampoline_lowered:
0x8: {  	[smem:$0x3F9E] =	sst s0  }
0x9: {  	[smem:$0x3F9F] =	sst s1  }
0xa: {  	[smem:$0x3FA0] =	sst s2  }
0xb: {  	[smem:$0x3FA1] =	sst s3  }
0xc: {  	[smem:$0x3FA2] =	sst s4  }
0xd: {  	[smem:$0x3FA3] =	sst s5  }
0xe: {  	[smem:$0x3FA4] =	sst s6  }
0xf: {  	[smem:$0x3FA5] =	sst s7  }
0x10: {  	[smem:$0x3FA6] =	sst s8  }
0x11: {  	[smem:$0x3FA7] =	sst s9;
	s0 =	simm.s32 @!p0 $0x0  }
0x12: {  	s1 =	sld [smem:$0x3F8D];
	s0 =	simm.s32 @p0 $0x1  }
0x13: {  	[smem:$0x3FA8] =	sst s0;
	s0 =	simm.s32 @!p1 $0x0  }
0x14: {  	s2 =	sld [smem:$0x3F8C];
	s0 =	simm.s32 @p1 $0x1  }
0x15: {  	[smem:$0x3FA9] =	sst s0;
	s0 =	simm.s32 @!p2 $0x0  }
0x16: {  	s3 =	sld [smem:$0x3FDB];
	s0 =	simm.s32 @p2 $0x1  }
0x17: {  	s4 =	simm.s32 $0x1BF5;
	[smem:$0x3FAB] =	sst s0  }
0x18: {  	s0 =	sld [smem:$0x3F8E];
	_ =	swait.ge [sflag:s4], $0x0  }
0x19: {  	s7 =	sld [smem:$0x3F8F]  }
0x1a: {  	s8 =	sadd.s32 $0xFFFFE003, lr  }
0x1b: {  	s9 =	sadd.s32 $0xFFFFFEF7, lr;
	s5 =	simm.s32 $0xFFFFFFFF;
	p2 =	slt.u32 s8, $0xFFFFF086  }
0x1c: {  	p1 =	slt.u32 s9, $0xF7A;
	s5 =	simm.s32 @!p2 $0x0  }
0x1d: {  	s5 =	simm.s32 @p1 $0x1;
	p0 =	seq.s32 s7, s2  }
0x1e: {  	s7 =	smul.u32 @!p0 $0xF7A, s2;
	p2 =	seq.s32 @!p0 s5, $0x0  }
0x1f: {  	s9 =	smul.u32 $0xF7A, s1;
	s8 =	simm.s32 @!p0 $0x1BF5;
	p2 =	por !p2, p0  }
0x20: {  	[sflag:s8] =	ssyncset.s32 @!p0 $0xFFFFF086;
	s6 =	sadd.s32 @!p0 s3, s7;
	s7 =	simm.s32 @!p0 $0x108  }
0x21: {  	s3 =	sadd.s32 s3, s9;
	s6 =	sadd.s32 @!p0 $0x88, s6;
	s7 =	simm.s32 @p2 $0x1082  }
0x22: {  	[simem:s7], [sflag:s8] =	dma.local @!p0 [hbm:s6], $0xF7A  }
0x23: {  	s9 =	sor.u32 $0xD0000000, s2;
	s6 =	simm.s32 $0x108;
	_ =	swait.ge @!p0 [sflag:s8], $0x0  }
0x24: {  	s3 =	sadd.s32 $0x88, s3;
	s6 =	simm.s32 @!p1 $0x1082;
	[sflag:s4] =	ssyncset.s32 $0xFFFFF086  }
0x25: {  	[simem:s6], [sflag:s4] =	dma.local [hbm:s3], $0xF7A  }
0x26: {  	[smem:$0x3F8F] =	sst s1;
	(tag) =	ssettag s2;
	_ =	strace s9  }
0x27: {  	s1 =	sld [smem:$0x3F9F]  }
0x28: {  	s2 =	sld [smem:$0x3FA0]  }
0x29: {  	s4 =	sld [smem:$0x3FA2]  }
0x2a: {  	p0 =	seq.s32 s5, $0x0;
	s5 =	sld [smem:$0x3FA3]  }
0x2b: {  	s6 =	sld [smem:$0x3FA4]  }
0x2c: {  	s7 =	sld [smem:$0x3FA5]  }
0x2d: {  	s3 =	simm.s32 $0x108;
	s8 =	sld [smem:$0x3FA6]  }
0x2e: {  	s3 =	simm.s32 @!p0 $0x1082;
	s9 =	sld [smem:$0x3FA7]  }
0x2f: {  	lr =	sadd.s32 s0, s3;
	s0 =	sld [smem:$0x3F9E]  }
0x30: {  	s3 =	sld [smem:$0x3FA1]  }
0x31: {  	[smem:$0x3FAA] =	sst s10  }
0x32: {  	s10 =	sld [smem:$0x3FA8];
	_ =	sdelay $0x3  }
0x33: {  	p0 =	seq.s32 s10, $0x1;
	s10 =	sld [smem:$0x3FAA];
	_ =	sdelay $0x3  }
0x34: {  	[smem:$0x3FAA] =	sst s10  }
0x35: {  	s10 =	sld [smem:$0x3FA9];
	_ =	sdelay $0x3  }
0x36: {  	p1 =	seq.s32 s10, $0x1;
	s10 =	sld [smem:$0x3FAA];
	_ =	sdelay $0x3  }
0x37: {  	[smem:$0x3FAA] =	sst s10  }
0x38: {  	s10 =	sld [smem:$0x3FAB]  }
0x39: {  	_ = 	snop;
	(pc) =	sbr.ind lr, $3  }
0x3a: {  	_ = 	snop  }
0x3b: {  	_ = 	snop  }
0x3c: {  	p2 =	seq.s32 s10, $0x1;
	s10 =	sld [smem:$0x3FAA]  }
0x3d: {  	_ =	shalt  }
0x3e: {  	_ =	shalt  }
0x3f: {  	_ =	shalt  }
0x40: {  	_ =	shalt  }
0x41: {  	_ =	shalt  }
0x42: {  	_ =	shalt  }
0x43: {  	_ =	shalt  }
0x44: {  	_ =	shalt  }
0x45: {  	_ =	shalt  }
0x46: {  	_ =	shalt  }
0x47: {  	_ =	shalt  }
0x48: {  	_ =	shalt  }
0x49: {  	_ =	shalt  }
0x4a: {  	_ =	shalt  }
0x4b: {  	_ =	shalt  }
0x4c: {  	_ =	shalt  }
0x4d: {  	_ =	shalt  }
0x4e: {  	_ =	shalt  }
0x4f: {  	_ =	shalt  }
0x50: {  	_ =	shalt  }
0x51: {  	_ =	shalt  }
0x52: {  	_ =	shalt  }
0x53: {  	_ =	shalt  }
0x54: {  	_ =	shalt  }
0x55: {  	_ =	shalt  }
0x56: {  	_ =	shalt  }
0x57: {  	_ =	shalt  }
0x58: {  	_ =	shalt  }
0x59: {  	_ =	shalt  }
0x5a: {  	_ =	shalt  }
0x5b: {  	_ =	shalt  }
0x5c: {  	_ =	shalt  }
0x5d: {  	_ =	shalt  }
0x5e: {  	_ =	shalt  }
0x5f: {  	_ =	shalt  }
0x60: {  	_ =	shalt  }
0x61: {  	_ =	shalt  }
0x62: {  	_ =	shalt  }
0x63: {  	_ =	shalt  }
0x64: {  	_ =	shalt  }
0x65: {  	_ =	shalt  }
0x66: {  	_ =	shalt  }
0x67: {  	_ =	shalt  }
0x68: {  	_ =	shalt  }
0x69: {  	_ =	shalt  }
0x6a: {  	_ =	shalt  }
0x6b: {  	_ =	shalt  }
0x6c: {  	_ =	shalt  }
0x6d: {  	_ =	shalt  }
0x6e: {  	_ =	shalt  }
0x6f: {  	_ =	shalt  }
0x70: {  	_ =	shalt  }
0x71: {  	_ =	shalt  }
0x72: {  	_ =	shalt  }
0x73: {  	_ =	shalt  }
0x74: {  	_ =	shalt  }
0x75: {  	_ =	shalt  }
0x76: {  	_ =	shalt  }
0x77: {  	_ =	shalt  }
0x78: {  	_ =	shalt  }
0x79: {  	_ =	shalt  }
0x7a: {  	_ =	shalt  }
0x7b: {  	_ =	shalt  }
0x7c: {  	_ =	shalt  }
0x7d: {  	_ =	shalt  }
0x7e: {  	_ =	shalt  }
0x7f: {  	_ =	shalt  }
0x80: {  	_ =	shalt  }
0x81: {  	_ =	shalt  }
0x82: {  	_ =	shalt  }
0x83: {  	_ =	shalt  }
0x84: {  	_ =	shalt  }
0x85: {  	_ =	shalt  }
0x86: {  	_ =	shalt  }
0x87: {  	_ =	shalt  }
.Lfunc_end0:
.L_simem_size_0:
called_computation_lowered:
.L_overlay_start_0:
0x88: {  	s2 =	sld [smem:$0x3FD9]  }
0x89: {  	s3 =	sld [smem:$0x3FFE];
	_ =	sdelay $0x1  }
0x8a: {  	s1 =	srdreg.scid  }
0x8b: {  	s0 =	sand.u32 $0x1, s1  }
0x8c: {  	s17 =	sshll.u32 s0, $0xA;
	s2 =	sadd.s32 s3, s2  }
0x8d: {  	s2 =	sadd.s32 s2, s17  }
0x8e: {  	[smem:$0x3FB6] =	sst s2  }
0x8f: {  	_ = 	snop  }
0x90: {  	s2 =	sld [smem:$0x3FC4]  }
0x91: {  	s18 =	sld [smem:$0x3FD0];
	(tm) =	ssettm $0x1  }
0x92: {  	s4 =	sld [smem:$0x3FFB];
	_ =	sdelay $0x3  }
0x93: {  	_ =	strace s4  }
0x94: {  	s4 =	sld [smem:$0x3FFC];
	_ =	sdelay $0x3  }
0x95: {  	_ =	strace s4  }
0x96: {  	s4 =	sld [smem:$0x3FFD];
	_ =	sdelay $0x3  }
0x97: {  	_ =	strace s4  }
0x98: {  	_ =	strace $0x8FFFFFFF  }
0x99: {  	s19 =	sld [smem:$0x3FDB];
	_ =	sdelay $0x1  }
0x9a: {  	s5 =	simm.s32 $_scs_section_size  }
0x9b: {  	s6 =	simm.s32 $_size__tile_overlayer_lowered;
	s7 =	simm.s32 $_tile_overlayer_lowered  }
0x9c: {  	s22 =	simm.s32 $0x1BFF;
	s21 =	sshll.u32 s7, $0x1;
	s4 =	sadd.s32 s5, s19  }
0x9d: {  	s8 =	simm.s32 $0x0;
	s20 =	sshll.u32 s6, $0x1;
	s6 =	sadd.s32 s21, s4  }
0x9e: {  	[timem:s8], [sflag:s22] =	dma.local [hbm:s6], s20  }
0x9f: {  	_ =	swait.ge [sflag:s22], s20  }
0xa0: {  	s5 =	ssub.s32 $0x0, s20;
	[sflag:s22] =	ssyncset.done $0x0  }
0xa1: {  	[sflag:s22] =	ssyncadd.s32 s5;
	_ =	sdelay $0x1  }
0xa2: {  	s23 =	simm.s32 $0x1B8B  }
0xa3: {  	_ =	swait.ge [sflag:s23], $0x1  }
0xa4: {  	[sflag:s23] =	ssyncset.done $0x0  }
0xa5: {  	s25 =	simm.s32 $0x1B8E;
	s24 =	sld [smem:$0x3FFE];
	[sflag:s23] =	ssyncadd.s32 $0xFFFFFFFF  }
0xa6: {  	s26 =	simm.s32 $execute0_lowered;
	[smem:$0x3FD2] =	sst s25  }
0xa7: {  	s6 =	sshll.u32 s26, $0x1;
	_ =	strace $0x80000046;
	[dreg:$0x1] =	wrdreg $0xFFFFFFFF  }
0xa8: {  	s28 =	simm.s32 $_size_execute0_lowered;
	s4 =	sadd.s32 s4, s6;
	[dreg:$0x0] =	wrdreg $0x0  }
0xa9: {  	s6 =	sshll.u32 s28, $0x1;
	[dreg:$0x2] =	wrdreg s4  }
0xaa: {  	[dreg:$0x3] =	wrdreg s6  }
0xab: {  	[dreg:$0x4] =	wrdreg $0xC0  }
0xac: {  	_ =	task [dreg:s8], $0x5FFFF  }
0xad: {  	[dreg:$0x1] =	wrdreg $0xFFFFFFFF  }
0xae: {  	[dreg:$0x0] =	wrdreg $0x60  }
0xaf: {  	[dreg:$0x2] =	wrdreg s24  }
0xb0: {  	[dreg:$0x3] =	wrdreg s18  }
0xb1: {  	[dreg:$0x4] =	wrdreg s2  }
0xb2: {  	[dreg:$0x5] =	wrdreg $0xF1000  }
0xb3: {  	[dreg:$0x6] =	wrdreg $0xF3800  }
0xb4: {  	[dreg:$0x7] =	wrdreg $0xF6000  }
0xb5: {  	[dreg:$0x8] =	wrdreg $0xF8800  }
0xb6: {  	[dreg:$0x9] =	wrdreg $0xFB000  }
0xb7: {  	[dreg:$0xa] =	wrdreg $0xFD800  }
0xb8: {  	[dreg:$0xb] =	wrdreg $0x100000  }
0xb9: {  	[dreg:$0xc] =	wrdreg $0x9  }
0xba: {  	_ =	task.clear_ibuf [dreg:s8], $0xDFFFF;
	_ =	strace $0x90000046  }
0xbb: {  	s29 =	simm.s32 $0x9;
	_ =	strace $0x80000048  }
0xbc: {  	_ =	swait.ge [sflag:s29], $0x1  }
0xbd: {  	[sflag:s29] =	ssyncadd.s32 $0xFFFFFFFF  }
0xbe: {  	_ =	strace $0x90000048  }
0xbf: {  	_ =	sfence  }
0xc0: {  	s30 =	sld [smem:$0x0];
	_ =	sdelay $0x2  }
0xc1: {  	s31 =	sshll.u32 s1, $0xD;
	s1 =	sshrl.u32 s1, $0x2  }
0xc2: {  	s3 =	sand.u32 $0x4000, s31;
	s1 =	sadd.s32 s1, s30  }
0xc3: {  	s0 =	sor.u32 s3, s0;
	s1 =	sshll.u32 s1, $0x11  }
0xc4: {  	s0 =	sor.u32 s1, s0  }
0xc5: {  	s0 =	sadd.s32 $0x8F2B, s0  }
0xc6: {  	[sflag:s0] =	ssyncadd.remote.s32 $0x1  }
0xc7: {  	_ =	sfence.sel $0xFFFF  }
0xc8: {  	[dreg:$0x0] =	wrdreg $0xFFFFFFFF;
	(pc) =	sbr.abs _section_cstart, $3  }
0xc9: {  	[dreg:$0x1] =	wrdreg $0xFFFFFFFF  }
0xca: {  	_ =	task.clear_ibuf [dreg:s8], $0x2FFFF;
	_ =	strace $0x9FFFFFFF  }
0xcb: {  	(tm) =	ssettm $0x7FFFFFFF  }
tec
execute0_lowered:
.L_overlay_start_1:
0x0: {  	(tag) =	ssettag $0x1  }
0x1: {  	s0 =	rddreg [dreg:$0x0]  }
0x2: {  	s3 =	rddreg [dreg:$0x2]  }
0x3: {  	s1 =	rddreg [dreg:$0x3]  }
0x4: {  	s2 =	rddreg [dreg:$0x4]  }
0x5: {  	s4 =	rddreg [dreg:$0x5]  }
0x6: {  	s5 =	rddreg [dreg:$0x6]  }
0x7: {  	s6 =	rddreg [dreg:$0x7];
	s7 =	srdreg.scid  }
0x8: {  	s22 =	stileid.u32;
	s8 =	rddreg [dreg:$0x8]  }
0x9: {  	s23 =	rddreg [dreg:$0x9];
	s10 =	simm.s32 $0x0;
	s7 =	sand.u32 $0x1, s7  }
0xa: {  	s9 =	sshll.u32 s22, $0x1;
	[smem:$0x7FF] =	sst s10;
	s14 =	sadd.s32 $0x42600, s0  }
0xb: {  	s16 =	sadd.s32 $0x42C00, s0;
	s17 =	sadd.s32 $0x43200, s0;
	s18 =	sadd.s32 $0x43800, s0  }
0xc: {  	s19 =	sadd.s32 $0x43E00, s0;
	s21 =	sadd.s32 $0x44400, s0;
	s9 =	sor.u32 s7, s9  }
0xd: {  	_ =	strace $0x80000047;
	s15 =	ssub.s32 $0x2, s7;
	s11 =	smul.u32 $0x500, s9  }
0xe: {  	p0 =	seq.s32 s7, $0x1;
	s7 =	sadd.s32 $0x45000, s0;
	s12 =	smul.u32 $0x1400, s9  }
0xf: {  	s20 =	sshrl.u32 s15, $0x1;
	s9 =	sshll.u32 s9, $0x1;
	s14 =	smov.u32 @p0 s21  }
0x10: {  	s21 =	sadd.s32 $0x46200, s0;
	s17 =	smov.u32 @p0 s7;
	s7 =	sadd.s32 $0x46800, s0  }
0x11: {  	s20 =	ssub.s32 s15, s20;
	s15 =	sadd.s32 $0x44A00, s0;
	s3 =	sadd.s32 s3, s9  }
0x12: {  	s9 =	sadd.s32 $0x45C00, s0;
	s21 =	smov.u32 @p0 s7;
	s7 =	simm.s32 $0x1  }
0x13: {  	s13 =	sadd.s32 s11, s0;
	s12 =	sadd.s32 s12, s0;
	s11 =	sadd.s32 $0x41800, s0  }
0x14: {  	[dreg:$0xb] =	wrdreg s3;
	s3 =	sadd.s32 $0x45600, s0;
	s16 =	smov.u32 @p0 s15  }
0x15: {  	s19 =	smov.u32 @p0 s9;
	s9 =	smul.u32 $0x280, s22;
	s25 =	sadd.s32 $0x5800, s13  }
0x16: {  	s31 =	smax.u32 s20, $0x1;
	s26 =	sadd.s32 $0xF800, s13;
	[dreg:$0xc] =	wrdreg s25  }
0x17: {  	s18 =	smov.u32 @p0 s3;
	[dreg:$0xd] =	wrdreg s26;
	s22 =	sadd.s32 s9, s1  }
0x18: {  	s3 =	sadd.s32 $0x41A00, s0;
	s24 =	sadd.s32 s9, s2;
	[dreg:$0x15] =	wrdreg s22  }
0x19: {  	s0 =	sadd.s32 $0x42000, s0;
	s25 =	sadd.s32 s9, s4;
	[dreg:$0x16] =	wrdreg s24  }
0x1a: {  	s13 =	sshrl.u32 s9, $0x3;
	s26 =	sadd.s32 s9, s5;
	[dreg:$0x17] =	wrdreg s25  }
0x1b: {  	s15 =	sadd.s32 $0x19800, s12;
	s14 =	sadd.s32 s14, s13;
	[dreg:$0x18] =	wrdreg s26  }
0x1c: {  	s12 =	simm.s32 $0x0;
	s16 =	sadd.s32 s16, s13;
	[dreg:$0xe] =	wrdreg s14  }
0x1d: {  	s3 =	smov.u32 @p0 s0;
	s17 =	sadd.s32 s17, s13;
	[dreg:$0xf] =	wrdreg s16  }
0x1e: {  	s28 =	sadd.s32 s9, s6;
	s18 =	sadd.s32 s18, s13;
	[dreg:$0x10] =	wrdreg s17  }
0x1f: {  	s29 =	sadd.s32 s9, s8;
	s19 =	sadd.s32 s19, s13;
	[dreg:$0x11] =	wrdreg s18  }
0x20: {  	s30 =	sadd.s32 s9, s23;
	s21 =	sadd.s32 s21, s13;
	[dreg:$0x12] =	wrdreg s19  }
0x21: {  	s9 =	simm.s32 $0x80;
	s0 =	sadd.s32 s3, s13;
	[dreg:$0x13] =	wrdreg s21  }
0x22: {  	s3 =	simm.s32 $0xF080;
	[dreg:$0x14] =	wrdreg s0;
	s0 =	simm.s32 $0xF000  }
.LBB2_1:
0x23: {  	s13 =	rddreg [dreg:$0xc]  }
0x24: {  	[tilespmem:s10], [sflag:$0x1] =	stream.linear.gather [hbm4b:s13+s10], $0x2780, $0x38;
	[tilespmem:$0x10280] =	vst v63  }
0x25: {  	_ =	swait.ge [sflag:s7], $0x2780  }
0x26: {  	[sflag:s7] =	ssyncset.done $0x0  }
0x27: {  	s14 =	simm.s32 $0x2800;
	s26 =	rddreg [dreg:$0xd];
	[sflag:s7] =	ssyncadd.s32 $0xFFFFD880  }
0x28: {  	[tilespmem:s14], [sflag:$0x1] =	stream.linear.gather [hbm4b:s26+s10], $0x2780, $0x38;
	[tilespmem:$0x10280] =	vst v63  }
0x29: {  	_ =	swait.ge [sflag:s7], $0x2780  }
0x2a: {  	[sflag:s7] =	ssyncset.done $0x0  }
0x2b: {  	s14 =	simm.s32 $0x5000;
	[sflag:s7] =	ssyncadd.s32 $0xFFFFD880  }
0x2c: {  	[tilespmem:s14], [sflag:$0x1] =	stream.linear.gather [hbm4b:s15+s10], $0x2780, $0x38;
	[tilespmem:$0x10280] =	vst v63  }
0x2d: {  	s16 =	sadd.s32 $0x500, s15;
	s17 =	simm.s32 $0x7800  }
0x2e: {  	[tilespmem:s17], [sflag:$0x1] =	stream.linear.gather [hbm4b:s16+s10], $0x2780, $0x38;
	[tilespmem:$0x10280] =	vst v63  }
0x2f: {  	s18 =	sadd.s32 $0xA00, s15;
	s19 =	simm.s32 $0xA000  }
0x30: {  	[tilespmem:s19], [sflag:$0x1] =	stream.linear.gather [hbm4b:s18+s10], $0x2780, $0x38;
	[tilespmem:$0x10280] =	vst v63  }
0x31: {  	s20 =	sadd.s32 $0xF00, s15;
	s21 =	simm.s32 $0xC800  }
0x32: {  	[tilespmem:s21], [sflag:$0x1] =	stream.linear.gather [hbm4b:s20+s10], $0x2780, $0x38;
	[tilespmem:$0x10280] =	vst v63  }
0x33: {  	_ =	swait.ge [sflag:s7], $0x9E00  }
0x34: {  	[sflag:s7] =	ssyncset.done $0x0  }
0x35: {  	[sflag:s7] =	ssyncadd.s32 $0xFFFF6200  }
0x36: {  	s22 =	rddreg [dreg:$0x1]  }
0x37: {  	[tilespmem:s3], [sflag:$0x1] =	stream.linear.gather [hbm4b:s22+s10], $0x80, $0x38;
	[tilespmem:$0x10280] =	vst v63  }
0x38: {  	_ =	swait.ge [sflag:s7], $0x80  }
0x39: {  	[sflag:s7] =	ssyncset.done $0x0  }
0x3a: {  	s23 =	rddreg [dreg:$0xb];
	[sflag:s7] =	ssyncadd.s32 $0xFFFFFF80  }
0x3b: {  	[tilespmem:s0], [sflag:$0x1] =	stream.linear.gather [hbm4b:s23+s10], $0x10, $0x38;
	[tilespmem:$0x10280] =	vst v63  }
0x3c: {  	s24 =	stileid.u32;
	_ =	swait.ge [sflag:s7], $0x10  }
0x3d: {  	s13 =	sshll.u32 s24, $0x6;
	[sflag:s7] =	ssyncset.done $0x0;
	s25 =	rddreg [dreg:$0x15]  }
0x3e: {  	s13 =	sor.u32 $0x1C01, s13;
	[sflag:s7] =	ssyncadd.s32 $0xFFFFFFF0;
	s14 =	sshrl.u32 s25, $0x3  }
0x3f: {  	[spmem:s14], [sflag:s13] =	dma.local [hbm:s11], $0x50  }
0x40: {  	_ =	swait.ge [sflag:s7], $0x50  }
0x41: {  	[sflag:s7] =	ssyncset.done $0x0;
	s16 =	rddreg [dreg:$0x16]  }
0x42: {  	[sflag:s7] =	ssyncadd.s32 $0xFFFFFFB0;
	s16 =	sshrl.u32 s16, $0x3  }
0x43: {  	[spmem:s16], [sflag:s13] =	dma.local [hbm:s11], $0x50  }
0x44: {  	_ =	swait.ge [sflag:s7], $0x50  }
0x45: {  	[sflag:s7] =	ssyncset.done $0x0;
	s17 =	rddreg [dreg:$0x17]  }
0x46: {  	[sflag:s7] =	ssyncadd.s32 $0xFFFFFFB0;
	s17 =	sshrl.u32 s17, $0x3  }
0x47: {  	[spmem:s17], [sflag:s13] =	dma.local [hbm:s11], $0x50  }
0x48: {  	_ =	swait.ge [sflag:s7], $0x50  }
0x49: {  	[sflag:s7] =	ssyncset.done $0x0;
	s18 =	rddreg [dreg:$0x18]  }
0x4a: {  	[sflag:s7] =	ssyncadd.s32 $0xFFFFFFB0;
	s18 =	sshrl.u32 s18, $0x3  }
0x4b: {  	[spmem:s18], [sflag:s13] =	dma.local [hbm:s11], $0x50  }
0x4c: {  	_ =	swait.ge [sflag:s7], $0x50  }
0x4d: {  	[sflag:s7] =	ssyncset.done $0x0  }
0x4e: {  	s19 =	sshrl.u32 s28, $0x3;
	[sflag:s7] =	ssyncadd.s32 $0xFFFFFFB0  }
0x4f: {  	[spmem:s19], [sflag:s13] =	dma.local [hbm:s11], $0x50  }
0x50: {  	_ =	swait.ge [sflag:s7], $0x50  }
0x51: {  	[sflag:s7] =	ssyncset.done $0x0  }
0x52: {  	s20 =	sshrl.u32 s29, $0x3;
	[sflag:s7] =	ssyncadd.s32 $0xFFFFFFB0  }
0x53: {  	[spmem:s20], [sflag:s13] =	dma.local [hbm:s11], $0x50  }
0x54: {  	_ =	swait.ge [sflag:s7], $0x50  }
0x55: {  	[sflag:s7] =	ssyncset.done $0x0  }
0x56: {  	s21 =	sshrl.u32 s30, $0x3;
	[sflag:s7] =	ssyncadd.s32 $0xFFFFFFB0  }
0x57: {  	[spmem:s21], [sflag:s13] =	dma.local [hbm:s11], $0x50  }
0x58: {  	_ =	swait.ge [sflag:s7], $0x50  }
0x59: {  	[sflag:s7] =	ssyncset.done $0x0  }
0x5a: {  	[sflag:s7] =	ssyncadd.s32 $0xFFFFFFB0  }
0x5b: {  	s22 =	simm.s32 $0x5000;
	s23 =	simm.s32 $0x2800;
	[bflag:$0x0] =	sbarrier.arrive $0xFFFF  }
0x5c: {  	[spmem:s1] =	stream.indirect.scatter.add.f32 [tilespmem:s22], [sflag:$0x1], $0x1, s23, s9, $0xb8;
	[tilespmem:$0x10280] =	vst v63  }
0x5d: {  	_ =	swait.ge [sflag:s7], $0x80  }
0x5e: {  	[sflag:s7] =	ssyncset.done $0x0  }
0x5f: {  	s26 =	simm.s32 $0x7800;
	[sflag:s7] =	ssyncadd.s32 $0xFFFFFF80  }
0x60: {  	[spmem:s2] =	stream.indirect.scatter.add.f32 [tilespmem:s26], [sflag:$0x1], $0x1, s23, s9, $0xb8;
	[tilespmem:$0x10280] =	vst v63  }
0x61: {  	_ =	swait.ge [sflag:s7], $0x80  }
0x62: {  	[sflag:s7] =	ssyncset.done $0x0  }
0x63: {  	s24 =	simm.s32 $0xA000;
	[sflag:s7] =	ssyncadd.s32 $0xFFFFFF80  }
0x64: {  	[spmem:s4] =	stream.indirect.scatter.add.f32 [tilespmem:s24], [sflag:$0x1], $0x1, s23, s9, $0xb8;
	[tilespmem:$0x10280] =	vst v63  }
0x65: {  	_ =	swait.ge [sflag:s7], $0x80  }
0x66: {  	[sflag:s7] =	ssyncset.done $0x0  }
0x67: {  	s25 =	simm.s32 $0xC800;
	[sflag:s7] =	ssyncadd.s32 $0xFFFFFF80  }
0x68: {  	[spmem:s5] =	stream.indirect.scatter.add.f32 [tilespmem:s25], [sflag:$0x1], $0x1, s23, s9, $0xb8;
	[tilespmem:$0x10280] =	vst v63  }
0x69: {  	_ =	swait.ge [sflag:s7], $0x80  }
0x6a: {  	[sflag:s7] =	ssyncset.done $0x0  }
0x6b: {  	[sflag:s7] =	ssyncadd.s32 $0xFFFFFF80  }
0x6c: {  	[spmem:s6] =	stream.indirect.scatter.add.f32 [tilespmem:s3], [sflag:$0x1], $0x1, s23, s9, $0xb8;
	[tilespmem:$0x10280] =	vst v63  }
0x6d: {  	_ =	swait.ge [sflag:s7], $0x80  }
0x6e: {  	[sflag:s7] =	ssyncset.done $0x0  }
0x6f: {  	s26 =	simm.s32 $0x0;
	[sflag:s7] =	ssyncadd.s32 $0xFFFFFF80  }
0x70: {  	[spmem:s8] =	stream.indirect.scatter.add.f32 [tilespmem:s3], [sflag:$0x1], $0x1, s26, s9, $0xb8;
	[tilespmem:$0x10280] =	vst v63  }
0x71: {  	_ =	swait.ge [sflag:s7], $0x80  }
0x72: {  	s22 =	simm.s32 $0x80;
	s23 =	simm.s32 $0x400;
	[sflag:s7] =	ssyncset.done $0x0  }
.LBB2_2:
0x73: {  	s24 =	sadd.s32 $0x5000, s22  }
0x74: {  	s25 =	sadd.s32 $0x2800, s22;
	[sflag:s7] =	ssyncadd.s32 $0xFFFFFF80;
	s26 =	smov.u32 s23  }
0x75: {  	[spmem:s1] =	stream.indirect.scatter.add.f32 [tilespmem:s24], [sflag:$0x1], $0x1, s25, s9, $0xb8;
	[tilespmem:$0x10280] =	vst v63  }
0x76: {  	p0 =	sne.s32 s23, $0x9C00;
	s23 =	sadd.s32 $0x200, s23;
	_ =	swait.ge [sflag:s7], $0x80  }
0x77: {  	[sflag:s7] =	ssyncset.done $0x0  }
0x78: {  	s24 =	sadd.s32 $0x7800, s22;
	[sflag:s7] =	ssyncadd.s32 $0xFFFFFF80  }
0x79: {  	[spmem:s2] =	stream.indirect.scatter.add.f32 [tilespmem:s24], [sflag:$0x1], $0x1, s25, s9, $0xb8;
	[tilespmem:$0x10280] =	vst v63  }
0x7a: {  	_ =	swait.ge [sflag:s7], $0x80  }
0x7b: {  	[sflag:s7] =	ssyncset.done $0x0  }
0x7c: {  	s24 =	sadd.s32 $0xA000, s22;
	[sflag:s7] =	ssyncadd.s32 $0xFFFFFF80  }
0x7d: {  	[spmem:s4] =	stream.indirect.scatter.add.f32 [tilespmem:s24], [sflag:$0x1], $0x1, s25, s9, $0xb8;
	[tilespmem:$0x10280] =	vst v63  }
0x7e: {  	_ =	swait.ge [sflag:s7], $0x80  }
0x7f: {  	[sflag:s7] =	ssyncset.done $0x0  }
0x80: {  	s24 =	sadd.s32 $0xC800, s22;
	[sflag:s7] =	ssyncadd.s32 $0xFFFFFF80  }
0x81: {  	[spmem:s5] =	stream.indirect.scatter.add.f32 [tilespmem:s24], [sflag:$0x1], $0x1, s25, s9, $0xb8;
	[tilespmem:$0x10280] =	vst v63  }
0x82: {  	_ =	swait.ge [sflag:s7], $0x80  }
0x83: {  	[sflag:s7] =	ssyncset.done $0x0  }
0x84: {  	[sflag:s7] =	ssyncadd.s32 $0xFFFFFF80  }
0x85: {  	[spmem:s6] =	stream.indirect.scatter.add.f32 [tilespmem:s3], [sflag:$0x1], $0x1, s25, s9, $0xb8;
	[tilespmem:$0x10280] =	vst v63  }
0x86: {  	_ =	swait.ge [sflag:s7], $0x80  }
.Ltmp0:
0x87: {  	[sflag:s7] =	ssyncset.done $0x0;
	(pc) =	sbr.rel @p0 .LBB2_2-.Ltmp0, $4  }
0x88: {  	[sflag:s7] =	ssyncadd.s32 $0xFFFFFF80  }
0x89: {  	[spmem:s8] =	stream.indirect.scatter.add.f32 [tilespmem:s3], [sflag:$0x1], $0x1, s22, s9, $0xb8;
	[tilespmem:$0x10280] =	vst v63  }
0x8a: {  	_ =	swait.ge [sflag:s7], $0x80  }
0x8b: {  	s22 =	sshra.s32 s26, $0x2;
	[sflag:s7] =	ssyncset.done $0x0  }
0x8c: {  	s23 =	sadd.s32 $0x5000, s22;
	s24 =	sadd.s32 $0x2800, s22;
	[sflag:s7] =	ssyncadd.s32 $0xFFFFFF80  }
0x8d: {  	[spmem:s1] =	stream.indirect.scatter.add.f32 [tilespmem:s23], [sflag:$0x1], $0x1, s24, s9, $0xb8;
	[tilespmem:$0x10280] =	vst v63  }
0x8e: {  	_ =	swait.ge [sflag:s7], $0x80  }
0x8f: {  	[sflag:s7] =	ssyncset.done $0x0  }
0x90: {  	s26 =	sadd.s32 $0x7800, s22;
	[sflag:s7] =	ssyncadd.s32 $0xFFFFFF80  }
0x91: {  	[spmem:s2] =	stream.indirect.scatter.add.f32 [tilespmem:s26], [sflag:$0x1], $0x1, s24, s9, $0xb8;
	[tilespmem:$0x10280] =	vst v63  }
0x92: {  	_ =	swait.ge [sflag:s7], $0x80  }
0x93: {  	[sflag:s7] =	ssyncset.done $0x0  }
0x94: {  	s25 =	sadd.s32 $0xA000, s22;
	[sflag:s7] =	ssyncadd.s32 $0xFFFFFF80  }
0x95: {  	[spmem:s4] =	stream.indirect.scatter.add.f32 [tilespmem:s25], [sflag:$0x1], $0x1, s24, s9, $0xb8;
	[tilespmem:$0x10280] =	vst v63  }
0x96: {  	_ =	swait.ge [sflag:s7], $0x80  }
0x97: {  	[sflag:s7] =	ssyncset.done $0x0  }
0x98: {  	s26 =	sadd.s32 $0xC800, s22;
	[sflag:s7] =	ssyncadd.s32 $0xFFFFFF80  }
0x99: {  	[spmem:s5] =	stream.indirect.scatter.add.f32 [tilespmem:s26], [sflag:$0x1], $0x1, s24, s9, $0xb8;
	[tilespmem:$0x10280] =	vst v63  }
0x9a: {  	_ =	swait.ge [sflag:s7], $0x80  }
0x9b: {  	[sflag:s7] =	ssyncset.done $0x0  }
0x9c: {  	[sflag:s7] =	ssyncadd.s32 $0xFFFFFF80  }
0x9d: {  	[spmem:s6] =	stream.indirect.scatter.add.f32 [tilespmem:s3], [sflag:$0x1], $0x1, s24, s9, $0xb8;
	[tilespmem:$0x10280] =	vst v63  }
0x9e: {  	_ =	swait.ge [sflag:s7], $0x80  }
0x9f: {  	[sflag:s7] =	ssyncset.done $0x0  }
0xa0: {  	[sflag:s7] =	ssyncadd.s32 $0xFFFFFF80  }
0xa1: {  	[spmem:s8] =	stream.indirect.scatter.add.f32 [tilespmem:s3], [sflag:$0x1], $0x1, s22, s9, $0xb8;
	[tilespmem:$0x10280] =	vst v63  }
0xa2: {  	_ =	swait.ge [sflag:s7], $0x80  }
0xa3: {  	[sflag:s7] =	ssyncset.done $0x0  }
0xa4: {  	[sflag:s7] =	ssyncadd.s32 $0xFFFFFF80  }
0xa5: {  	s24 =	simm.s32 $0x10;
	s23 =	rddreg [dreg:$0x9]  }
0xa6: {  	[spmem:s23] =	stream.indirect.scatter.add.f32 [tilespmem:s3], [sflag:$0x1], $0x1, s0, s24, $0xb8;
	[tilespmem:$0x10280] =	vst v63  }
0xa7: {  	_ =	swait.ge [sflag:s7], $0x10  }
0xa8: {  	[sflag:s7] =	ssyncset.done $0x0  }
0xa9: {  	[sflag:s7] =	ssyncadd.s32 $0xFFFFFFF0  }
0xaa: {  	[bflag:$0x0] =	sbarrier.arrive $0xFFFF  }
0xab: {  	s25 =	rddreg [dreg:$0xe]  }
0xac: {  	[hbm:s25], [sflag:s13] =	dma.local [spmem:s14], $0x50  }
0xad: {  	_ =	swait.ge [sflag:s7], $0x50  }
0xae: {  	[sflag:s7] =	ssyncset.done $0x0  }
0xaf: {  	s26 =	rddreg [dreg:$0xf];
	[sflag:s7] =	ssyncadd.s32 $0xFFFFFFB0  }
0xb0: {  	[hbm:s26], [sflag:s13] =	dma.local [spmem:s16], $0x50  }
0xb1: {  	_ =	swait.ge [sflag:s7], $0x50  }
0xb2: {  	[sflag:s7] =	ssyncset.done $0x0  }
0xb3: {  	s22 =	rddreg [dreg:$0x10];
	[sflag:s7] =	ssyncadd.s32 $0xFFFFFFB0  }
0xb4: {  	[hbm:s22], [sflag:s13] =	dma.local [spmem:s17], $0x50  }
0xb5: {  	_ =	swait.ge [sflag:s7], $0x50  }
0xb6: {  	[sflag:s7] =	ssyncset.done $0x0  }
0xb7: {  	s23 =	rddreg [dreg:$0x11];
	[sflag:s7] =	ssyncadd.s32 $0xFFFFFFB0  }
0xb8: {  	[hbm:s23], [sflag:s13] =	dma.local [spmem:s18], $0x50  }
0xb9: {  	_ =	swait.ge [sflag:s7], $0x50  }
0xba: {  	[sflag:s7] =	ssyncset.done $0x0  }
0xbb: {  	s24 =	rddreg [dreg:$0x12];
	[sflag:s7] =	ssyncadd.s32 $0xFFFFFFB0  }
0xbc: {  	[hbm:s24], [sflag:s13] =	dma.local [spmem:s19], $0x50  }
0xbd: {  	_ =	swait.ge [sflag:s7], $0x50  }
0xbe: {  	[sflag:s7] =	ssyncset.done $0x0  }
0xbf: {  	s25 =	rddreg [dreg:$0x13];
	[sflag:s7] =	ssyncadd.s32 $0xFFFFFFB0  }
0xc0: {  	[hbm:s25], [sflag:s13] =	dma.local [spmem:s20], $0x50  }
0xc1: {  	s12 =	sadd.s32 $0x1, s12;
	_ =	swait.ge [sflag:s7], $0x50  }
0xc2: {  	p0 =	sne.s32 s12, s31;
	[sflag:s7] =	ssyncset.done $0x0  }
.Ltmp1:
0xc3: {  	s26 =	rddreg [dreg:$0x14];
	[sflag:s7] =	ssyncadd.s32 $0xFFFFFFB0;
	(pc) =	sbr.rel @p0 .LBB2_1-.Ltmp1, $4  }
0xc4: {  	[hbm:s26], [sflag:s13] =	dma.local [spmem:s21], $0x50  }
0xc5: {  	_ =	swait.ge [sflag:s7], $0x50  }
0xc6: {  	[sflag:s7] =	ssyncset.done $0x0  }
0xc7: {  	[sflag:s7] =	ssyncadd.s32 $0xFFFFFFB0  }
0xc8: {  	_ =	sfence.sel $0x180000  }
0xc9: {  	[bflag:$0x0] =	sbarrier.arrive $0xFFFF  }
0xca: {  	_ =	strace $0x90000047  }
0xcb: {  	s0 =	stileid.u32;
	[bflag:$0x2] =	sbarrier.arrive $0xFFFF  }
0xcc: {  	p0 =	sne.s32 s0, $0x0;
	s0 =	rddreg [dreg:$0xa]  }
0xcd: {  	s0 =	sadd.s32 @!p0 $0x100000, s0  }
0xce: {  	[sflag:s0] =	ssyncadd.tile.s32 @!p0 $0x1;
	_ =	shalt  }
.Lfunc_end2:
_tile_overlayer_lowered:
.L_overlay_start_2:
0xcf: {  	(tag) =	ssettag $0x2  }
0xd0: {  	s0 =	rddreg [dreg:$0x0];
	s2 =	stileid.u32  }
0xd1: {  	s1 =	rddreg [dreg:$0x1];
	p0 =	sne.s32 s2, $0x0  }
0xd2: {  	s3 =	rddreg [dreg:$0x2];
	[bflag:$0x3] =	sbarrier.arrive $0xFFFF;
	s2 =	simm.s32 @!p0 $0x1C01  }
0xd3: {  	[timem:s3], [sflag:s2] =	dma.local @!p0 [hbm:s0], s1  }
0xd4: {  	s0 =	simm.s32 @!p0 $0x1  }
0xd5: {  	_ =	swait.ge @!p0 [sflag:s0], s1  }
0xd6: {  	s1 =	ssub.s32 @!p0 $0x0, s1;
	[sflag:s0] =	ssyncset.done @!p0 $0x0  }
0xd7: {  	[sflag:s0] =	ssyncadd.s32 @!p0 s1  }
0xd8: {  	[bflag:$0x3] =	sbarrier.arrive $0xFFFF  }
0xd9: {  	_ =	shalt  }

</sc_bundles>
